<compile_context>
chip_gen: v7x
topology: tpu7x:2x2x1
jax: 0.10.2.dev20260603
libtpu: 0.0.44.dev20260713+nightly
codegen_flags: <defaults>
</compile_context>

<pallas_src>
import functools

import jax
import jax.numpy as jnp
import numpy as np
from jax import lax
from jax.experimental import pallas as pl
from jax.experimental.pallas import tpu as pltpu
from jax.experimental.pallas import tpu_sc as plsc

FX = 518.8579
FY = 518.8579
H, W = 512, 512
B = 4
DELTA_COS = 0.867
DELTA_DIFF = 0.35
DELTA_Z = 0.05
DELTA_FAR_Z = 12.3

G = int(H * W * 0.2)
GP = 53248
ROWS = 416
LANES = 128
HB = 2
NWH = 16
CHUNK = HB * 3 * GP // NWH
INF_BITS = 0x7F800000


def _build_static():
    num = H * W
    rng = np.random.default_rng(42)
    p1 = rng.integers(0, num, size=G)
    p2 = rng.integers(0, num, size=G)
    p3 = rng.integers(0, num, size=G)
    pix = [p1.astype(np.int64), p2.astype(np.int64), p3.astype(np.int64)]
    idxs = []
    for h in range(2):
        core = np.zeros((HB, 3, GP), dtype=np.int64)
        pad = np.arange(GP - G, dtype=np.int64) * 64 % num
        for b in range(HB):
            for p in range(3):
                core[b, p, :G] = (h * HB + b) * num + pix[p]
                core[b, p, G:] = pad
        idxs.append(core.reshape(NWH, CHUNK).astype(np.int32))
    coef = np.zeros((8, GP), dtype=np.float32)
    for p in range(3):
        coef[p, :G] = (pix[p] % W).astype(np.float32) - float(W // 2)
        coef[3 + p, :G] = (pix[p] // W).astype(np.float32) - float(H // 2)
    return idxs[0], idxs[1], coef.reshape(8, ROWS, LANES)


_IDXA_NP, _IDXB_NP, _COEF_NP = _build_static()


def _sc_gather_body(pred_hbm, gt_hbm, idx_hbm, out_hbm, idx_v, val_v, sem):
    wid = lax.axis_index("s") * 2 + lax.axis_index("c")
    row = lax.rem(wid, NWH)
    pltpu.sync_copy(idx_hbm.at[row], idx_v)

    @pl.when(wid < NWH)
    def _():
        pltpu.async_copy(pred_hbm.at[idx_v], val_v, sem).wait()

    @pl.when(wid >= NWH)
    def _():
        pltpu.async_copy(gt_hbm.at[idx_v], val_v, sem).wait()

    pltpu.sync_copy(val_v, out_hbm.at[wid])


def _sc_gather(pred, gt, idx):
    mesh = plsc.VectorSubcoreMesh(core_axis_name="c", subcore_axis_name="s")
    kern = functools.partial(
        pl.kernel,
        mesh=mesh,
        out_type=jax.ShapeDtypeStruct((2 * NWH, CHUNK), jnp.float32),
        scratch_types=[
            pltpu.VMEM((CHUNK,), jnp.int32),
            pltpu.VMEM((CHUNK,), jnp.float32),
            pltpu.SemaphoreType.DMA,
        ],
    )(_sc_gather_body)
    return kern(pred, gt, idx)


def _cross(a, b):
    return [
        a[1] * b[2] - a[2] * b[1],
        a[2] * b[0] - a[0] * b[2],
        a[0] * b[1] - a[1] * b[0],
    ]


def _loss_core(d_ref, c_ref):
    rfx = np.float32(1.0 / FX)
    rfy = np.float32(1.0 / FY)
    ux = [c_ref[p] for p in range(3)]
    uy = [c_ref[3 + p] for p in range(3)]
    jpos = (
        lax.broadcasted_iota(jnp.int32, (ROWS, LANES), 0) * LANES
        + lax.broadcasted_iota(jnp.int32, (ROWS, LANES), 1)
    )
    in_range = jpos < G
    nvec = jnp.zeros((ROWS, LANES), jnp.int32)
    tvec = jnp.zeros((ROWS, LANES), jnp.float32)
    losses = []
    for b in range(HB):
        dp = [d_ref[b * 3 + p] for p in range(3)]
        dg = [d_ref[HB * 3 + b * 3 + p] for p in range(3)]
        Gp = [[ux[p] * jnp.abs(dg[p]) * rfx, uy[p] * jnp.abs(dg[p]) * rfy, dg[p]]
              for p in range(3)]
        Pr = [[ux[p] * jnp.abs(dp[p]) * rfx, uy[p] * jnp.abs(dp[p]) * rfy, dp[p]]
              for p in range(3)]
        zf = [dp[c] == 0.0 for c in range(3)]
        Pp = [[jnp.where(zf[c], 1e-4, Pr[p][c]) for c in range(3)]
              for p in range(3)]
        ga = [Gp[1][c] - Gp[0][c] for c in range(3)]
        gb = [Gp[2][c] - Gp[0][c] for c in range(3)]
        gc = [Gp[2][c] - Gp[1][c] for c in range(3)]
        pa = [Pp[1][c] - Pp[0][c] for c in range(3)]
        pb = [Pp[2][c] - Pp[0][c] for c in range(3)]
        gn = _cross(ga, gb)
        dn = _cross(pa, pb)
        gnorm = jnp.sqrt(gn[0] * gn[0] + gn[1] * gn[1] + gn[2] * gn[2])
        dnorm = jnp.sqrt(dn[0] * dn[0] + dn[1] * dn[1] + dn[2] * dn[2])
        gnorm = gnorm + (gnorm == 0.0).astype(jnp.float32) * 0.01
        dnorm = dnorm + (dnorm == 0.0).astype(jnp.float32) * 0.01
        rg = 1.0 / gnorm
        rd = 1.0 / dnorm
        loss = (
            jnp.abs(gn[0] * rg - dn[0] * rd)
            + jnp.abs(gn[1] * rg - dn[1] * rd)
            + jnp.abs(gn[2] * rg - dn[2] * rd)
        )
        D = [ga, gb, gc]
        nrm = [jnp.sqrt(D[i][0] ** 2 + D[i][1] ** 2 + D[i][2] ** 2)
               for i in range(3)]
        cnt = jnp.zeros((ROWS, LANES), jnp.int32)
        for i in range(3):
            for j in range(3):
                e = D[i][0] * D[j][0] + D[i][1] * D[j][1] + D[i][2] * D[j][2]
                thr = DELTA_COS * (nrm[i] * nrm[j] + 1e-8)
                cnt = cnt + (e > thr).astype(jnp.int32)
                cnt = cnt + (e < -thr).astype(jnp.int32)
        mask_cos = cnt > 3
        mpad = (dg[0] > DELTA_Z) & (dg[1] > DELTA_Z) & (dg[2] > DELTA_Z)
        mfar = (dg[0] < DELTA_FAR_Z) & (dg[1] < DELTA_FAR_Z) & (dg[2] < DELTA_FAR_Z)
        mx = ((jnp.abs(D[0][0]) < DELTA_DIFF) | (jnp.abs(D[1][0]) < DELTA_DIFF)
              | (jnp.abs(D[2][0]) < DELTA_DIFF))
        my = ((jnp.abs(D[0][1]) < DELTA_DIFF) | (jnp.abs(D[1][1]) < DELTA_DIFF)
              | (jnp.abs(D[2][1]) < DELTA_DIFF))
        mz = ((jnp.abs(D[0][2]) < DELTA_DIFF) | (jnp.abs(D[1][2]) < DELTA_DIFF)
              | (jnp.abs(D[2][2]) < DELTA_DIFF))
        valid = mpad & mfar & jnp.logical_not((mx & my & mz) | mask_cos) & in_range
        losses.append(jnp.where(valid, loss, jnp.inf))
        nvec = nvec + valid.astype(jnp.int32)
        tvec = tvec + jnp.where(valid, loss, 0.0)
    return losses, jnp.sum(nvec), jnp.sum(tvec)


def _loss_body(d_ref, c_ref, loss_out, nt_out):
    losses, n, total = _loss_core(d_ref, c_ref)
    for b in range(HB):
        loss_out[b] = losses[b]
    nt_out[0, 0] = n.astype(jnp.float32)
    nt_out[0, 1] = total


def _tc_loss(depth12, coef):
    return pl.pallas_call(
        _loss_body,
        out_shape=(
            jax.ShapeDtypeStruct((HB, ROWS, LANES), jnp.float32),
            jax.ShapeDtypeStruct((1, 2), jnp.float32),
        ),
        out_specs=(
            pl.BlockSpec(memory_space=pltpu.VMEM),
            pl.BlockSpec(memory_space=pltpu.SMEM),
        ),
    )(depth12, coef)


def _lossb_select_body(d_ref, c_ref, la_ref, nt_ref, out_ref, lb_vmem):
    losses, nb, totb = _loss_core(d_ref, c_ref)
    for b in range(HB):
        lb_vmem[b] = losses[b]
    n = nt_ref[0, 0].astype(jnp.int32) + nb
    total = nt_ref[0, 1] + totb
    k = n // 4
    LA = lax.bitcast_convert_type(la_ref[...], jnp.int32)
    LBB = lax.bitcast_convert_type(lb_vmem[...], jnp.int32)

    def bs_step(_, carry):
        lo, hi = carry
        mid = lo + (hi - lo) // 2
        c = (jnp.sum((LA <= mid).astype(jnp.int32))
             + jnp.sum((LBB <= mid).astype(jnp.int32)))
        lo2 = jnp.where(c >= k, lo, mid + 1)
        hi2 = jnp.where(c >= k, mid, hi)
        active = lo < hi
        return (jnp.where(active, lo2, lo), jnp.where(active, hi2, hi))

    lo, _ = lax.fori_loop(
        0, 16, bs_step, (jnp.int32(0), jnp.int32(INF_BITS)))
    tb = lo
    sum_lt = (jnp.sum(jnp.where(LA < tb, la_ref[...], 0.0))
              + jnp.sum(jnp.where(LBB < tb, lb_vmem[...], 0.0)))
    cnt_lt = (jnp.sum((LA < tb).astype(jnp.int32))
              + jnp.sum((LBB < tb).astype(jnp.int32)))
    tval = lax.bitcast_convert_type(tb, jnp.float32)
    dropped = jnp.where(k > 0, sum_lt + (k - cnt_lt).astype(jnp.float32) * tval, 0.0)
    out_ref[0, 0] = (total - dropped) / (n - k).astype(jnp.float32)


def _tc_lossb_select(depth12, coef, la, nt):
    return pl.pallas_call(
        _lossb_select_body,
        out_shape=jax.ShapeDtypeStruct((1, 1), jnp.float32),
        in_specs=(
            pl.BlockSpec(memory_space=pltpu.VMEM),
            pl.BlockSpec(memory_space=pltpu.VMEM),
            pl.BlockSpec(memory_space=pltpu.VMEM),
            pl.BlockSpec(memory_space=pltpu.SMEM),
        ),
        out_specs=pl.BlockSpec(memory_space=pltpu.SMEM),
        scratch_shapes=[pltpu.VMEM((HB, ROWS, LANES), jnp.float32)],
    )(depth12, coef, la, nt)


def kernel(pred_depth, gt_depth):
    pred = pred_depth.reshape(-1)
    gt = gt_depth.reshape(-1)
    coef = jnp.asarray(_COEF_NP)
    ga = _sc_gather(pred, gt, jnp.asarray(_IDXA_NP))
    gb = _sc_gather(pred, gt, jnp.asarray(_IDXB_NP))
    la, nta = _tc_loss(ga.reshape(2 * HB * 3, ROWS, LANES), coef)
    out = _tc_lossb_select(gb.reshape(2 * HB * 3, ROWS, LANES), coef, la, nta)
    return out[0, 0]

# --- scband reference (transcript-rebuilt; emitter-appended) ---
"""Pipeline reference for scband-vnl-loss-6691559047750 (READ-ONLY COPY).

The authoritative reference and input builder live on the scoring server;
editing this copy changes nothing except your own understanding.
"""

import jax, jax.numpy as jnp
import numpy as np

FX = 518.8579
FY = 518.8579
H, W = 512, 512
B = 4
DELTA_COS = 0.867
DELTA_DIFF_X = 0.35
DELTA_DIFF_Y = 0.35
DELTA_DIFF_Z = 0.35
DELTA_Z = 0.05
DELTA_FAR_Z = 12.3
SAMPLE_RATIO = 0.2


def _image_coords():
    u0 = float(W // 2)
    v0 = float(H // 2)
    x = jnp.tile(jnp.arange(W, dtype=jnp.float32)[None, :], (H, 1))[None, :, :]
    y = jnp.tile(jnp.arange(H, dtype=jnp.float32)[:, None], (1, W))[None, :, :]
    return x - u0, y - v0


def _transfer_xyz(depth, u_u0, v_v0):
    x = u_u0 * jnp.abs(depth) / FX
    y = v_v0 * jnp.abs(depth) / FY
    z = depth
    pw = jnp.concatenate([x, y, z], axis=1).transpose(0, 2, 3, 1)
    return pw


def _select_index():
    num = H * W
    g = int(num * SAMPLE_RATIO)
    rng = np.random.default_rng(42)
    p1 = rng.integers(0, num, size=g)
    p2 = rng.integers(0, num, size=g)
    p3 = rng.integers(0, num, size=g)
    return {
        'p1_x': jnp.asarray(p1 % W), 'p1_y': jnp.asarray(p1 // W),
        'p2_x': jnp.asarray(p2 % W), 'p2_y': jnp.asarray(p2 // W),
        'p3_x': jnp.asarray(p3 % W), 'p3_y': jnp.asarray(p3 // W),
    }


def _form_pw_groups(p123, pw):
    pw1 = pw[:, p123['p1_y'], p123['p1_x'], :]
    pw2 = pw[:, p123['p2_y'], p123['p2_x'], :]
    pw3 = pw[:, p123['p3_y'], p123['p3_x'], :]
    return jnp.stack([pw1, pw2, pw3], axis=3)


def _filter_mask(p123, gt_xyz):
    pw = _form_pw_groups(p123, gt_xyz)
    pw12 = pw[:, :, :, 1] - pw[:, :, :, 0]
    pw13 = pw[:, :, :, 2] - pw[:, :, :, 0]
    pw23 = pw[:, :, :, 2] - pw[:, :, :, 1]
    pw_diff = jnp.stack([pw12, pw13, pw23], axis=3)
    m, g, coords, index = pw_diff.shape
    proj_key = pw_diff.reshape(m * g, coords, index)
    proj_query = jnp.transpose(proj_key, (0, 2, 1))
    q_norm = jnp.linalg.norm(proj_query, axis=2)
    nm = jnp.matmul(q_norm[:, :, None], q_norm[:, None, :])
    energy = jnp.matmul(proj_query, proj_key)
    norm_energy = (energy / (nm + 1e-08)).reshape(m * g, -1)
    mask_cos = jnp.sum((norm_energy > DELTA_COS).astype(jnp.int32)
                       + (norm_energy < -DELTA_COS).astype(jnp.int32), axis=1) > 3
    mask_cos = mask_cos.reshape(m, g)
    mask_pad = jnp.sum((pw[:, :, 2, :] > DELTA_Z).astype(jnp.int32), axis=2) == 3
    mask_pad_far = jnp.sum((pw[:, :, 2, :] < DELTA_FAR_Z).astype(jnp.int32), axis=2) == 3
    mask_x = jnp.sum((jnp.abs(pw_diff[:, :, 0, :]) < DELTA_DIFF_X).astype(jnp.int32), axis=2) > 0
    mask_y = jnp.sum((jnp.abs(pw_diff[:, :, 1, :]) < DELTA_DIFF_Y).astype(jnp.int32), axis=2) > 0
    mask_z = jnp.sum((jnp.abs(pw_diff[:, :, 2, :]) < DELTA_DIFF_Z).astype(jnp.int32), axis=2) > 0
    mask_ignore = (mask_x & mask_y & mask_z) | mask_cos
    mask = mask_pad & (~mask_ignore) & mask_pad_far
    return mask, pw


def _vnl_loss(gt_points, dt_points, select=True, valid=None):
    gt_p12 = gt_points[:, :, :, 1] - gt_points[:, :, :, 0]
    gt_p13 = gt_points[:, :, :, 2] - gt_points[:, :, :, 0]
    dt_p12 = dt_points[:, :, :, 1] - dt_points[:, :, :, 0]
    dt_p13 = dt_points[:, :, :, 2] - dt_points[:, :, :, 0]
    gt_normal = jnp.cross(gt_p12, gt_p13, axis=2)
    dt_normal = jnp.cross(dt_p12, dt_p13, axis=2)
    dt_norm = jnp.linalg.norm(dt_normal, ord=2, axis=2, keepdims=True)
    gt_norm = jnp.linalg.norm(gt_normal, ord=2, axis=2, keepdims=True)
    dt_norm = dt_norm + (dt_norm == 0.0).astype(jnp.float32) * 0.01
    gt_norm = gt_norm + (gt_norm == 0.0).astype(jnp.float32) * 0.01
    gt_normal = gt_normal / gt_norm
    dt_normal = dt_normal / dt_norm
    loss = jnp.abs(gt_normal - dt_normal)
    loss = jnp.sum(jnp.sum(loss, axis=2), axis=0)
    if valid is not None:
        loss = jnp.where(valid, loss, jnp.inf)
        loss = jnp.sort(loss)
        n = jnp.sum(valid.astype(jnp.int32))
        if select:
            k = n // 4
        else:
            k = jnp.zeros((), dtype=n.dtype)
        idx = jnp.arange(loss.shape[0])
        keep = (idx >= k) & (idx < n)
        loss = jnp.where(keep, loss, 0.0)
        return jnp.sum(loss) / (n - k).astype(jnp.float32)
    if select:
        loss = jnp.sort(loss)
        loss = loss[int(loss.shape[0] * 0.25):]
    return jnp.mean(loss)


def setup_inputs(seed: int = 0):
    key = jax.random.key(seed)
    k1, k2 = jax.random.split(key)
    pred_depth = jax.random.uniform(k1, (B, 1, H, W), dtype=jnp.float32)
    gt_depth = jax.random.uniform(k2, (B, 1, H, W), dtype=jnp.float32)
    return {'pred_depth': pred_depth, 'gt_depth': gt_depth}


def reference(pred_depth, gt_depth):
    u_u0, v_v0 = _image_coords()
    pw_gt = _transfer_xyz(gt_depth, u_u0, v_v0)
    pw_pred = _transfer_xyz(pred_depth, u_u0, v_v0)
    p123 = _select_index()
    mask, pw_groups_gt = _filter_mask(p123, pw_gt)
    pw_groups_pred = _form_pw_groups(p123, pw_pred)
    zmask = pw_groups_pred[:, :, 2, :] == 0
    pw_groups_pred = jnp.where(zmask[:, :, :, None], 0.0001, pw_groups_pred)
    valid = mask.reshape(-1)
    gt_sel = pw_groups_gt.reshape(-1, 3, 3)[None, :, :, :]
    dt_sel = pw_groups_pred.reshape(-1, 3, 3)[None, :, :, :]
    return _vnl_loss(gt_sel, dt_sel, select=True, valid=valid)

if __name__ == "__main__":
    import jax
    _d = setup_inputs()
    print(jax.jit(kernel)(*tuple(_d.values())))

</pallas_src>

<mosaic_0001>
#map = affine_map<(d0, d1) -> (0)>
#map1 = affine_map<(d0, d1) -> (0, 0)>
module attributes {stable_mosaic.version = 14 : i64} {
  func.func @_sc_gather_body(%arg0: i32, %arg1: i32, %arg2: memref<1048576xf32, #tpu.memory_space<hbm>>, %arg3: memref<1048576xf32, #tpu.memory_space<hbm>>, %arg4: memref<16x19968xi32, #tpu.memory_space<hbm>>, %arg5: memref<32x19968xf32, #tpu.memory_space<hbm>>, %arg6: memref<19968xi32, #tpu.memory_space<vmem>>, %arg7: memref<19968xf32, #tpu.memory_space<vmem>>, %arg8: memref<!tpu.dma_semaphore, #tpu.memory_space<semaphore_mem>>) attributes {dimension_semantics = [#tpu.dimension_semantics<core_parallel>, #tpu.dimension_semantics<subcore_parallel>], iteration_bounds = array<i64: 2, 16>, scalar_prefetch = 0 : i64, scratch_operands = 3 : i64, tpu.core_type = #tpu.core_type<sc_vector_subcore>, window_params = [{transform_indices = #map}, {transform_indices = #map}, {transform_indices = #map1}, {transform_indices = #map1}]} {
    %mul3A = arith.constant 2 : i32
    %mul3A_0 = arith.muli %arg1, %mul3A : i32
    %add3A = arith.addi %mul3A_0, %arg0 : i32
    %rem3A = arith.constant 16 : i32
    %rem3A_1 = arith.remsi %add3A, %rem3A : i32
    "tpu.region"() ({
      %run_scoped3A = tpu.sem_alloc : memref<!tpu.dma_semaphore, #tpu.memory_space<semaphore_mem>>
      %dma_start3A = arith.constant 0 : i32
      %dma_start3A_8 = tpu.memref_slice %arg4[%rem3A_1, %dma_start3A] : memref<16x19968xi32, #tpu.memory_space<hbm>> -> memref<1x19968xi32, #tpu.memory_space<hbm>>
      %dma_start3A_9 = tpu.memref_squeeze %dma_start3A_8 : memref<1x19968xi32, #tpu.memory_space<hbm>> -> memref<19968xi32, #tpu.memory_space<hbm>>
      %dma_start3A_10 = arith.constant 0 : i32
      %dma_start3A_11 = tpu.memref_slice %arg4[%rem3A_1, %dma_start3A_10] : memref<16x19968xi32, #tpu.memory_space<hbm>> -> memref<1x19968xi32, #tpu.memory_space<hbm>>
      %dma_start3A_12 = tpu.memref_squeeze %dma_start3A_11 : memref<1x19968xi32, #tpu.memory_space<hbm>> -> memref<19968xi32, #tpu.memory_space<hbm>>
      tpu.enqueue_dma source(%dma_start3A_12 : memref<19968xi32, #tpu.memory_space<hbm>>) target(%arg6 : memref<19968xi32, #tpu.memory_space<vmem>>) target_semaphore(%run_scoped3A : memref<!tpu.dma_semaphore, #tpu.memory_space<semaphore_mem>>)
      %dma_wait3A = arith.constant 0 : i32
      %dma_wait3A_13 = tpu.memref_slice %arg4[%rem3A_1, %dma_wait3A] : memref<16x19968xi32, #tpu.memory_space<hbm>> -> memref<1x19968xi32, #tpu.memory_space<hbm>>
      %dma_wait3A_14 = tpu.memref_squeeze %dma_wait3A_13 : memref<1x19968xi32, #tpu.memory_space<hbm>> -> memref<19968xi32, #tpu.memory_space<hbm>>
      %dma_wait3A_15 = arith.constant 0 : i32
      %dma_wait3A_16 = tpu.memref_slice %arg4[%rem3A_1, %dma_wait3A_15] : memref<16x19968xi32, #tpu.memory_space<hbm>> -> memref<1x19968xi32, #tpu.memory_space<hbm>>
      %dma_wait3A_17 = tpu.memref_squeeze %dma_wait3A_16 : memref<1x19968xi32, #tpu.memory_space<hbm>> -> memref<19968xi32, #tpu.memory_space<hbm>>
      tpu.wait_dma2 semaphore(%run_scoped3A : memref<!tpu.dma_semaphore, #tpu.memory_space<semaphore_mem>>) src(%dma_wait3A_17 : memref<19968xi32, #tpu.memory_space<hbm>>) dst(%arg6 : memref<19968xi32, #tpu.memory_space<vmem>>)
      tpu.yield
    }) : () -> ()
    %lt3A = arith.constant 16 : i32
    %lt3A_2 = arith.cmpi slt, %add3A, %lt3A : i32
    %convert_element_type3A = arith.extui %lt3A_2 : i1 to i32
    %cond3A = arith.constant 0 : i32
    %cond3A_3 = arith.cmpi ne, %convert_element_type3A, %cond3A : i32
    scf.if %cond3A_3 {
      %dma_start3A = arith.constant 0 : i32
      %dma_start3A_8 = tpu.memref_slice %arg2[%dma_start3A] : memref<1048576xf32, #tpu.memory_space<hbm>> -> memref<1048576xf32, #tpu.memory_space<hbm>>
      tpu.enqueue_indirect_dma source(%dma_start3A_8 : memref<1048576xf32, #tpu.memory_space<hbm>>) target(%arg7 : memref<19968xf32, #tpu.memory_space<vmem>>) offsets(%arg6 : memref<19968xi32, #tpu.memory_space<vmem>>) semaphore(%arg8 : memref<!tpu.dma_semaphore, #tpu.memory_space<semaphore_mem>>)
      %dma_wait3A = arith.constant 0 : i32
      %dma_wait3A_9 = tpu.memref_slice %arg2[%dma_wait3A] : memref<1048576xf32, #tpu.memory_space<hbm>> -> memref<1048576xf32, #tpu.memory_space<hbm>>
      tpu.wait_indirect_dma semaphore(%arg8 : memref<!tpu.dma_semaphore, #tpu.memory_space<semaphore_mem>>) src(%dma_wait3A_9 : memref<1048576xf32, #tpu.memory_space<hbm>>) dst(%arg7 : memref<19968xf32, #tpu.memory_space<vmem>>)
    } else {
    }
    %ge3A = arith.constant 16 : i32
    %ge3A_4 = arith.cmpi sge, %add3A, %ge3A : i32
    %convert_element_type3A_5 = arith.extui %ge3A_4 : i1 to i32
    %cond3A_6 = arith.constant 0 : i32
    %cond3A_7 = arith.cmpi ne, %convert_element_type3A_5, %cond3A_6 : i32
    scf.if %cond3A_7 {
      %dma_start3A = arith.constant 0 : i32
      %dma_start3A_8 = tpu.memref_slice %arg3[%dma_start3A] : memref<1048576xf32, #tpu.memory_space<hbm>> -> memref<1048576xf32, #tpu.memory_space<hbm>>
      tpu.enqueue_indirect_dma source(%dma_start3A_8 : memref<1048576xf32, #tpu.memory_space<hbm>>) target(%arg7 : memref<19968xf32, #tpu.memory_space<vmem>>) offsets(%arg6 : memref<19968xi32, #tpu.memory_space<vmem>>) semaphore(%arg8 : memref<!tpu.dma_semaphore, #tpu.memory_space<semaphore_mem>>)
      %dma_wait3A = arith.constant 0 : i32
      %dma_wait3A_9 = tpu.memref_slice %arg3[%dma_wait3A] : memref<1048576xf32, #tpu.memory_space<hbm>> -> memref<1048576xf32, #tpu.memory_space<hbm>>
      tpu.wait_indirect_dma semaphore(%arg8 : memref<!tpu.dma_semaphore, #tpu.memory_space<semaphore_mem>>) src(%dma_wait3A_9 : memref<1048576xf32, #tpu.memory_space<hbm>>) dst(%arg7 : memref<19968xf32, #tpu.memory_space<vmem>>)
    } else {
    }
    "tpu.region"() ({
      %run_scoped3A = tpu.sem_alloc : memref<!tpu.dma_semaphore, #tpu.memory_space<semaphore_mem>>
      %dma_start3A = arith.constant 0 : i32
      %dma_start3A_8 = tpu.memref_slice %arg5[%add3A, %dma_start3A] : memref<32x19968xf32, #tpu.memory_space<hbm>> -> memref<1x19968xf32, #tpu.memory_space<hbm>>
      %dma_start3A_9 = tpu.memref_squeeze %dma_start3A_8 : memref<1x19968xf32, #tpu.memory_space<hbm>> -> memref<19968xf32, #tpu.memory_space<hbm>>
      %dma_start3A_10 = arith.constant 0 : i32
      %dma_start3A_11 = tpu.memref_slice %arg5[%add3A, %dma_start3A_10] : memref<32x19968xf32, #tpu.memory_space<hbm>> -> memref<1x19968xf32, #tpu.memory_space<hbm>>
      %dma_start3A_12 = tpu.memref_squeeze %dma_start3A_11 : memref<1x19968xf32, #tpu.memory_space<hbm>> -> memref<19968xf32, #tpu.memory_space<hbm>>
      tpu.enqueue_dma source(%arg7 : memref<19968xf32, #tpu.memory_space<vmem>>) target(%dma_start3A_12 : memref<19968xf32, #tpu.memory_space<hbm>>) target_semaphore(%run_scoped3A : memref<!tpu.dma_semaphore, #tpu.memory_space<semaphore_mem>>)
      %dma_wait3A = arith.constant 0 : i32
      %dma_wait3A_13 = tpu.memref_slice %arg5[%add3A, %dma_wait3A] : memref<32x19968xf32, #tpu.memory_space<hbm>> -> memref<1x19968xf32, #tpu.memory_space<hbm>>
      %dma_wait3A_14 = tpu.memref_squeeze %dma_wait3A_13 : memref<1x19968xf32, #tpu.memory_space<hbm>> -> memref<19968xf32, #tpu.memory_space<hbm>>
      %dma_wait3A_15 = arith.constant 0 : i32
      %dma_wait3A_16 = tpu.memref_slice %arg5[%add3A, %dma_wait3A_15] : memref<32x19968xf32, #tpu.memory_space<hbm>> -> memref<1x19968xf32, #tpu.memory_space<hbm>>
      %dma_wait3A_17 = tpu.memref_squeeze %dma_wait3A_16 : memref<1x19968xf32, #tpu.memory_space<hbm>> -> memref<19968xf32, #tpu.memory_space<hbm>>
      tpu.wait_dma2 semaphore(%run_scoped3A : memref<!tpu.dma_semaphore, #tpu.memory_space<semaphore_mem>>) src(%arg7 : memref<19968xf32, #tpu.memory_space<vmem>>) dst(%dma_wait3A_17 : memref<19968xf32, #tpu.memory_space<hbm>>)
      tpu.yield
    }) : () -> ()
    return
  }
}

#map = affine_map<(d0, d1) -> (0)>
#map1 = affine_map<(d0, d1) -> (0, 0)>
module attributes {stable_mosaic.version = 14 : i64} {
  func.func @_sc_gather_body(%arg0: i32, %arg1: i32, %arg2: memref<1048576xf32, #tpu.memory_space<hbm>>, %arg3: memref<1048576xf32, #tpu.memory_space<hbm>>, %arg4: memref<16x19968xi32, #tpu.memory_space<hbm>>, %arg5: memref<32x19968xf32, #tpu.memory_space<hbm>>, %arg6: memref<19968xi32, #tpu.memory_space<vmem>>, %arg7: memref<19968xf32, #tpu.memory_space<vmem>>, %arg8: memref<!tpu.dma_semaphore, #tpu.memory_space<semaphore_mem>>) attributes {dimension_semantics = [#tpu.dimension_semantics<core_parallel>, #tpu.dimension_semantics<subcore_parallel>], iteration_bounds = array<i64: 2, 16>, scalar_prefetch = 0 : i64, scratch_operands = 3 : i64, tpu.core_type = #tpu.core_type<sc_vector_subcore>, window_params = [{transform_indices = #map}, {transform_indices = #map}, {transform_indices = #map1}, {transform_indices = #map1}]} {
    %mul3A = arith.constant 2 : i32
    %mul3A_0 = arith.muli %arg1, %mul3A : i32
    %add3A = arith.addi %mul3A_0, %arg0 : i32
    %rem3A = arith.constant 16 : i32
    %rem3A_1 = arith.remsi %add3A, %rem3A : i32
    "tpu.region"() ({
      %run_scoped3A = tpu.sem_alloc : memref<!tpu.dma_semaphore, #tpu.memory_space<semaphore_mem>>
      %dma_start3A = arith.constant 0 : i32
      %dma_start3A_8 = tpu.memref_slice %arg4[%rem3A_1, %dma_start3A] : memref<16x19968xi32, #tpu.memory_space<hbm>> -> memref<1x19968xi32, #tpu.memory_space<hbm>>
      %dma_start3A_9 = tpu.memref_squeeze %dma_start3A_8 : memref<1x19968xi32, #tpu.memory_space<hbm>> -> memref<19968xi32, #tpu.memory_space<hbm>>
      %dma_start3A_10 = arith.constant 0 : i32
      %dma_start3A_11 = tpu.memref_slice %arg4[%rem3A_1, %dma_start3A_10] : memref<16x19968xi32, #tpu.memory_space<hbm>> -> memref<1x19968xi32, #tpu.memory_space<hbm>>
      %dma_start3A_12 = tpu.memref_squeeze %dma_start3A_11 : memref<1x19968xi32, #tpu.memory_space<hbm>> -> memref<19968xi32, #tpu.memory_space<hbm>>
      tpu.enqueue_dma source(%dma_start3A_12 : memref<19968xi32, #tpu.memory_space<hbm>>) target(%arg6 : memref<19968xi32, #tpu.memory_space<vmem>>) target_semaphore(%run_scoped3A : memref<!tpu.dma_semaphore, #tpu.memory_space<semaphore_mem>>)
      %dma_wait3A = arith.constant 0 : i32
      %dma_wait3A_13 = tpu.memref_slice %arg4[%rem3A_1, %dma_wait3A] : memref<16x19968xi32, #tpu.memory_space<hbm>> -> memref<1x19968xi32, #tpu.memory_space<hbm>>
      %dma_wait3A_14 = tpu.memref_squeeze %dma_wait3A_13 : memref<1x19968xi32, #tpu.memory_space<hbm>> -> memref<19968xi32, #tpu.memory_space<hbm>>
      %dma_wait3A_15 = arith.constant 0 : i32
      %dma_wait3A_16 = tpu.memref_slice %arg4[%rem3A_1, %dma_wait3A_15] : memref<16x19968xi32, #tpu.memory_space<hbm>> -> memref<1x19968xi32, #tpu.memory_space<hbm>>
      %dma_wait3A_17 = tpu.memref_squeeze %dma_wait3A_16 : memref<1x19968xi32, #tpu.memory_space<hbm>> -> memref<19968xi32, #tpu.memory_space<hbm>>
      tpu.wait_dma2 semaphore(%run_scoped3A : memref<!tpu.dma_semaphore, #tpu.memory_space<semaphore_mem>>) src(%dma_wait3A_17 : memref<19968xi32, #tpu.memory_space<hbm>>) dst(%arg6 : memref<19968xi32, #tpu.memory_space<vmem>>)
      tpu.yield
    }) : () -> ()
    %lt3A = arith.constant 16 : i32
    %lt3A_2 = arith.cmpi slt, %add3A, %lt3A : i32
    %convert_element_type3A = arith.extui %lt3A_2 : i1 to i32
    %cond3A = arith.constant 0 : i32
    %cond3A_3 = arith.cmpi ne, %convert_element_type3A, %cond3A : i32
    scf.if %cond3A_3 {
      %dma_start3A = arith.constant 0 : i32
      %dma_start3A_8 = tpu.memref_slice %arg2[%dma_start3A] : memref<1048576xf32, #tpu.memory_space<hbm>> -> memref<1048576xf32, #tpu.memory_space<hbm>>
      tpu.enqueue_indirect_dma source(%dma_start3A_8 : memref<1048576xf32, #tpu.memory_space<hbm>>) target(%arg7 : memref<19968xf32, #tpu.memory_space<vmem>>) offsets(%arg6 : memref<19968xi32, #tpu.memory_space<vmem>>) semaphore(%arg8 : memref<!tpu.dma_semaphore, #tpu.memory_space<semaphore_mem>>)
      %dma_wait3A = arith.constant 0 : i32
      %dma_wait3A_9 = tpu.memref_slice %arg2[%dma_wait3A] : memref<1048576xf32, #tpu.memory_space<hbm>> -> memref<1048576xf32, #tpu.memory_space<hbm>>
      tpu.wait_indirect_dma semaphore(%arg8 : memref<!tpu.dma_semaphore, #tpu.memory_space<semaphore_mem>>) src(%dma_wait3A_9 : memref<1048576xf32, #tpu.memory_space<hbm>>) dst(%arg7 : memref<19968xf32, #tpu.memory_space<vmem>>)
    } else {
    }
    %ge3A = arith.constant 16 : i32
    %ge3A_4 = arith.cmpi sge, %add3A, %ge3A : i32
    %convert_element_type3A_5 = arith.extui %ge3A_4 : i1 to i32
    %cond3A_6 = arith.constant 0 : i32
    %cond3A_7 = arith.cmpi ne, %convert_element_type3A_5, %cond3A_6 : i32
    scf.if %cond3A_7 {
      %dma_start3A = arith.constant 0 : i32
      %dma_start3A_8 = tpu.memref_slice %arg3[%dma_start3A] : memref<1048576xf32, #tpu.memory_space<hbm>> -> memref<1048576xf32, #tpu.memory_space<hbm>>
      tpu.enqueue_indirect_dma source(%dma_start3A_8 : memref<1048576xf32, #tpu.memory_space<hbm>>) target(%arg7 : memref<19968xf32, #tpu.memory_space<vmem>>) offsets(%arg6 : memref<19968xi32, #tpu.memory_space<vmem>>) semaphore(%arg8 : memref<!tpu.dma_semaphore, #tpu.memory_space<semaphore_mem>>)
      %dma_wait3A = arith.constant 0 : i32
      %dma_wait3A_9 = tpu.memref_slice %arg3[%dma_wait3A] : memref<1048576xf32, #tpu.memory_space<hbm>> -> memref<1048576xf32, #tpu.memory_space<hbm>>
      tpu.wait_indirect_dma semaphore(%arg8 : memref<!tpu.dma_semaphore, #tpu.memory_space<semaphore_mem>>) src(%dma_wait3A_9 : memref<1048576xf32, #tpu.memory_space<hbm>>) dst(%arg7 : memref<19968xf32, #tpu.memory_space<vmem>>)
    } else {
    }
    "tpu.region"() ({
      %run_scoped3A = tpu.sem_alloc : memref<!tpu.dma_semaphore, #tpu.memory_space<semaphore_mem>>
      %dma_start3A = arith.constant 0 : i32
      %dma_start3A_8 = tpu.memref_slice %arg5[%add3A, %dma_start3A] : memref<32x19968xf32, #tpu.memory_space<hbm>> -> memref<1x19968xf32, #tpu.memory_space<hbm>>
      %dma_start3A_9 = tpu.memref_squeeze %dma_start3A_8 : memref<1x19968xf32, #tpu.memory_space<hbm>> -> memref<19968xf32, #tpu.memory_space<hbm>>
      %dma_start3A_10 = arith.constant 0 : i32
      %dma_start3A_11 = tpu.memref_slice %arg5[%add3A, %dma_start3A_10] : memref<32x19968xf32, #tpu.memory_space<hbm>> -> memref<1x19968xf32, #tpu.memory_space<hbm>>
      %dma_start3A_12 = tpu.memref_squeeze %dma_start3A_11 : memref<1x19968xf32, #tpu.memory_space<hbm>> -> memref<19968xf32, #tpu.memory_space<hbm>>
      tpu.enqueue_dma source(%arg7 : memref<19968xf32, #tpu.memory_space<vmem>>) target(%dma_start3A_12 : memref<19968xf32, #tpu.memory_space<hbm>>) target_semaphore(%run_scoped3A : memref<!tpu.dma_semaphore, #tpu.memory_space<semaphore_mem>>)
      %dma_wait3A = arith.constant 0 : i32
      %dma_wait3A_13 = tpu.memref_slice %arg5[%add3A, %dma_wait3A] : memref<32x19968xf32, #tpu.memory_space<hbm>> -> memref<1x19968xf32, #tpu.memory_space<hbm>>
      %dma_wait3A_14 = tpu.memref_squeeze %dma_wait3A_13 : memref<1x19968xf32, #tpu.memory_space<hbm>> -> memref<19968xf32, #tpu.memory_space<hbm>>
      %dma_wait3A_15 = arith.constant 0 : i32
      %dma_wait3A_16 = tpu.memref_slice %arg5[%add3A, %dma_wait3A_15] : memref<32x19968xf32, #tpu.memory_space<hbm>> -> memref<1x19968xf32, #tpu.memory_space<hbm>>
      %dma_wait3A_17 = tpu.memref_squeeze %dma_wait3A_16 : memref<1x19968xf32, #tpu.memory_space<hbm>> -> memref<19968xf32, #tpu.memory_space<hbm>>
      tpu.wait_dma2 semaphore(%run_scoped3A : memref<!tpu.dma_semaphore, #tpu.memory_space<semaphore_mem>>) src(%arg7 : memref<19968xf32, #tpu.memory_space<vmem>>) dst(%dma_wait3A_17 : memref<19968xf32, #tpu.memory_space<hbm>>)
      tpu.yield
    }) : () -> ()
    return
  }
}

module attributes {stable_mosaic.version = 14 : i64} {
  func.func @_loss_body(%arg0: memref<12x416x128xf32, #tpu.memory_space<vmem>>, %arg1: memref<8x416x128xf32, #tpu.memory_space<vmem>>, %arg2: memref<2x416x128xf32, #tpu.memory_space<vmem>>, %arg3: memref<1x2xf32, #tpu.memory_space<smem>>) attributes {dimension_semantics = [], scalar_prefetch = 0 : i64, scratch_operands = 0 : i64, tpu.core_type = #tpu.core_type<tc>} {
    %get3A = arith.constant 0 : index
    %get3A_0 = arith.constant 0 : index
    %get3A_1 = arith.constant 0 : index
    %get3A_2 = vector.load %arg1[%get3A, %get3A_0, %get3A_1] : memref<8x416x128xf32, #tpu.memory_space<vmem>>, vector<1x416x128xf32>
    %get3A_3 = vector.shape_cast %get3A_2 : vector<1x416x128xf32> to vector<416x128xf32>
    %get3A_4 = arith.constant 1 : index
    %get3A_5 = arith.constant 0 : index
    %get3A_6 = arith.constant 0 : index
    %get3A_7 = vector.load %arg1[%get3A_4, %get3A_5, %get3A_6] : memref<8x416x128xf32, #tpu.memory_space<vmem>>, vector<1x416x128xf32>
    %get3A_8 = vector.shape_cast %get3A_7 : vector<1x416x128xf32> to vector<416x128xf32>
    %get3A_9 = arith.constant 2 : index
    %get3A_10 = arith.constant 0 : index
    %get3A_11 = arith.constant 0 : index
    %get3A_12 = vector.load %arg1[%get3A_9, %get3A_10, %get3A_11] : memref<8x416x128xf32, #tpu.memory_space<vmem>>, vector<1x416x128xf32>
    %get3A_13 = vector.shape_cast %get3A_12 : vector<1x416x128xf32> to vector<416x128xf32>
    %get3A_14 = arith.constant 3 : index
    %get3A_15 = arith.constant 0 : index
    %get3A_16 = arith.constant 0 : index
    %get3A_17 = vector.load %arg1[%get3A_14, %get3A_15, %get3A_16] : memref<8x416x128xf32, #tpu.memory_space<vmem>>, vector<1x416x128xf32>
    %get3A_18 = vector.shape_cast %get3A_17 : vector<1x416x128xf32> to vector<416x128xf32>
    %get3A_19 = arith.constant 4 : index
    %get3A_20 = arith.constant 0 : index
    %get3A_21 = arith.constant 0 : index
    %get3A_22 = vector.load %arg1[%get3A_19, %get3A_20, %get3A_21] : memref<8x416x128xf32, #tpu.memory_space<vmem>>, vector<1x416x128xf32>
    %get3A_23 = vector.shape_cast %get3A_22 : vector<1x416x128xf32> to vector<416x128xf32>
    %get3A_24 = arith.constant 5 : index
    %get3A_25 = arith.constant 0 : index
    %get3A_26 = arith.constant 0 : index
    %get3A_27 = vector.load %arg1[%get3A_24, %get3A_25, %get3A_26] : memref<8x416x128xf32, #tpu.memory_space<vmem>>, vector<1x416x128xf32>
    %get3A_28 = vector.shape_cast %get3A_27 : vector<1x416x128xf32> to vector<416x128xf32>
    %iota3A = tpu.iota {dimensions = array<i32: 0>} : vector<416x128xi32>
    %mul3A = arith.constant 128 : i32
    %mul3A_29 = vector.broadcast %mul3A : i32 to vector<416x128xi32>
    %mul3A_30 = arith.muli %iota3A, %mul3A_29 : vector<416x128xi32>
    %iota3A_31 = tpu.iota {dimensions = array<i32: 1>} : vector<416x128xi32>
    %add3A = arith.addi %mul3A_30, %iota3A_31 : vector<416x128xi32>
    %lt3A = arith.constant 52428 : i32
    %lt3A_32 = vector.broadcast %lt3A : i32 to vector<416x128xi32>
    %lt3A_33 = arith.cmpi slt, %add3A, %lt3A_32 : vector<416x128xi32>
    %broadcast_in_dim3A = arith.constant 0 : i32
    %broadcast_in_dim3A_34 = vector.broadcast %broadcast_in_dim3A : i32 to vector<416x128xi32>
    %broadcast_in_dim3A_35 = arith.constant 0.000000e+00 : f32
    %broadcast_in_dim3A_36 = vector.broadcast %broadcast_in_dim3A_35 : f32 to vector<416x128xf32>
    %get3A_37 = arith.constant 0 : index
    %get3A_38 = arith.constant 0 : index
    %get3A_39 = arith.constant 0 : index
    %get3A_40 = vector.load %arg0[%get3A_37, %get3A_38, %get3A_39] : memref<12x416x128xf32, #tpu.memory_space<vmem>>, vector<1x416x128xf32>
    %get3A_41 = vector.shape_cast %get3A_40 : vector<1x416x128xf32> to vector<416x128xf32>
    %get3A_42 = arith.constant 1 : index
    %get3A_43 = arith.constant 0 : index
    %get3A_44 = arith.constant 0 : index
    %get3A_45 = vector.load %arg0[%get3A_42, %get3A_43, %get3A_44] : memref<12x416x128xf32, #tpu.memory_space<vmem>>, vector<1x416x128xf32>
    %get3A_46 = vector.shape_cast %get3A_45 : vector<1x416x128xf32> to vector<416x128xf32>
    %get3A_47 = arith.constant 2 : index
    %get3A_48 = arith.constant 0 : index
    %get3A_49 = arith.constant 0 : index
    %get3A_50 = vector.load %arg0[%get3A_47, %get3A_48, %get3A_49] : memref<12x416x128xf32, #tpu.memory_space<vmem>>, vector<1x416x128xf32>
    %get3A_51 = vector.shape_cast %get3A_50 : vector<1x416x128xf32> to vector<416x128xf32>
    %get3A_52 = arith.constant 6 : index
    %get3A_53 = arith.constant 0 : index
    %get3A_54 = arith.constant 0 : index
    %get3A_55 = vector.load %arg0[%get3A_52, %get3A_53, %get3A_54] : memref<12x416x128xf32, #tpu.memory_space<vmem>>, vector<1x416x128xf32>
    %get3A_56 = vector.shape_cast %get3A_55 : vector<1x416x128xf32> to vector<416x128xf32>
    %get3A_57 = arith.constant 7 : index
    %get3A_58 = arith.constant 0 : index
    %get3A_59 = arith.constant 0 : index
    %get3A_60 = vector.load %arg0[%get3A_57, %get3A_58, %get3A_59] : memref<12x416x128xf32, #tpu.memory_space<vmem>>, vector<1x416x128xf32>
    %get3A_61 = vector.shape_cast %get3A_60 : vector<1x416x128xf32> to vector<416x128xf32>
    %get3A_62 = arith.constant 8 : index
    %get3A_63 = arith.constant 0 : index
    %get3A_64 = arith.constant 0 : index
    %get3A_65 = vector.load %arg0[%get3A_62, %get3A_63, %get3A_64] : memref<12x416x128xf32, #tpu.memory_space<vmem>>, vector<1x416x128xf32>
    %get3A_66 = vector.shape_cast %get3A_65 : vector<1x416x128xf32> to vector<416x128xf32>
    %abs3A = math.absf %get3A_56 : vector<416x128xf32>
    %mul3A_67 = arith.mulf %get3A_3, %abs3A : vector<416x128xf32>
    %mul3A_68 = arith.constant 1.927310e-03 : f32
    %mul3A_69 = vector.broadcast %mul3A_68 : f32 to vector<416x128xf32>
    %mul3A_70 = arith.mulf %mul3A_67, %mul3A_69 : vector<416x128xf32>
    %abs3A_71 = math.absf %get3A_56 : vector<416x128xf32>
    %mul3A_72 = arith.mulf %get3A_18, %abs3A_71 : vector<416x128xf32>
    %mul3A_73 = arith.constant 1.927310e-03 : f32
    %mul3A_74 = vector.broadcast %mul3A_73 : f32 to vector<416x128xf32>
    %mul3A_75 = arith.mulf %mul3A_72, %mul3A_74 : vector<416x128xf32>
    %abs3A_76 = math.absf %get3A_61 : vector<416x128xf32>
    %mul3A_77 = arith.mulf %get3A_8, %abs3A_76 : vector<416x128xf32>
    %mul3A_78 = arith.constant 1.927310e-03 : f32
    %mul3A_79 = vector.broadcast %mul3A_78 : f32 to vector<416x128xf32>
    %mul3A_80 = arith.mulf %mul3A_77, %mul3A_79 : vector<416x128xf32>
    %abs3A_81 = math.absf %get3A_61 : vector<416x128xf32>
    %mul3A_82 = arith.mulf %get3A_23, %abs3A_81 : vector<416x128xf32>
    %mul3A_83 = arith.constant 1.927310e-03 : f32
    %mul3A_84 = vector.broadcast %mul3A_83 : f32 to vector<416x128xf32>
    %mul3A_85 = arith.mulf %mul3A_82, %mul3A_84 : vector<416x128xf32>
    %abs3A_86 = math.absf %get3A_66 : vector<416x128xf32>
    %mul3A_87 = arith.mulf %get3A_13, %abs3A_86 : vector<416x128xf32>
    %mul3A_88 = arith.constant 1.927310e-03 : f32
    %mul3A_89 = vector.broadcast %mul3A_88 : f32 to vector<416x128xf32>
    %mul3A_90 = arith.mulf %mul3A_87, %mul3A_89 : vector<416x128xf32>
    %abs3A_91 = math.absf %get3A_66 : vector<416x128xf32>
    %mul3A_92 = arith.mulf %get3A_28, %abs3A_91 : vector<416x128xf32>
    %mul3A_93 = arith.constant 1.927310e-03 : f32
    %mul3A_94 = vector.broadcast %mul3A_93 : f32 to vector<416x128xf32>
    %mul3A_95 = arith.mulf %mul3A_92, %mul3A_94 : vector<416x128xf32>
    %abs3A_96 = math.absf %get3A_41 : vector<416x128xf32>
    %mul3A_97 = arith.mulf %get3A_3, %abs3A_96 : vector<416x128xf32>
    %mul3A_98 = arith.constant 1.927310e-03 : f32
    %mul3A_99 = vector.broadcast %mul3A_98 : f32 to vector<416x128xf32>
    %mul3A_100 = arith.mulf %mul3A_97, %mul3A_99 : vector<416x128xf32>
    %abs3A_101 = math.absf %get3A_41 : vector<416x128xf32>
    %mul3A_102 = arith.mulf %get3A_18, %abs3A_101 : vector<416x128xf32>
    %mul3A_103 = arith.constant 1.927310e-03 : f32
    %mul3A_104 = vector.broadcast %mul3A_103 : f32 to vector<416x128xf32>
    %mul3A_105 = arith.mulf %mul3A_102, %mul3A_104 : vector<416x128xf32>
    %abs3A_106 = math.absf %get3A_46 : vector<416x128xf32>
    %mul3A_107 = arith.mulf %get3A_8, %abs3A_106 : vector<416x128xf32>
    %mul3A_108 = arith.constant 1.927310e-03 : f32
    %mul3A_109 = vector.broadcast %mul3A_108 : f32 to vector<416x128xf32>
    %mul3A_110 = arith.mulf %mul3A_107, %mul3A_109 : vector<416x128xf32>
    %abs3A_111 = math.absf %get3A_46 : vector<416x128xf32>
    %mul3A_112 = arith.mulf %get3A_23, %abs3A_111 : vector<416x128xf32>
    %mul3A_113 = arith.constant 1.927310e-03 : f32
    %mul3A_114 = vector.broadcast %mul3A_113 : f32 to vector<416x128xf32>
    %mul3A_115 = arith.mulf %mul3A_112, %mul3A_114 : vector<416x128xf32>
    %abs3A_116 = math.absf %get3A_51 : vector<416x128xf32>
    %mul3A_117 = arith.mulf %get3A_13, %abs3A_116 : vector<416x128xf32>
    %mul3A_118 = arith.constant 1.927310e-03 : f32
    %mul3A_119 = vector.broadcast %mul3A_118 : f32 to vector<416x128xf32>
    %mul3A_120 = arith.mulf %mul3A_117, %mul3A_119 : vector<416x128xf32>
    %abs3A_121 = math.absf %get3A_51 : vector<416x128xf32>
    %mul3A_122 = arith.mulf %get3A_28, %abs3A_121 : vector<416x128xf32>
    %mul3A_123 = arith.constant 1.927310e-03 : f32
    %mul3A_124 = vector.broadcast %mul3A_123 : f32 to vector<416x128xf32>
    %mul3A_125 = arith.mulf %mul3A_122, %mul3A_124 : vector<416x128xf32>
    %eq3A = arith.constant 0.000000e+00 : f32
    %eq3A_126 = vector.broadcast %eq3A : f32 to vector<416x128xf32>
    %eq3A_127 = arith.cmpf oeq, %get3A_41, %eq3A_126 : vector<416x128xf32>
    %eq3A_128 = arith.constant 0.000000e+00 : f32
    %eq3A_129 = vector.broadcast %eq3A_128 : f32 to vector<416x128xf32>
    %eq3A_130 = arith.cmpf oeq, %get3A_46, %eq3A_129 : vector<416x128xf32>
    %eq3A_131 = arith.constant 0.000000e+00 : f32
    %eq3A_132 = vector.broadcast %eq3A_131 : f32 to vector<416x128xf32>
    %eq3A_133 = arith.cmpf oeq, %get3A_51, %eq3A_132 : vector<416x128xf32>
    %jit3A = arith.constant 9.99999974E-5 : f32
    %broadcast_in_dim3A_134 = vector.broadcast %jit3A : f32 to vector<416x128xf32>
    %select_n3A = arith.select %eq3A_127, %broadcast_in_dim3A_134, %mul3A_100 : vector<416x128xi1>, vector<416x128xf32>
    %jit3A_135 = arith.constant 9.99999974E-5 : f32
    %broadcast_in_dim3A_136 = vector.broadcast %jit3A_135 : f32 to vector<416x128xf32>
    %select_n3A_137 = arith.select %eq3A_130, %broadcast_in_dim3A_136, %mul3A_105 : vector<416x128xi1>, vector<416x128xf32>
    %jit3A_138 = arith.constant 9.99999974E-5 : f32
    %broadcast_in_dim3A_139 = vector.broadcast %jit3A_138 : f32 to vector<416x128xf32>
    %select_n3A_140 = arith.select %eq3A_133, %broadcast_in_dim3A_139, %get3A_41 : vector<416x128xi1>, vector<416x128xf32>
    %jit3A_141 = arith.constant 9.99999974E-5 : f32
    %broadcast_in_dim3A_142 = vector.broadcast %jit3A_141 : f32 to vector<416x128xf32>
    %select_n3A_143 = arith.select %eq3A_127, %broadcast_in_dim3A_142, %mul3A_110 : vector<416x128xi1>, vector<416x128xf32>
    %jit3A_144 = arith.constant 9.99999974E-5 : f32
    %broadcast_in_dim3A_145 = vector.broadcast %jit3A_144 : f32 to vector<416x128xf32>
    %select_n3A_146 = arith.select %eq3A_130, %broadcast_in_dim3A_145, %mul3A_115 : vector<416x128xi1>, vector<416x128xf32>
    %jit3A_147 = arith.constant 9.99999974E-5 : f32
    %broadcast_in_dim3A_148 = vector.broadcast %jit3A_147 : f32 to vector<416x128xf32>
    %select_n3A_149 = arith.select %eq3A_133, %broadcast_in_dim3A_148, %get3A_46 : vector<416x128xi1>, vector<416x128xf32>
    %jit3A_150 = arith.constant 9.99999974E-5 : f32
    %broadcast_in_dim3A_151 = vector.broadcast %jit3A_150 : f32 to vector<416x128xf32>
    %select_n3A_152 = arith.select %eq3A_127, %broadcast_in_dim3A_151, %mul3A_120 : vector<416x128xi1>, vector<416x128xf32>
    %jit3A_153 = arith.constant 9.99999974E-5 : f32
    %broadcast_in_dim3A_154 = vector.broadcast %jit3A_153 : f32 to vector<416x128xf32>
    %select_n3A_155 = arith.select %eq3A_130, %broadcast_in_dim3A_154, %mul3A_125 : vector<416x128xi1>, vector<416x128xf32>
    %jit3A_156 = arith.constant 9.99999974E-5 : f32
    %broadcast_in_dim3A_157 = vector.broadcast %jit3A_156 : f32 to vector<416x128xf32>
    %select_n3A_158 = arith.select %eq3A_133, %broadcast_in_dim3A_157, %get3A_51 : vector<416x128xi1>, vector<416x128xf32>
    %sub3A = arith.subf %mul3A_80, %mul3A_70 : vector<416x128xf32>
    %sub3A_159 = arith.subf %mul3A_85, %mul3A_75 : vector<416x128xf32>
    %sub3A_160 = arith.subf %get3A_61, %get3A_56 : vector<416x128xf32>
    %sub3A_161 = arith.subf %mul3A_90, %mul3A_70 : vector<416x128xf32>
    %sub3A_162 = arith.subf %mul3A_95, %mul3A_75 : vector<416x128xf32>
    %sub3A_163 = arith.subf %get3A_66, %get3A_56 : vector<416x128xf32>
    %sub3A_164 = arith.subf %mul3A_90, %mul3A_80 : vector<416x128xf32>
    %sub3A_165 = arith.subf %mul3A_95, %mul3A_85 : vector<416x128xf32>
    %sub3A_166 = arith.subf %get3A_66, %get3A_61 : vector<416x128xf32>
    %sub3A_167 = arith.subf %select_n3A_143, %select_n3A : vector<416x128xf32>
    %sub3A_168 = arith.subf %select_n3A_146, %select_n3A_137 : vector<416x128xf32>
    %sub3A_169 = arith.subf %select_n3A_149, %select_n3A_140 : vector<416x128xf32>
    %sub3A_170 = arith.subf %select_n3A_152, %select_n3A : vector<416x128xf32>
    %sub3A_171 = arith.subf %select_n3A_155, %select_n3A_137 : vector<416x128xf32>
    %sub3A_172 = arith.subf %select_n3A_158, %select_n3A_140 : vector<416x128xf32>
    %mul3A_173 = arith.mulf %sub3A_159, %sub3A_163 : vector<416x128xf32>
    %mul3A_174 = arith.mulf %sub3A_160, %sub3A_162 : vector<416x128xf32>
    %sub3A_175 = arith.subf %mul3A_173, %mul3A_174 : vector<416x128xf32>
    %mul3A_176 = arith.mulf %sub3A_160, %sub3A_161 : vector<416x128xf32>
    %mul3A_177 = arith.mulf %sub3A, %sub3A_163 : vector<416x128xf32>
    %sub3A_178 = arith.subf %mul3A_176, %mul3A_177 : vector<416x128xf32>
    %mul3A_179 = arith.mulf %sub3A, %sub3A_162 : vector<416x128xf32>
    %mul3A_180 = arith.mulf %sub3A_159, %sub3A_161 : vector<416x128xf32>
    %sub3A_181 = arith.subf %mul3A_179, %mul3A_180 : vector<416x128xf32>
    %mul3A_182 = arith.mulf %sub3A_168, %sub3A_172 : vector<416x128xf32>
    %mul3A_183 = arith.mulf %sub3A_169, %sub3A_171 : vector<416x128xf32>
    %sub3A_184 = arith.subf %mul3A_182, %mul3A_183 : vector<416x128xf32>
    %mul3A_185 = arith.mulf %sub3A_169, %sub3A_170 : vector<416x128xf32>
    %mul3A_186 = arith.mulf %sub3A_167, %sub3A_172 : vector<416x128xf32>
    %sub3A_187 = arith.subf %mul3A_185, %mul3A_186 : vector<416x128xf32>
    %mul3A_188 = arith.mulf %sub3A_167, %sub3A_171 : vector<416x128xf32>
    %mul3A_189 = arith.mulf %sub3A_168, %sub3A_170 : vector<416x128xf32>
    %sub3A_190 = arith.subf %mul3A_188, %mul3A_189 : vector<416x128xf32>
    %mul3A_191 = arith.mulf %sub3A_175, %sub3A_175 : vector<416x128xf32>
    %mul3A_192 = arith.mulf %sub3A_178, %sub3A_178 : vector<416x128xf32>
    %add3A_193 = arith.addf %mul3A_191, %mul3A_192 : vector<416x128xf32>
    %mul3A_194 = arith.mulf %sub3A_181, %sub3A_181 : vector<416x128xf32>
    %add3A_195 = arith.addf %add3A_193, %mul3A_194 : vector<416x128xf32>
    %sqrt3A = math.sqrt %add3A_195 : vector<416x128xf32>
    %mul3A_196 = arith.mulf %sub3A_184, %sub3A_184 : vector<416x128xf32>
    %mul3A_197 = arith.mulf %sub3A_187, %sub3A_187 : vector<416x128xf32>
    %add3A_198 = arith.addf %mul3A_196, %mul3A_197 : vector<416x128xf32>
    %mul3A_199 = arith.mulf %sub3A_190, %sub3A_190 : vector<416x128xf32>
    %add3A_200 = arith.addf %add3A_198, %mul3A_199 : vector<416x128xf32>
    %sqrt3A_201 = math.sqrt %add3A_200 : vector<416x128xf32>
    %eq3A_202 = arith.constant 0.000000e+00 : f32
    %eq3A_203 = vector.broadcast %eq3A_202 : f32 to vector<416x128xf32>
    %eq3A_204 = arith.cmpf oeq, %sqrt3A, %eq3A_203 : vector<416x128xf32>
    %convert_element_type3A = arith.extui %eq3A_204 : vector<416x128xi1> to vector<416x128xi32>
    %convert_element_type3A_205 = arith.sitofp %convert_element_type3A : vector<416x128xi32> to vector<416x128xf32>
    %mul3A_206 = arith.constant 0.00999999977 : f32
    %mul3A_207 = vector.broadcast %mul3A_206 : f32 to vector<416x128xf32>
    %mul3A_208 = arith.mulf %convert_element_type3A_205, %mul3A_207 : vector<416x128xf32>
    %add3A_209 = arith.addf %sqrt3A, %mul3A_208 : vector<416x128xf32>
    %eq3A_210 = arith.constant 0.000000e+00 : f32
    %eq3A_211 = vector.broadcast %eq3A_210 : f32 to vector<416x128xf32>
    %eq3A_212 = arith.cmpf oeq, %sqrt3A_201, %eq3A_211 : vector<416x128xf32>
    %convert_element_type3A_213 = arith.extui %eq3A_212 : vector<416x128xi1> to vector<416x128xi32>
    %convert_element_type3A_214 = arith.sitofp %convert_element_type3A_213 : vector<416x128xi32> to vector<416x128xf32>
    %mul3A_215 = arith.constant 0.00999999977 : f32
    %mul3A_216 = vector.broadcast %mul3A_215 : f32 to vector<416x128xf32>
    %mul3A_217 = arith.mulf %convert_element_type3A_214, %mul3A_216 : vector<416x128xf32>
    %add3A_218 = arith.addf %sqrt3A_201, %mul3A_217 : vector<416x128xf32>
    %div3A = arith.constant 1.000000e+00 : f32
    %div3A_219 = vector.broadcast %div3A : f32 to vector<416x128xf32>
    %div3A_220 = arith.divf %div3A_219, %add3A_209 : vector<416x128xf32>
    %div3A_221 = arith.constant 1.000000e+00 : f32
    %div3A_222 = vector.broadcast %div3A_221 : f32 to vector<416x128xf32>
    %div3A_223 = arith.divf %div3A_222, %add3A_218 : vector<416x128xf32>
    %mul3A_224 = arith.mulf %sub3A_175, %div3A_220 : vector<416x128xf32>
    %mul3A_225 = arith.mulf %sub3A_184, %div3A_223 : vector<416x128xf32>
    %sub3A_226 = arith.subf %mul3A_224, %mul3A_225 : vector<416x128xf32>
    %abs3A_227 = math.absf %sub3A_226 : vector<416x128xf32>
    %mul3A_228 = arith.mulf %sub3A_178, %div3A_220 : vector<416x128xf32>
    %mul3A_229 = arith.mulf %sub3A_187, %div3A_223 : vector<416x128xf32>
    %sub3A_230 = arith.subf %mul3A_228, %mul3A_229 : vector<416x128xf32>
    %abs3A_231 = math.absf %sub3A_230 : vector<416x128xf32>
    %add3A_232 = arith.addf %abs3A_227, %abs3A_231 : vector<416x128xf32>
    %mul3A_233 = arith.mulf %sub3A_181, %div3A_220 : vector<416x128xf32>
    %mul3A_234 = arith.mulf %sub3A_190, %div3A_223 : vector<416x128xf32>
    %sub3A_235 = arith.subf %mul3A_233, %mul3A_234 : vector<416x128xf32>
    %abs3A_236 = math.absf %sub3A_235 : vector<416x128xf32>
    %add3A_237 = arith.addf %add3A_232, %abs3A_236 : vector<416x128xf32>
    %integer_pow3A = arith.mulf %sub3A, %sub3A : vector<416x128xf32>
    %integer_pow3A_238 = arith.mulf %sub3A_159, %sub3A_159 : vector<416x128xf32>
    %add3A_239 = arith.addf %integer_pow3A, %integer_pow3A_238 : vector<416x128xf32>
    %integer_pow3A_240 = arith.mulf %sub3A_160, %sub3A_160 : vector<416x128xf32>
    %add3A_241 = arith.addf %add3A_239, %integer_pow3A_240 : vector<416x128xf32>
    %sqrt3A_242 = math.sqrt %add3A_241 : vector<416x128xf32>
    %integer_pow3A_243 = arith.mulf %sub3A_161, %sub3A_161 : vector<416x128xf32>
    %integer_pow3A_244 = arith.mulf %sub3A_162, %sub3A_162 : vector<416x128xf32>
    %add3A_245 = arith.addf %integer_pow3A_243, %integer_pow3A_244 : vector<416x128xf32>
    %integer_pow3A_246 = arith.mulf %sub3A_163, %sub3A_163 : vector<416x128xf32>
    %add3A_247 = arith.addf %add3A_245, %integer_pow3A_246 : vector<416x128xf32>
    %sqrt3A_248 = math.sqrt %add3A_247 : vector<416x128xf32>
    %integer_pow3A_249 = arith.mulf %sub3A_164, %sub3A_164 : vector<416x128xf32>
    %integer_pow3A_250 = arith.mulf %sub3A_165, %sub3A_165 : vector<416x128xf32>
    %add3A_251 = arith.addf %integer_pow3A_249, %integer_pow3A_250 : vector<416x128xf32>
    %integer_pow3A_252 = arith.mulf %sub3A_166, %sub3A_166 : vector<416x128xf32>
    %add3A_253 = arith.addf %add3A_251, %integer_pow3A_252 : vector<416x128xf32>
    %sqrt3A_254 = math.sqrt %add3A_253 : vector<416x128xf32>
    %broadcast_in_dim3A_255 = arith.constant 0 : i32
    %broadcast_in_dim3A_256 = vector.broadcast %broadcast_in_dim3A_255 : i32 to vector<416x128xi32>
    %mul3A_257 = arith.mulf %sub3A, %sub3A : vector<416x128xf32>
    %mul3A_258 = arith.mulf %sub3A_159, %sub3A_159 : vector<416x128xf32>
    %add3A_259 = arith.addf %mul3A_257, %mul3A_258 : vector<416x128xf32>
    %mul3A_260 = arith.mulf %sub3A_160, %sub3A_160 : vector<416x128xf32>
    %add3A_261 = arith.addf %add3A_259, %mul3A_260 : vector<416x128xf32>
    %mul3A_262 = arith.mulf %sqrt3A_242, %sqrt3A_242 : vector<416x128xf32>
    %add3A_263 = arith.constant 9.99999993E-9 : f32
    %add3A_264 = vector.broadcast %add3A_263 : f32 to vector<416x128xf32>
    %add3A_265 = arith.addf %mul3A_262, %add3A_264 : vector<416x128xf32>
    %mul3A_266 = arith.constant 0.866999983 : f32
    %mul3A_267 = vector.broadcast %mul3A_266 : f32 to vector<416x128xf32>
    %mul3A_268 = arith.mulf %mul3A_267, %add3A_265 : vector<416x128xf32>
    %gt3A = arith.cmpf ogt, %add3A_261, %mul3A_268 : vector<416x128xf32>
    %convert_element_type3A_269 = arith.extui %gt3A : vector<416x128xi1> to vector<416x128xi32>
    %add3A_270 = arith.addi %broadcast_in_dim3A_256, %convert_element_type3A_269 : vector<416x128xi32>
    %neg3A = arith.constant 0.000000e+00 : f32
    %neg3A_271 = vector.broadcast %neg3A : f32 to vector<416x128xf32>
    %neg3A_272 = arith.subf %neg3A_271, %mul3A_268 : vector<416x128xf32>
    %lt3A_273 = arith.cmpf olt, %add3A_261, %neg3A_272 : vector<416x128xf32>
    %convert_element_type3A_274 = arith.extui %lt3A_273 : vector<416x128xi1> to vector<416x128xi32>
    %add3A_275 = arith.addi %add3A_270, %convert_element_type3A_274 : vector<416x128xi32>
    %mul3A_276 = arith.mulf %sub3A, %sub3A_161 : vector<416x128xf32>
    %mul3A_277 = arith.mulf %sub3A_159, %sub3A_162 : vector<416x128xf32>
    %add3A_278 = arith.addf %mul3A_276, %mul3A_277 : vector<416x128xf32>
    %mul3A_279 = arith.mulf %sub3A_160, %sub3A_163 : vector<416x128xf32>
    %add3A_280 = arith.addf %add3A_278, %mul3A_279 : vector<416x128xf32>
    %mul3A_281 = arith.mulf %sqrt3A_242, %sqrt3A_248 : vector<416x128xf32>
    %add3A_282 = arith.constant 9.99999993E-9 : f32
    %add3A_283 = vector.broadcast %add3A_282 : f32 to vector<416x128xf32>
    %add3A_284 = arith.addf %mul3A_281, %add3A_283 : vector<416x128xf32>
    %mul3A_285 = arith.constant 0.866999983 : f32
    %mul3A_286 = vector.broadcast %mul3A_285 : f32 to vector<416x128xf32>
    %mul3A_287 = arith.mulf %mul3A_286, %add3A_284 : vector<416x128xf32>
    %gt3A_288 = arith.cmpf ogt, %add3A_280, %mul3A_287 : vector<416x128xf32>
    %convert_element_type3A_289 = arith.extui %gt3A_288 : vector<416x128xi1> to vector<416x128xi32>
    %add3A_290 = arith.addi %add3A_275, %convert_element_type3A_289 : vector<416x128xi32>
    %neg3A_291 = arith.constant 0.000000e+00 : f32
    %neg3A_292 = vector.broadcast %neg3A_291 : f32 to vector<416x128xf32>
    %neg3A_293 = arith.subf %neg3A_292, %mul3A_287 : vector<416x128xf32>
    %lt3A_294 = arith.cmpf olt, %add3A_280, %neg3A_293 : vector<416x128xf32>
    %convert_element_type3A_295 = arith.extui %lt3A_294 : vector<416x128xi1> to vector<416x128xi32>
    %add3A_296 = arith.addi %add3A_290, %convert_element_type3A_295 : vector<416x128xi32>
    %mul3A_297 = arith.mulf %sub3A, %sub3A_164 : vector<416x128xf32>
    %mul3A_298 = arith.mulf %sub3A_159, %sub3A_165 : vector<416x128xf32>
    %add3A_299 = arith.addf %mul3A_297, %mul3A_298 : vector<416x128xf32>
    %mul3A_300 = arith.mulf %sub3A_160, %sub3A_166 : vector<416x128xf32>
    %add3A_301 = arith.addf %add3A_299, %mul3A_300 : vector<416x128xf32>
    %mul3A_302 = arith.mulf %sqrt3A_242, %sqrt3A_254 : vector<416x128xf32>
    %add3A_303 = arith.constant 9.99999993E-9 : f32
    %add3A_304 = vector.broadcast %add3A_303 : f32 to vector<416x128xf32>
    %add3A_305 = arith.addf %mul3A_302, %add3A_304 : vector<416x128xf32>
    %mul3A_306 = arith.constant 0.866999983 : f32
    %mul3A_307 = vector.broadcast %mul3A_306 : f32 to vector<416x128xf32>
    %mul3A_308 = arith.mulf %mul3A_307, %add3A_305 : vector<416x128xf32>
    %gt3A_309 = arith.cmpf ogt, %add3A_301, %mul3A_308 : vector<416x128xf32>
    %convert_element_type3A_310 = arith.extui %gt3A_309 : vector<416x128xi1> to vector<416x128xi32>
    %add3A_311 = arith.addi %add3A_296, %convert_element_type3A_310 : vector<416x128xi32>
    %neg3A_312 = arith.constant 0.000000e+00 : f32
    %neg3A_313 = vector.broadcast %neg3A_312 : f32 to vector<416x128xf32>
    %neg3A_314 = arith.subf %neg3A_313, %mul3A_308 : vector<416x128xf32>
    %lt3A_315 = arith.cmpf olt, %add3A_301, %neg3A_314 : vector<416x128xf32>
    %convert_element_type3A_316 = arith.extui %lt3A_315 : vector<416x128xi1> to vector<416x128xi32>
    %add3A_317 = arith.addi %add3A_311, %convert_element_type3A_316 : vector<416x128xi32>
    %mul3A_318 = arith.mulf %sub3A_161, %sub3A : vector<416x128xf32>
    %mul3A_319 = arith.mulf %sub3A_162, %sub3A_159 : vector<416x128xf32>
    %add3A_320 = arith.addf %mul3A_318, %mul3A_319 : vector<416x128xf32>
    %mul3A_321 = arith.mulf %sub3A_163, %sub3A_160 : vector<416x128xf32>
    %add3A_322 = arith.addf %add3A_320, %mul3A_321 : vector<416x128xf32>
    %mul3A_323 = arith.mulf %sqrt3A_248, %sqrt3A_242 : vector<416x128xf32>
    %add3A_324 = arith.constant 9.99999993E-9 : f32
    %add3A_325 = vector.broadcast %add3A_324 : f32 to vector<416x128xf32>
    %add3A_326 = arith.addf %mul3A_323, %add3A_325 : vector<416x128xf32>
    %mul3A_327 = arith.constant 0.866999983 : f32
    %mul3A_328 = vector.broadcast %mul3A_327 : f32 to vector<416x128xf32>
    %mul3A_329 = arith.mulf %mul3A_328, %add3A_326 : vector<416x128xf32>
    %gt3A_330 = arith.cmpf ogt, %add3A_322, %mul3A_329 : vector<416x128xf32>
    %convert_element_type3A_331 = arith.extui %gt3A_330 : vector<416x128xi1> to vector<416x128xi32>
    %add3A_332 = arith.addi %add3A_317, %convert_element_type3A_331 : vector<416x128xi32>
    %neg3A_333 = arith.constant 0.000000e+00 : f32
    %neg3A_334 = vector.broadcast %neg3A_333 : f32 to vector<416x128xf32>
    %neg3A_335 = arith.subf %neg3A_334, %mul3A_329 : vector<416x128xf32>
    %lt3A_336 = arith.cmpf olt, %add3A_322, %neg3A_335 : vector<416x128xf32>
    %convert_element_type3A_337 = arith.extui %lt3A_336 : vector<416x128xi1> to vector<416x128xi32>
    %add3A_338 = arith.addi %add3A_332, %convert_element_type3A_337 : vector<416x128xi32>
    %mul3A_339 = arith.mulf %sub3A_161, %sub3A_161 : vector<416x128xf32>
    %mul3A_340 = arith.mulf %sub3A_162, %sub3A_162 : vector<416x128xf32>
    %add3A_341 = arith.addf %mul3A_339, %mul3A_340 : vector<416x128xf32>
    %mul3A_342 = arith.mulf %sub3A_163, %sub3A_163 : vector<416x128xf32>
    %add3A_343 = arith.addf %add3A_341, %mul3A_342 : vector<416x128xf32>
    %mul3A_344 = arith.mulf %sqrt3A_248, %sqrt3A_248 : vector<416x128xf32>
    %add3A_345 = arith.constant 9.99999993E-9 : f32
    %add3A_346 = vector.broadcast %add3A_345 : f32 to vector<416x128xf32>
    %add3A_347 = arith.addf %mul3A_344, %add3A_346 : vector<416x128xf32>
    %mul3A_348 = arith.constant 0.866999983 : f32
    %mul3A_349 = vector.broadcast %mul3A_348 : f32 to vector<416x128xf32>
    %mul3A_350 = arith.mulf %mul3A_349, %add3A_347 : vector<416x128xf32>
    %gt3A_351 = arith.cmpf ogt, %add3A_343, %mul3A_350 : vector<416x128xf32>
    %convert_element_type3A_352 = arith.extui %gt3A_351 : vector<416x128xi1> to vector<416x128xi32>
    %add3A_353 = arith.addi %add3A_338, %convert_element_type3A_352 : vector<416x128xi32>
    %neg3A_354 = arith.constant 0.000000e+00 : f32
    %neg3A_355 = vector.broadcast %neg3A_354 : f32 to vector<416x128xf32>
    %neg3A_356 = arith.subf %neg3A_355, %mul3A_350 : vector<416x128xf32>
    %lt3A_357 = arith.cmpf olt, %add3A_343, %neg3A_356 : vector<416x128xf32>
    %convert_element_type3A_358 = arith.extui %lt3A_357 : vector<416x128xi1> to vector<416x128xi32>
    %add3A_359 = arith.addi %add3A_353, %convert_element_type3A_358 : vector<416x128xi32>
    %mul3A_360 = arith.mulf %sub3A_161, %sub3A_164 : vector<416x128xf32>
    %mul3A_361 = arith.mulf %sub3A_162, %sub3A_165 : vector<416x128xf32>
    %add3A_362 = arith.addf %mul3A_360, %mul3A_361 : vector<416x128xf32>
    %mul3A_363 = arith.mulf %sub3A_163, %sub3A_166 : vector<416x128xf32>
    %add3A_364 = arith.addf %add3A_362, %mul3A_363 : vector<416x128xf32>
    %mul3A_365 = arith.mulf %sqrt3A_248, %sqrt3A_254 : vector<416x128xf32>
    %add3A_366 = arith.constant 9.99999993E-9 : f32
    %add3A_367 = vector.broadcast %add3A_366 : f32 to vector<416x128xf32>
    %add3A_368 = arith.addf %mul3A_365, %add3A_367 : vector<416x128xf32>
    %mul3A_369 = arith.constant 0.866999983 : f32
    %mul3A_370 = vector.broadcast %mul3A_369 : f32 to vector<416x128xf32>
    %mul3A_371 = arith.mulf %mul3A_370, %add3A_368 : vector<416x128xf32>
    %gt3A_372 = arith.cmpf ogt, %add3A_364, %mul3A_371 : vector<416x128xf32>
    %convert_element_type3A_373 = arith.extui %gt3A_372 : vector<416x128xi1> to vector<416x128xi32>
    %add3A_374 = arith.addi %add3A_359, %convert_element_type3A_373 : vector<416x128xi32>
    %neg3A_375 = arith.constant 0.000000e+00 : f32
    %neg3A_376 = vector.broadcast %neg3A_375 : f32 to vector<416x128xf32>
    %neg3A_377 = arith.subf %neg3A_376, %mul3A_371 : vector<416x128xf32>
    %lt3A_378 = arith.cmpf olt, %add3A_364, %neg3A_377 : vector<416x128xf32>
    %convert_element_type3A_379 = arith.extui %lt3A_378 : vector<416x128xi1> to vector<416x128xi32>
    %add3A_380 = arith.addi %add3A_374, %convert_element_type3A_379 : vector<416x128xi32>
    %mul3A_381 = arith.mulf %sub3A_164, %sub3A : vector<416x128xf32>
    %mul3A_382 = arith.mulf %sub3A_165, %sub3A_159 : vector<416x128xf32>
    %add3A_383 = arith.addf %mul3A_381, %mul3A_382 : vector<416x128xf32>
    %mul3A_384 = arith.mulf %sub3A_166, %sub3A_160 : vector<416x128xf32>
    %add3A_385 = arith.addf %add3A_383, %mul3A_384 : vector<416x128xf32>
    %mul3A_386 = arith.mulf %sqrt3A_254, %sqrt3A_242 : vector<416x128xf32>
    %add3A_387 = arith.constant 9.99999993E-9 : f32
    %add3A_388 = vector.broadcast %add3A_387 : f32 to vector<416x128xf32>
    %add3A_389 = arith.addf %mul3A_386, %add3A_388 : vector<416x128xf32>
    %mul3A_390 = arith.constant 0.866999983 : f32
    %mul3A_391 = vector.broadcast %mul3A_390 : f32 to vector<416x128xf32>
    %mul3A_392 = arith.mulf %mul3A_391, %add3A_389 : vector<416x128xf32>
    %gt3A_393 = arith.cmpf ogt, %add3A_385, %mul3A_392 : vector<416x128xf32>
    %convert_element_type3A_394 = arith.extui %gt3A_393 : vector<416x128xi1> to vector<416x128xi32>
    %add3A_395 = arith.addi %add3A_380, %convert_element_type3A_394 : vector<416x128xi32>
    %neg3A_396 = arith.constant 0.000000e+00 : f32
    %neg3A_397 = vector.broadcast %neg3A_396 : f32 to vector<416x128xf32>
    %neg3A_398 = arith.subf %neg3A_397, %mul3A_392 : vector<416x128xf32>
    %lt3A_399 = arith.cmpf olt, %add3A_385, %neg3A_398 : vector<416x128xf32>
    %convert_element_type3A_400 = arith.extui %lt3A_399 : vector<416x128xi1> to vector<416x128xi32>
    %add3A_401 = arith.addi %add3A_395, %convert_element_type3A_400 : vector<416x128xi32>
    %mul3A_402 = arith.mulf %sub3A_164, %sub3A_161 : vector<416x128xf32>
    %mul3A_403 = arith.mulf %sub3A_165, %sub3A_162 : vector<416x128xf32>
    %add3A_404 = arith.addf %mul3A_402, %mul3A_403 : vector<416x128xf32>
    %mul3A_405 = arith.mulf %sub3A_166, %sub3A_163 : vector<416x128xf32>
    %add3A_406 = arith.addf %add3A_404, %mul3A_405 : vector<416x128xf32>
    %mul3A_407 = arith.mulf %sqrt3A_254, %sqrt3A_248 : vector<416x128xf32>
    %add3A_408 = arith.constant 9.99999993E-9 : f32
    %add3A_409 = vector.broadcast %add3A_408 : f32 to vector<416x128xf32>
    %add3A_410 = arith.addf %mul3A_407, %add3A_409 : vector<416x128xf32>
    %mul3A_411 = arith.constant 0.866999983 : f32
    %mul3A_412 = vector.broadcast %mul3A_411 : f32 to vector<416x128xf32>
    %mul3A_413 = arith.mulf %mul3A_412, %add3A_410 : vector<416x128xf32>
    %gt3A_414 = arith.cmpf ogt, %add3A_406, %mul3A_413 : vector<416x128xf32>
    %convert_element_type3A_415 = arith.extui %gt3A_414 : vector<416x128xi1> to vector<416x128xi32>
    %add3A_416 = arith.addi %add3A_401, %convert_element_type3A_415 : vector<416x128xi32>
    %neg3A_417 = arith.constant 0.000000e+00 : f32
    %neg3A_418 = vector.broadcast %neg3A_417 : f32 to vector<416x128xf32>
    %neg3A_419 = arith.subf %neg3A_418, %mul3A_413 : vector<416x128xf32>
    %lt3A_420 = arith.cmpf olt, %add3A_406, %neg3A_419 : vector<416x128xf32>
    %convert_element_type3A_421 = arith.extui %lt3A_420 : vector<416x128xi1> to vector<416x128xi32>
    %add3A_422 = arith.addi %add3A_416, %convert_element_type3A_421 : vector<416x128xi32>
    %mul3A_423 = arith.mulf %sub3A_164, %sub3A_164 : vector<416x128xf32>
    %mul3A_424 = arith.mulf %sub3A_165, %sub3A_165 : vector<416x128xf32>
    %add3A_425 = arith.addf %mul3A_423, %mul3A_424 : vector<416x128xf32>
    %mul3A_426 = arith.mulf %sub3A_166, %sub3A_166 : vector<416x128xf32>
    %add3A_427 = arith.addf %add3A_425, %mul3A_426 : vector<416x128xf32>
    %mul3A_428 = arith.mulf %sqrt3A_254, %sqrt3A_254 : vector<416x128xf32>
    %add3A_429 = arith.constant 9.99999993E-9 : f32
    %add3A_430 = vector.broadcast %add3A_429 : f32 to vector<416x128xf32>
    %add3A_431 = arith.addf %mul3A_428, %add3A_430 : vector<416x128xf32>
    %mul3A_432 = arith.constant 0.866999983 : f32
    %mul3A_433 = vector.broadcast %mul3A_432 : f32 to vector<416x128xf32>
    %mul3A_434 = arith.mulf %mul3A_433, %add3A_431 : vector<416x128xf32>
    %gt3A_435 = arith.cmpf ogt, %add3A_427, %mul3A_434 : vector<416x128xf32>
    %convert_element_type3A_436 = arith.extui %gt3A_435 : vector<416x128xi1> to vector<416x128xi32>
    %add3A_437 = arith.addi %add3A_422, %convert_element_type3A_436 : vector<416x128xi32>
    %neg3A_438 = arith.constant 0.000000e+00 : f32
    %neg3A_439 = vector.broadcast %neg3A_438 : f32 to vector<416x128xf32>
    %neg3A_440 = arith.subf %neg3A_439, %mul3A_434 : vector<416x128xf32>
    %lt3A_441 = arith.cmpf olt, %add3A_427, %neg3A_440 : vector<416x128xf32>
    %convert_element_type3A_442 = arith.extui %lt3A_441 : vector<416x128xi1> to vector<416x128xi32>
    %add3A_443 = arith.addi %add3A_437, %convert_element_type3A_442 : vector<416x128xi32>
    %gt3A_444 = arith.constant 3 : i32
    %gt3A_445 = vector.broadcast %gt3A_444 : i32 to vector<416x128xi32>
    %gt3A_446 = arith.cmpi sgt, %add3A_443, %gt3A_445 : vector<416x128xi32>
    %gt3A_447 = arith.constant 5.000000e-02 : f32
    %gt3A_448 = vector.broadcast %gt3A_447 : f32 to vector<416x128xf32>
    %gt3A_449 = arith.cmpf ogt, %get3A_56, %gt3A_448 : vector<416x128xf32>
    %gt3A_450 = arith.constant 5.000000e-02 : f32
    %gt3A_451 = vector.broadcast %gt3A_450 : f32 to vector<416x128xf32>
    %gt3A_452 = arith.cmpf ogt, %get3A_61, %gt3A_451 : vector<416x128xf32>
    %and3A = arith.andi %gt3A_449, %gt3A_452 : vector<416x128xi1>
    %gt3A_453 = arith.constant 5.000000e-02 : f32
    %gt3A_454 = vector.broadcast %gt3A_453 : f32 to vector<416x128xf32>
    %gt3A_455 = arith.cmpf ogt, %get3A_66, %gt3A_454 : vector<416x128xf32>
    %and3A_456 = arith.andi %and3A, %gt3A_455 : vector<416x128xi1>
    %lt3A_457 = arith.constant 1.230000e+01 : f32
    %lt3A_458 = vector.broadcast %lt3A_457 : f32 to vector<416x128xf32>
    %lt3A_459 = arith.cmpf olt, %get3A_56, %lt3A_458 : vector<416x128xf32>
    %lt3A_460 = arith.constant 1.230000e+01 : f32
    %lt3A_461 = vector.broadcast %lt3A_460 : f32 to vector<416x128xf32>
    %lt3A_462 = arith.cmpf olt, %get3A_61, %lt3A_461 : vector<416x128xf32>
    %and3A_463 = arith.andi %lt3A_459, %lt3A_462 : vector<416x128xi1>
    %lt3A_464 = arith.constant 1.230000e+01 : f32
    %lt3A_465 = vector.broadcast %lt3A_464 : f32 to vector<416x128xf32>
    %lt3A_466 = arith.cmpf olt, %get3A_66, %lt3A_465 : vector<416x128xf32>
    %and3A_467 = arith.andi %and3A_463, %lt3A_466 : vector<416x128xi1>
    %abs3A_468 = math.absf %sub3A : vector<416x128xf32>
    %lt3A_469 = arith.constant 3.500000e-01 : f32
    %lt3A_470 = vector.broadcast %lt3A_469 : f32 to vector<416x128xf32>
    %lt3A_471 = arith.cmpf olt, %abs3A_468, %lt3A_470 : vector<416x128xf32>
    %abs3A_472 = math.absf %sub3A_161 : vector<416x128xf32>
    %lt3A_473 = arith.constant 3.500000e-01 : f32
    %lt3A_474 = vector.broadcast %lt3A_473 : f32 to vector<416x128xf32>
    %lt3A_475 = arith.cmpf olt, %abs3A_472, %lt3A_474 : vector<416x128xf32>
    %or3A = arith.ori %lt3A_471, %lt3A_475 : vector<416x128xi1>
    %abs3A_476 = math.absf %sub3A_164 : vector<416x128xf32>
    %lt3A_477 = arith.constant 3.500000e-01 : f32
    %lt3A_478 = vector.broadcast %lt3A_477 : f32 to vector<416x128xf32>
    %lt3A_479 = arith.cmpf olt, %abs3A_476, %lt3A_478 : vector<416x128xf32>
    %or3A_480 = arith.ori %or3A, %lt3A_479 : vector<416x128xi1>
    %abs3A_481 = math.absf %sub3A_159 : vector<416x128xf32>
    %lt3A_482 = arith.constant 3.500000e-01 : f32
    %lt3A_483 = vector.broadcast %lt3A_482 : f32 to vector<416x128xf32>
    %lt3A_484 = arith.cmpf olt, %abs3A_481, %lt3A_483 : vector<416x128xf32>
    %abs3A_485 = math.absf %sub3A_162 : vector<416x128xf32>
    %lt3A_486 = arith.constant 3.500000e-01 : f32
    %lt3A_487 = vector.broadcast %lt3A_486 : f32 to vector<416x128xf32>
    %lt3A_488 = arith.cmpf olt, %abs3A_485, %lt3A_487 : vector<416x128xf32>
    %or3A_489 = arith.ori %lt3A_484, %lt3A_488 : vector<416x128xi1>
    %abs3A_490 = math.absf %sub3A_165 : vector<416x128xf32>
    %lt3A_491 = arith.constant 3.500000e-01 : f32
    %lt3A_492 = vector.broadcast %lt3A_491 : f32 to vector<416x128xf32>
    %lt3A_493 = arith.cmpf olt, %abs3A_490, %lt3A_492 : vector<416x128xf32>
    %or3A_494 = arith.ori %or3A_489, %lt3A_493 : vector<416x128xi1>
    %abs3A_495 = math.absf %sub3A_160 : vector<416x128xf32>
    %lt3A_496 = arith.constant 3.500000e-01 : f32
    %lt3A_497 = vector.broadcast %lt3A_496 : f32 to vector<416x128xf32>
    %lt3A_498 = arith.cmpf olt, %abs3A_495, %lt3A_497 : vector<416x128xf32>
    %abs3A_499 = math.absf %sub3A_163 : vector<416x128xf32>
    %lt3A_500 = arith.constant 3.500000e-01 : f32
    %lt3A_501 = vector.broadcast %lt3A_500 : f32 to vector<416x128xf32>
    %lt3A_502 = arith.cmpf olt, %abs3A_499, %lt3A_501 : vector<416x128xf32>
    %or3A_503 = arith.ori %lt3A_498, %lt3A_502 : vector<416x128xi1>
    %abs3A_504 = math.absf %sub3A_166 : vector<416x128xf32>
    %lt3A_505 = arith.constant 3.500000e-01 : f32
    %lt3A_506 = vector.broadcast %lt3A_505 : f32 to vector<416x128xf32>
    %lt3A_507 = arith.cmpf olt, %abs3A_504, %lt3A_506 : vector<416x128xf32>
    %or3A_508 = arith.ori %or3A_503, %lt3A_507 : vector<416x128xi1>
    %and3A_509 = arith.andi %and3A_456, %and3A_467 : vector<416x128xi1>
    %and3A_510 = arith.andi %or3A_480, %or3A_494 : vector<416x128xi1>
    %and3A_511 = arith.andi %and3A_510, %or3A_508 : vector<416x128xi1>
    %or3A_512 = arith.ori %and3A_511, %gt3A_446 : vector<416x128xi1>
    %not3A = arith.constant dense<true> : vector<416x128xi1>
    %not3A_513 = arith.xori %or3A_512, %not3A : vector<416x128xi1>
    %and3A_514 = arith.andi %and3A_509, %not3A_513 : vector<416x128xi1>
    %and3A_515 = arith.andi %and3A_514, %lt3A_33 : vector<416x128xi1>
    %jit3A_516 = arith.constant 0x7F800000 : f32
    %broadcast_in_dim3A_517 = vector.broadcast %jit3A_516 : f32 to vector<416x128xf32>
    %select_n3A_518 = arith.select %and3A_515, %add3A_237, %broadcast_in_dim3A_517 : vector<416x128xi1>, vector<416x128xf32>
    %convert_element_type3A_519 = arith.extui %and3A_515 : vector<416x128xi1> to vector<416x128xi32>
    %add3A_520 = arith.addi %broadcast_in_dim3A_34, %convert_element_type3A_519 : vector<416x128xi32>
    %jit3A_521 = arith.constant 0.000000e+00 : f32
    %broadcast_in_dim3A_522 = vector.broadcast %jit3A_521 : f32 to vector<416x128xf32>
    %select_n3A_523 = arith.select %and3A_515, %add3A_237, %broadcast_in_dim3A_522 : vector<416x128xi1>, vector<416x128xf32>
    %add3A_524 = arith.addf %broadcast_in_dim3A_36, %select_n3A_523 : vector<416x128xf32>
    %get3A_525 = arith.constant 3 : index
    %get3A_526 = arith.constant 0 : index
    %get3A_527 = arith.constant 0 : index
    %get3A_528 = vector.load %arg0[%get3A_525, %get3A_526, %get3A_527] : memref<12x416x128xf32, #tpu.memory_space<vmem>>, vector<1x416x128xf32>
    %get3A_529 = vector.shape_cast %get3A_528 : vector<1x416x128xf32> to vector<416x128xf32>
    %get3A_530 = arith.constant 4 : index
    %get3A_531 = arith.constant 0 : index
    %get3A_532 = arith.constant 0 : index
    %get3A_533 = vector.load %arg0[%get3A_530, %get3A_531, %get3A_532] : memref<12x416x128xf32, #tpu.memory_space<vmem>>, vector<1x416x128xf32>
    %get3A_534 = vector.shape_cast %get3A_533 : vector<1x416x128xf32> to vector<416x128xf32>
    %get3A_535 = arith.constant 5 : index
    %get3A_536 = arith.constant 0 : index
    %get3A_537 = arith.constant 0 : index
    %get3A_538 = vector.load %arg0[%get3A_535, %get3A_536, %get3A_537] : memref<12x416x128xf32, #tpu.memory_space<vmem>>, vector<1x416x128xf32>
    %get3A_539 = vector.shape_cast %get3A_538 : vector<1x416x128xf32> to vector<416x128xf32>
    %get3A_540 = arith.constant 9 : index
    %get3A_541 = arith.constant 0 : index
    %get3A_542 = arith.constant 0 : index
    %get3A_543 = vector.load %arg0[%get3A_540, %get3A_541, %get3A_542] : memref<12x416x128xf32, #tpu.memory_space<vmem>>, vector<1x416x128xf32>
    %get3A_544 = vector.shape_cast %get3A_543 : vector<1x416x128xf32> to vector<416x128xf32>
    %get3A_545 = arith.constant 10 : index
    %get3A_546 = arith.constant 0 : index
    %get3A_547 = arith.constant 0 : index
    %get3A_548 = vector.load %arg0[%get3A_545, %get3A_546, %get3A_547] : memref<12x416x128xf32, #tpu.memory_space<vmem>>, vector<1x416x128xf32>
    %get3A_549 = vector.shape_cast %get3A_548 : vector<1x416x128xf32> to vector<416x128xf32>
    %get3A_550 = arith.constant 11 : index
    %get3A_551 = arith.constant 0 : index
    %get3A_552 = arith.constant 0 : index
    %get3A_553 = vector.load %arg0[%get3A_550, %get3A_551, %get3A_552] : memref<12x416x128xf32, #tpu.memory_space<vmem>>, vector<1x416x128xf32>
    %get3A_554 = vector.shape_cast %get3A_553 : vector<1x416x128xf32> to vector<416x128xf32>
    %abs3A_555 = math.absf %get3A_544 : vector<416x128xf32>
    %mul3A_556 = arith.mulf %get3A_3, %abs3A_555 : vector<416x128xf32>
    %mul3A_557 = arith.constant 1.927310e-03 : f32
    %mul3A_558 = vector.broadcast %mul3A_557 : f32 to vector<416x128xf32>
    %mul3A_559 = arith.mulf %mul3A_556, %mul3A_558 : vector<416x128xf32>
    %abs3A_560 = math.absf %get3A_544 : vector<416x128xf32>
    %mul3A_561 = arith.mulf %get3A_18, %abs3A_560 : vector<416x128xf32>
    %mul3A_562 = arith.constant 1.927310e-03 : f32
    %mul3A_563 = vector.broadcast %mul3A_562 : f32 to vector<416x128xf32>
    %mul3A_564 = arith.mulf %mul3A_561, %mul3A_563 : vector<416x128xf32>
    %abs3A_565 = math.absf %get3A_549 : vector<416x128xf32>
    %mul3A_566 = arith.mulf %get3A_8, %abs3A_565 : vector<416x128xf32>
    %mul3A_567 = arith.constant 1.927310e-03 : f32
    %mul3A_568 = vector.broadcast %mul3A_567 : f32 to vector<416x128xf32>
    %mul3A_569 = arith.mulf %mul3A_566, %mul3A_568 : vector<416x128xf32>
    %abs3A_570 = math.absf %get3A_549 : vector<416x128xf32>
    %mul3A_571 = arith.mulf %get3A_23, %abs3A_570 : vector<416x128xf32>
    %mul3A_572 = arith.constant 1.927310e-03 : f32
    %mul3A_573 = vector.broadcast %mul3A_572 : f32 to vector<416x128xf32>
    %mul3A_574 = arith.mulf %mul3A_571, %mul3A_573 : vector<416x128xf32>
    %abs3A_575 = math.absf %get3A_554 : vector<416x128xf32>
    %mul3A_576 = arith.mulf %get3A_13, %abs3A_575 : vector<416x128xf32>
    %mul3A_577 = arith.constant 1.927310e-03 : f32
    %mul3A_578 = vector.broadcast %mul3A_577 : f32 to vector<416x128xf32>
    %mul3A_579 = arith.mulf %mul3A_576, %mul3A_578 : vector<416x128xf32>
    %abs3A_580 = math.absf %get3A_554 : vector<416x128xf32>
    %mul3A_581 = arith.mulf %get3A_28, %abs3A_580 : vector<416x128xf32>
    %mul3A_582 = arith.constant 1.927310e-03 : f32
    %mul3A_583 = vector.broadcast %mul3A_582 : f32 to vector<416x128xf32>
    %mul3A_584 = arith.mulf %mul3A_581, %mul3A_583 : vector<416x128xf32>
    %abs3A_585 = math.absf %get3A_529 : vector<416x128xf32>
    %mul3A_586 = arith.mulf %get3A_3, %abs3A_585 : vector<416x128xf32>
    %mul3A_587 = arith.constant 1.927310e-03 : f32
    %mul3A_588 = vector.broadcast %mul3A_587 : f32 to vector<416x128xf32>
    %mul3A_589 = arith.mulf %mul3A_586, %mul3A_588 : vector<416x128xf32>
    %abs3A_590 = math.absf %get3A_529 : vector<416x128xf32>
    %mul3A_591 = arith.mulf %get3A_18, %abs3A_590 : vector<416x128xf32>
    %mul3A_592 = arith.constant 1.927310e-03 : f32
    %mul3A_593 = vector.broadcast %mul3A_592 : f32 to vector<416x128xf32>
    %mul3A_594 = arith.mulf %mul3A_591, %mul3A_593 : vector<416x128xf32>
    %abs3A_595 = math.absf %get3A_534 : vector<416x128xf32>
    %mul3A_596 = arith.mulf %get3A_8, %abs3A_595 : vector<416x128xf32>
    %mul3A_597 = arith.constant 1.927310e-03 : f32
    %mul3A_598 = vector.broadcast %mul3A_597 : f32 to vector<416x128xf32>
    %mul3A_599 = arith.mulf %mul3A_596, %mul3A_598 : vector<416x128xf32>
    %abs3A_600 = math.absf %get3A_534 : vector<416x128xf32>
    %mul3A_601 = arith.mulf %get3A_23, %abs3A_600 : vector<416x128xf32>
    %mul3A_602 = arith.constant 1.927310e-03 : f32
    %mul3A_603 = vector.broadcast %mul3A_602 : f32 to vector<416x128xf32>
    %mul3A_604 = arith.mulf %mul3A_601, %mul3A_603 : vector<416x128xf32>
    %abs3A_605 = math.absf %get3A_539 : vector<416x128xf32>
    %mul3A_606 = arith.mulf %get3A_13, %abs3A_605 : vector<416x128xf32>
    %mul3A_607 = arith.constant 1.927310e-03 : f32
    %mul3A_608 = vector.broadcast %mul3A_607 : f32 to vector<416x128xf32>
    %mul3A_609 = arith.mulf %mul3A_606, %mul3A_608 : vector<416x128xf32>
    %abs3A_610 = math.absf %get3A_539 : vector<416x128xf32>
    %mul3A_611 = arith.mulf %get3A_28, %abs3A_610 : vector<416x128xf32>
    %mul3A_612 = arith.constant 1.927310e-03 : f32
    %mul3A_613 = vector.broadcast %mul3A_612 : f32 to vector<416x128xf32>
    %mul3A_614 = arith.mulf %mul3A_611, %mul3A_613 : vector<416x128xf32>
    %eq3A_615 = arith.constant 0.000000e+00 : f32
    %eq3A_616 = vector.broadcast %eq3A_615 : f32 to vector<416x128xf32>
    %eq3A_617 = arith.cmpf oeq, %get3A_529, %eq3A_616 : vector<416x128xf32>
    %eq3A_618 = arith.constant 0.000000e+00 : f32
    %eq3A_619 = vector.broadcast %eq3A_618 : f32 to vector<416x128xf32>
    %eq3A_620 = arith.cmpf oeq, %get3A_534, %eq3A_619 : vector<416x128xf32>
    %eq3A_621 = arith.constant 0.000000e+00 : f32
    %eq3A_622 = vector.broadcast %eq3A_621 : f32 to vector<416x128xf32>
    %eq3A_623 = arith.cmpf oeq, %get3A_539, %eq3A_622 : vector<416x128xf32>
    %jit3A_624 = arith.constant 9.99999974E-5 : f32
    %broadcast_in_dim3A_625 = vector.broadcast %jit3A_624 : f32 to vector<416x128xf32>
    %select_n3A_626 = arith.select %eq3A_617, %broadcast_in_dim3A_625, %mul3A_589 : vector<416x128xi1>, vector<416x128xf32>
    %jit3A_627 = arith.constant 9.99999974E-5 : f32
    %broadcast_in_dim3A_628 = vector.broadcast %jit3A_627 : f32 to vector<416x128xf32>
    %select_n3A_629 = arith.select %eq3A_620, %broadcast_in_dim3A_628, %mul3A_594 : vector<416x128xi1>, vector<416x128xf32>
    %jit3A_630 = arith.constant 9.99999974E-5 : f32
    %broadcast_in_dim3A_631 = vector.broadcast %jit3A_630 : f32 to vector<416x128xf32>
    %select_n3A_632 = arith.select %eq3A_623, %broadcast_in_dim3A_631, %get3A_529 : vector<416x128xi1>, vector<416x128xf32>
    %jit3A_633 = arith.constant 9.99999974E-5 : f32
    %broadcast_in_dim3A_634 = vector.broadcast %jit3A_633 : f32 to vector<416x128xf32>
    %select_n3A_635 = arith.select %eq3A_617, %broadcast_in_dim3A_634, %mul3A_599 : vector<416x128xi1>, vector<416x128xf32>
    %jit3A_636 = arith.constant 9.99999974E-5 : f32
    %broadcast_in_dim3A_637 = vector.broadcast %jit3A_636 : f32 to vector<416x128xf32>
    %select_n3A_638 = arith.select %eq3A_620, %broadcast_in_dim3A_637, %mul3A_604 : vector<416x128xi1>, vector<416x128xf32>
    %jit3A_639 = arith.constant 9.99999974E-5 : f32
    %broadcast_in_dim3A_640 = vector.broadcast %jit3A_639 : f32 to vector<416x128xf32>
    %select_n3A_641 = arith.select %eq3A_623, %broadcast_in_dim3A_640, %get3A_534 : vector<416x128xi1>, vector<416x128xf32>
    %jit3A_642 = arith.constant 9.99999974E-5 : f32
    %broadcast_in_dim3A_643 = vector.broadcast %jit3A_642 : f32 to vector<416x128xf32>
    %select_n3A_644 = arith.select %eq3A_617, %broadcast_in_dim3A_643, %mul3A_609 : vector<416x128xi1>, vector<416x128xf32>
    %jit3A_645 = arith.constant 9.99999974E-5 : f32
    %broadcast_in_dim3A_646 = vector.broadcast %jit3A_645 : f32 to vector<416x128xf32>
    %select_n3A_647 = arith.select %eq3A_620, %broadcast_in_dim3A_646, %mul3A_614 : vector<416x128xi1>, vector<416x128xf32>
    %jit3A_648 = arith.constant 9.99999974E-5 : f32
    %broadcast_in_dim3A_649 = vector.broadcast %jit3A_648 : f32 to vector<416x128xf32>
    %select_n3A_650 = arith.select %eq3A_623, %broadcast_in_dim3A_649, %get3A_539 : vector<416x128xi1>, vector<416x128xf32>
    %sub3A_651 = arith.subf %mul3A_569, %mul3A_559 : vector<416x128xf32>
    %sub3A_652 = arith.subf %mul3A_574, %mul3A_564 : vector<416x128xf32>
    %sub3A_653 = arith.subf %get3A_549, %get3A_544 : vector<416x128xf32>
    %sub3A_654 = arith.subf %mul3A_579, %mul3A_559 : vector<416x128xf32>
    %sub3A_655 = arith.subf %mul3A_584, %mul3A_564 : vector<416x128xf32>
    %sub3A_656 = arith.subf %get3A_554, %get3A_544 : vector<416x128xf32>
    %sub3A_657 = arith.subf %mul3A_579, %mul3A_569 : vector<416x128xf32>
    %sub3A_658 = arith.subf %mul3A_584, %mul3A_574 : vector<416x128xf32>
    %sub3A_659 = arith.subf %get3A_554, %get3A_549 : vector<416x128xf32>
    %sub3A_660 = arith.subf %select_n3A_635, %select_n3A_626 : vector<416x128xf32>
    %sub3A_661 = arith.subf %select_n3A_638, %select_n3A_629 : vector<416x128xf32>
    %sub3A_662 = arith.subf %select_n3A_641, %select_n3A_632 : vector<416x128xf32>
    %sub3A_663 = arith.subf %select_n3A_644, %select_n3A_626 : vector<416x128xf32>
    %sub3A_664 = arith.subf %select_n3A_647, %select_n3A_629 : vector<416x128xf32>
    %sub3A_665 = arith.subf %select_n3A_650, %select_n3A_632 : vector<416x128xf32>
    %mul3A_666 = arith.mulf %sub3A_652, %sub3A_656 : vector<416x128xf32>
    %mul3A_667 = arith.mulf %sub3A_653, %sub3A_655 : vector<416x128xf32>
    %sub3A_668 = arith.subf %mul3A_666, %mul3A_667 : vector<416x128xf32>
    %mul3A_669 = arith.mulf %sub3A_653, %sub3A_654 : vector<416x128xf32>
    %mul3A_670 = arith.mulf %sub3A_651, %sub3A_656 : vector<416x128xf32>
    %sub3A_671 = arith.subf %mul3A_669, %mul3A_670 : vector<416x128xf32>
    %mul3A_672 = arith.mulf %sub3A_651, %sub3A_655 : vector<416x128xf32>
    %mul3A_673 = arith.mulf %sub3A_652, %sub3A_654 : vector<416x128xf32>
    %sub3A_674 = arith.subf %mul3A_672, %mul3A_673 : vector<416x128xf32>
    %mul3A_675 = arith.mulf %sub3A_661, %sub3A_665 : vector<416x128xf32>
    %mul3A_676 = arith.mulf %sub3A_662, %sub3A_664 : vector<416x128xf32>
    %sub3A_677 = arith.subf %mul3A_675, %mul3A_676 : vector<416x128xf32>
    %mul3A_678 = arith.mulf %sub3A_662, %sub3A_663 : vector<416x128xf32>
    %mul3A_679 = arith.mulf %sub3A_660, %sub3A_665 : vector<416x128xf32>
    %sub3A_680 = arith.subf %mul3A_678, %mul3A_679 : vector<416x128xf32>
    %mul3A_681 = arith.mulf %sub3A_660, %sub3A_664 : vector<416x128xf32>
    %mul3A_682 = arith.mulf %sub3A_661, %sub3A_663 : vector<416x128xf32>
    %sub3A_683 = arith.subf %mul3A_681, %mul3A_682 : vector<416x128xf32>
    %mul3A_684 = arith.mulf %sub3A_668, %sub3A_668 : vector<416x128xf32>
    %mul3A_685 = arith.mulf %sub3A_671, %sub3A_671 : vector<416x128xf32>
    %add3A_686 = arith.addf %mul3A_684, %mul3A_685 : vector<416x128xf32>
    %mul3A_687 = arith.mulf %sub3A_674, %sub3A_674 : vector<416x128xf32>
    %add3A_688 = arith.addf %add3A_686, %mul3A_687 : vector<416x128xf32>
    %sqrt3A_689 = math.sqrt %add3A_688 : vector<416x128xf32>
    %mul3A_690 = arith.mulf %sub3A_677, %sub3A_677 : vector<416x128xf32>
    %mul3A_691 = arith.mulf %sub3A_680, %sub3A_680 : vector<416x128xf32>
    %add3A_692 = arith.addf %mul3A_690, %mul3A_691 : vector<416x128xf32>
    %mul3A_693 = arith.mulf %sub3A_683, %sub3A_683 : vector<416x128xf32>
    %add3A_694 = arith.addf %add3A_692, %mul3A_693 : vector<416x128xf32>
    %sqrt3A_695 = math.sqrt %add3A_694 : vector<416x128xf32>
    %eq3A_696 = arith.constant 0.000000e+00 : f32
    %eq3A_697 = vector.broadcast %eq3A_696 : f32 to vector<416x128xf32>
    %eq3A_698 = arith.cmpf oeq, %sqrt3A_689, %eq3A_697 : vector<416x128xf32>
    %convert_element_type3A_699 = arith.extui %eq3A_698 : vector<416x128xi1> to vector<416x128xi32>
    %convert_element_type3A_700 = arith.sitofp %convert_element_type3A_699 : vector<416x128xi32> to vector<416x128xf32>
    %mul3A_701 = arith.constant 0.00999999977 : f32
    %mul3A_702 = vector.broadcast %mul3A_701 : f32 to vector<416x128xf32>
    %mul3A_703 = arith.mulf %convert_element_type3A_700, %mul3A_702 : vector<416x128xf32>
    %add3A_704 = arith.addf %sqrt3A_689, %mul3A_703 : vector<416x128xf32>
    %eq3A_705 = arith.constant 0.000000e+00 : f32
    %eq3A_706 = vector.broadcast %eq3A_705 : f32 to vector<416x128xf32>
    %eq3A_707 = arith.cmpf oeq, %sqrt3A_695, %eq3A_706 : vector<416x128xf32>
    %convert_element_type3A_708 = arith.extui %eq3A_707 : vector<416x128xi1> to vector<416x128xi32>
    %convert_element_type3A_709 = arith.sitofp %convert_element_type3A_708 : vector<416x128xi32> to vector<416x128xf32>
    %mul3A_710 = arith.constant 0.00999999977 : f32
    %mul3A_711 = vector.broadcast %mul3A_710 : f32 to vector<416x128xf32>
    %mul3A_712 = arith.mulf %convert_element_type3A_709, %mul3A_711 : vector<416x128xf32>
    %add3A_713 = arith.addf %sqrt3A_695, %mul3A_712 : vector<416x128xf32>
    %div3A_714 = arith.constant 1.000000e+00 : f32
    %div3A_715 = vector.broadcast %div3A_714 : f32 to vector<416x128xf32>
    %div3A_716 = arith.divf %div3A_715, %add3A_704 : vector<416x128xf32>
    %div3A_717 = arith.constant 1.000000e+00 : f32
    %div3A_718 = vector.broadcast %div3A_717 : f32 to vector<416x128xf32>
    %div3A_719 = arith.divf %div3A_718, %add3A_713 : vector<416x128xf32>
    %mul3A_720 = arith.mulf %sub3A_668, %div3A_716 : vector<416x128xf32>
    %mul3A_721 = arith.mulf %sub3A_677, %div3A_719 : vector<416x128xf32>
    %sub3A_722 = arith.subf %mul3A_720, %mul3A_721 : vector<416x128xf32>
    %abs3A_723 = math.absf %sub3A_722 : vector<416x128xf32>
    %mul3A_724 = arith.mulf %sub3A_671, %div3A_716 : vector<416x128xf32>
    %mul3A_725 = arith.mulf %sub3A_680, %div3A_719 : vector<416x128xf32>
    %sub3A_726 = arith.subf %mul3A_724, %mul3A_725 : vector<416x128xf32>
    %abs3A_727 = math.absf %sub3A_726 : vector<416x128xf32>
    %add3A_728 = arith.addf %abs3A_723, %abs3A_727 : vector<416x128xf32>
    %mul3A_729 = arith.mulf %sub3A_674, %div3A_716 : vector<416x128xf32>
    %mul3A_730 = arith.mulf %sub3A_683, %div3A_719 : vector<416x128xf32>
    %sub3A_731 = arith.subf %mul3A_729, %mul3A_730 : vector<416x128xf32>
    %abs3A_732 = math.absf %sub3A_731 : vector<416x128xf32>
    %add3A_733 = arith.addf %add3A_728, %abs3A_732 : vector<416x128xf32>
    %integer_pow3A_734 = arith.mulf %sub3A_651, %sub3A_651 : vector<416x128xf32>
    %integer_pow3A_735 = arith.mulf %sub3A_652, %sub3A_652 : vector<416x128xf32>
    %add3A_736 = arith.addf %integer_pow3A_734, %integer_pow3A_735 : vector<416x128xf32>
    %integer_pow3A_737 = arith.mulf %sub3A_653, %sub3A_653 : vector<416x128xf32>
    %add3A_738 = arith.addf %add3A_736, %integer_pow3A_737 : vector<416x128xf32>
    %sqrt3A_739 = math.sqrt %add3A_738 : vector<416x128xf32>
    %integer_pow3A_740 = arith.mulf %sub3A_654, %sub3A_654 : vector<416x128xf32>
    %integer_pow3A_741 = arith.mulf %sub3A_655, %sub3A_655 : vector<416x128xf32>
    %add3A_742 = arith.addf %integer_pow3A_740, %integer_pow3A_741 : vector<416x128xf32>
    %integer_pow3A_743 = arith.mulf %sub3A_656, %sub3A_656 : vector<416x128xf32>
    %add3A_744 = arith.addf %add3A_742, %integer_pow3A_743 : vector<416x128xf32>
    %sqrt3A_745 = math.sqrt %add3A_744 : vector<416x128xf32>
    %integer_pow3A_746 = arith.mulf %sub3A_657, %sub3A_657 : vector<416x128xf32>
    %integer_pow3A_747 = arith.mulf %sub3A_658, %sub3A_658 : vector<416x128xf32>
    %add3A_748 = arith.addf %integer_pow3A_746, %integer_pow3A_747 : vector<416x128xf32>
    %integer_pow3A_749 = arith.mulf %sub3A_659, %sub3A_659 : vector<416x128xf32>
    %add3A_750 = arith.addf %add3A_748, %integer_pow3A_749 : vector<416x128xf32>
    %sqrt3A_751 = math.sqrt %add3A_750 : vector<416x128xf32>
    %broadcast_in_dim3A_752 = arith.constant 0 : i32
    %broadcast_in_dim3A_753 = vector.broadcast %broadcast_in_dim3A_752 : i32 to vector<416x128xi32>
    %mul3A_754 = arith.mulf %sub3A_651, %sub3A_651 : vector<416x128xf32>
    %mul3A_755 = arith.mulf %sub3A_652, %sub3A_652 : vector<416x128xf32>
    %add3A_756 = arith.addf %mul3A_754, %mul3A_755 : vector<416x128xf32>
    %mul3A_757 = arith.mulf %sub3A_653, %sub3A_653 : vector<416x128xf32>
    %add3A_758 = arith.addf %add3A_756, %mul3A_757 : vector<416x128xf32>
    %mul3A_759 = arith.mulf %sqrt3A_739, %sqrt3A_739 : vector<416x128xf32>
    %add3A_760 = arith.constant 9.99999993E-9 : f32
    %add3A_761 = vector.broadcast %add3A_760 : f32 to vector<416x128xf32>
    %add3A_762 = arith.addf %mul3A_759, %add3A_761 : vector<416x128xf32>
    %mul3A_763 = arith.constant 0.866999983 : f32
    %mul3A_764 = vector.broadcast %mul3A_763 : f32 to vector<416x128xf32>
    %mul3A_765 = arith.mulf %mul3A_764, %add3A_762 : vector<416x128xf32>
    %gt3A_766 = arith.cmpf ogt, %add3A_758, %mul3A_765 : vector<416x128xf32>
    %convert_element_type3A_767 = arith.extui %gt3A_766 : vector<416x128xi1> to vector<416x128xi32>
    %add3A_768 = arith.addi %broadcast_in_dim3A_753, %convert_element_type3A_767 : vector<416x128xi32>
    %neg3A_769 = arith.constant 0.000000e+00 : f32
    %neg3A_770 = vector.broadcast %neg3A_769 : f32 to vector<416x128xf32>
    %neg3A_771 = arith.subf %neg3A_770, %mul3A_765 : vector<416x128xf32>
    %lt3A_772 = arith.cmpf olt, %add3A_758, %neg3A_771 : vector<416x128xf32>
    %convert_element_type3A_773 = arith.extui %lt3A_772 : vector<416x128xi1> to vector<416x128xi32>
    %add3A_774 = arith.addi %add3A_768, %convert_element_type3A_773 : vector<416x128xi32>
    %mul3A_775 = arith.mulf %sub3A_651, %sub3A_654 : vector<416x128xf32>
    %mul3A_776 = arith.mulf %sub3A_652, %sub3A_655 : vector<416x128xf32>
    %add3A_777 = arith.addf %mul3A_775, %mul3A_776 : vector<416x128xf32>
    %mul3A_778 = arith.mulf %sub3A_653, %sub3A_656 : vector<416x128xf32>
    %add3A_779 = arith.addf %add3A_777, %mul3A_778 : vector<416x128xf32>
    %mul3A_780 = arith.mulf %sqrt3A_739, %sqrt3A_745 : vector<416x128xf32>
    %add3A_781 = arith.constant 9.99999993E-9 : f32
    %add3A_782 = vector.broadcast %add3A_781 : f32 to vector<416x128xf32>
    %add3A_783 = arith.addf %mul3A_780, %add3A_782 : vector<416x128xf32>
    %mul3A_784 = arith.constant 0.866999983 : f32
    %mul3A_785 = vector.broadcast %mul3A_784 : f32 to vector<416x128xf32>
    %mul3A_786 = arith.mulf %mul3A_785, %add3A_783 : vector<416x128xf32>
    %gt3A_787 = arith.cmpf ogt, %add3A_779, %mul3A_786 : vector<416x128xf32>
    %convert_element_type3A_788 = arith.extui %gt3A_787 : vector<416x128xi1> to vector<416x128xi32>
    %add3A_789 = arith.addi %add3A_774, %convert_element_type3A_788 : vector<416x128xi32>
    %neg3A_790 = arith.constant 0.000000e+00 : f32
    %neg3A_791 = vector.broadcast %neg3A_790 : f32 to vector<416x128xf32>
    %neg3A_792 = arith.subf %neg3A_791, %mul3A_786 : vector<416x128xf32>
    %lt3A_793 = arith.cmpf olt, %add3A_779, %neg3A_792 : vector<416x128xf32>
    %convert_element_type3A_794 = arith.extui %lt3A_793 : vector<416x128xi1> to vector<416x128xi32>
    %add3A_795 = arith.addi %add3A_789, %convert_element_type3A_794 : vector<416x128xi32>
    %mul3A_796 = arith.mulf %sub3A_651, %sub3A_657 : vector<416x128xf32>
    %mul3A_797 = arith.mulf %sub3A_652, %sub3A_658 : vector<416x128xf32>
    %add3A_798 = arith.addf %mul3A_796, %mul3A_797 : vector<416x128xf32>
    %mul3A_799 = arith.mulf %sub3A_653, %sub3A_659 : vector<416x128xf32>
    %add3A_800 = arith.addf %add3A_798, %mul3A_799 : vector<416x128xf32>
    %mul3A_801 = arith.mulf %sqrt3A_739, %sqrt3A_751 : vector<416x128xf32>
    %add3A_802 = arith.constant 9.99999993E-9 : f32
    %add3A_803 = vector.broadcast %add3A_802 : f32 to vector<416x128xf32>
    %add3A_804 = arith.addf %mul3A_801, %add3A_803 : vector<416x128xf32>
    %mul3A_805 = arith.constant 0.866999983 : f32
    %mul3A_806 = vector.broadcast %mul3A_805 : f32 to vector<416x128xf32>
    %mul3A_807 = arith.mulf %mul3A_806, %add3A_804 : vector<416x128xf32>
    %gt3A_808 = arith.cmpf ogt, %add3A_800, %mul3A_807 : vector<416x128xf32>
    %convert_element_type3A_809 = arith.extui %gt3A_808 : vector<416x128xi1> to vector<416x128xi32>
    %add3A_810 = arith.addi %add3A_795, %convert_element_type3A_809 : vector<416x128xi32>
    %neg3A_811 = arith.constant 0.000000e+00 : f32
    %neg3A_812 = vector.broadcast %neg3A_811 : f32 to vector<416x128xf32>
    %neg3A_813 = arith.subf %neg3A_812, %mul3A_807 : vector<416x128xf32>
    %lt3A_814 = arith.cmpf olt, %add3A_800, %neg3A_813 : vector<416x128xf32>
    %convert_element_type3A_815 = arith.extui %lt3A_814 : vector<416x128xi1> to vector<416x128xi32>
    %add3A_816 = arith.addi %add3A_810, %convert_element_type3A_815 : vector<416x128xi32>
    %mul3A_817 = arith.mulf %sub3A_654, %sub3A_651 : vector<416x128xf32>
    %mul3A_818 = arith.mulf %sub3A_655, %sub3A_652 : vector<416x128xf32>
    %add3A_819 = arith.addf %mul3A_817, %mul3A_818 : vector<416x128xf32>
    %mul3A_820 = arith.mulf %sub3A_656, %sub3A_653 : vector<416x128xf32>
    %add3A_821 = arith.addf %add3A_819, %mul3A_820 : vector<416x128xf32>
    %mul3A_822 = arith.mulf %sqrt3A_745, %sqrt3A_739 : vector<416x128xf32>
    %add3A_823 = arith.constant 9.99999993E-9 : f32
    %add3A_824 = vector.broadcast %add3A_823 : f32 to vector<416x128xf32>
    %add3A_825 = arith.addf %mul3A_822, %add3A_824 : vector<416x128xf32>
    %mul3A_826 = arith.constant 0.866999983 : f32
    %mul3A_827 = vector.broadcast %mul3A_826 : f32 to vector<416x128xf32>
    %mul3A_828 = arith.mulf %mul3A_827, %add3A_825 : vector<416x128xf32>
    %gt3A_829 = arith.cmpf ogt, %add3A_821, %mul3A_828 : vector<416x128xf32>
    %convert_element_type3A_830 = arith.extui %gt3A_829 : vector<416x128xi1> to vector<416x128xi32>
    %add3A_831 = arith.addi %add3A_816, %convert_element_type3A_830 : vector<416x128xi32>
    %neg3A_832 = arith.constant 0.000000e+00 : f32
    %neg3A_833 = vector.broadcast %neg3A_832 : f32 to vector<416x128xf32>
    %neg3A_834 = arith.subf %neg3A_833, %mul3A_828 : vector<416x128xf32>
    %lt3A_835 = arith.cmpf olt, %add3A_821, %neg3A_834 : vector<416x128xf32>
    %convert_element_type3A_836 = arith.extui %lt3A_835 : vector<416x128xi1> to vector<416x128xi32>
    %add3A_837 = arith.addi %add3A_831, %convert_element_type3A_836 : vector<416x128xi32>
    %mul3A_838 = arith.mulf %sub3A_654, %sub3A_654 : vector<416x128xf32>
    %mul3A_839 = arith.mulf %sub3A_655, %sub3A_655 : vector<416x128xf32>
    %add3A_840 = arith.addf %mul3A_838, %mul3A_839 : vector<416x128xf32>
    %mul3A_841 = arith.mulf %sub3A_656, %sub3A_656 : vector<416x128xf32>
    %add3A_842 = arith.addf %add3A_840, %mul3A_841 : vector<416x128xf32>
    %mul3A_843 = arith.mulf %sqrt3A_745, %sqrt3A_745 : vector<416x128xf32>
    %add3A_844 = arith.constant 9.99999993E-9 : f32
    %add3A_845 = vector.broadcast %add3A_844 : f32 to vector<416x128xf32>
    %add3A_846 = arith.addf %mul3A_843, %add3A_845 : vector<416x128xf32>
    %mul3A_847 = arith.constant 0.866999983 : f32
    %mul3A_848 = vector.broadcast %mul3A_847 : f32 to vector<416x128xf32>
    %mul3A_849 = arith.mulf %mul3A_848, %add3A_846 : vector<416x128xf32>
    %gt3A_850 = arith.cmpf ogt, %add3A_842, %mul3A_849 : vector<416x128xf32>
    %convert_element_type3A_851 = arith.extui %gt3A_850 : vector<416x128xi1> to vector<416x128xi32>
    %add3A_852 = arith.addi %add3A_837, %convert_element_type3A_851 : vector<416x128xi32>
    %neg3A_853 = arith.constant 0.000000e+00 : f32
    %neg3A_854 = vector.broadcast %neg3A_853 : f32 to vector<416x128xf32>
    %neg3A_855 = arith.subf %neg3A_854, %mul3A_849 : vector<416x128xf32>
    %lt3A_856 = arith.cmpf olt, %add3A_842, %neg3A_855 : vector<416x128xf32>
    %convert_element_type3A_857 = arith.extui %lt3A_856 : vector<416x128xi1> to vector<416x128xi32>
    %add3A_858 = arith.addi %add3A_852, %convert_element_type3A_857 : vector<416x128xi32>
    %mul3A_859 = arith.mulf %sub3A_654, %sub3A_657 : vector<416x128xf32>
    %mul3A_860 = arith.mulf %sub3A_655, %sub3A_658 : vector<416x128xf32>
    %add3A_861 = arith.addf %mul3A_859, %mul3A_860 : vector<416x128xf32>
    %mul3A_862 = arith.mulf %sub3A_656, %sub3A_659 : vector<416x128xf32>
    %add3A_863 = arith.addf %add3A_861, %mul3A_862 : vector<416x128xf32>
    %mul3A_864 = arith.mulf %sqrt3A_745, %sqrt3A_751 : vector<416x128xf32>
    %add3A_865 = arith.constant 9.99999993E-9 : f32
    %add3A_866 = vector.broadcast %add3A_865 : f32 to vector<416x128xf32>
    %add3A_867 = arith.addf %mul3A_864, %add3A_866 : vector<416x128xf32>
    %mul3A_868 = arith.constant 0.866999983 : f32
    %mul3A_869 = vector.broadcast %mul3A_868 : f32 to vector<416x128xf32>
    %mul3A_870 = arith.mulf %mul3A_869, %add3A_867 : vector<416x128xf32>
    %gt3A_871 = arith.cmpf ogt, %add3A_863, %mul3A_870 : vector<416x128xf32>
    %convert_element_type3A_872 = arith.extui %gt3A_871 : vector<416x128xi1> to vector<416x128xi32>
    %add3A_873 = arith.addi %add3A_858, %convert_element_type3A_872 : vector<416x128xi32>
    %neg3A_874 = arith.constant 0.000000e+00 : f32
    %neg3A_875 = vector.broadcast %neg3A_874 : f32 to vector<416x128xf32>
    %neg3A_876 = arith.subf %neg3A_875, %mul3A_870 : vector<416x128xf32>
    %lt3A_877 = arith.cmpf olt, %add3A_863, %neg3A_876 : vector<416x128xf32>
    %convert_element_type3A_878 = arith.extui %lt3A_877 : vector<416x128xi1> to vector<416x128xi32>
    %add3A_879 = arith.addi %add3A_873, %convert_element_type3A_878 : vector<416x128xi32>
    %mul3A_880 = arith.mulf %sub3A_657, %sub3A_651 : vector<416x128xf32>
    %mul3A_881 = arith.mulf %sub3A_658, %sub3A_652 : vector<416x128xf32>
    %add3A_882 = arith.addf %mul3A_880, %mul3A_881 : vector<416x128xf32>
    %mul3A_883 = arith.mulf %sub3A_659, %sub3A_653 : vector<416x128xf32>
    %add3A_884 = arith.addf %add3A_882, %mul3A_883 : vector<416x128xf32>
    %mul3A_885 = arith.mulf %sqrt3A_751, %sqrt3A_739 : vector<416x128xf32>
    %add3A_886 = arith.constant 9.99999993E-9 : f32
    %add3A_887 = vector.broadcast %add3A_886 : f32 to vector<416x128xf32>
    %add3A_888 = arith.addf %mul3A_885, %add3A_887 : vector<416x128xf32>
    %mul3A_889 = arith.constant 0.866999983 : f32
    %mul3A_890 = vector.broadcast %mul3A_889 : f32 to vector<416x128xf32>
    %mul3A_891 = arith.mulf %mul3A_890, %add3A_888 : vector<416x128xf32>
    %gt3A_892 = arith.cmpf ogt, %add3A_884, %mul3A_891 : vector<416x128xf32>
    %convert_element_type3A_893 = arith.extui %gt3A_892 : vector<416x128xi1> to vector<416x128xi32>
    %add3A_894 = arith.addi %add3A_879, %convert_element_type3A_893 : vector<416x128xi32>
    %neg3A_895 = arith.constant 0.000000e+00 : f32
    %neg3A_896 = vector.broadcast %neg3A_895 : f32 to vector<416x128xf32>
    %neg3A_897 = arith.subf %neg3A_896, %mul3A_891 : vector<416x128xf32>
    %lt3A_898 = arith.cmpf olt, %add3A_884, %neg3A_897 : vector<416x128xf32>
    %convert_element_type3A_899 = arith.extui %lt3A_898 : vector<416x128xi1> to vector<416x128xi32>
    %add3A_900 = arith.addi %add3A_894, %convert_element_type3A_899 : vector<416x128xi32>
    %mul3A_901 = arith.mulf %sub3A_657, %sub3A_654 : vector<416x128xf32>
    %mul3A_902 = arith.mulf %sub3A_658, %sub3A_655 : vector<416x128xf32>
    %add3A_903 = arith.addf %mul3A_901, %mul3A_902 : vector<416x128xf32>
    %mul3A_904 = arith.mulf %sub3A_659, %sub3A_656 : vector<416x128xf32>
    %add3A_905 = arith.addf %add3A_903, %mul3A_904 : vector<416x128xf32>
    %mul3A_906 = arith.mulf %sqrt3A_751, %sqrt3A_745 : vector<416x128xf32>
    %add3A_907 = arith.constant 9.99999993E-9 : f32
    %add3A_908 = vector.broadcast %add3A_907 : f32 to vector<416x128xf32>
    %add3A_909 = arith.addf %mul3A_906, %add3A_908 : vector<416x128xf32>
    %mul3A_910 = arith.constant 0.866999983 : f32
    %mul3A_911 = vector.broadcast %mul3A_910 : f32 to vector<416x128xf32>
    %mul3A_912 = arith.mulf %mul3A_911, %add3A_909 : vector<416x128xf32>
    %gt3A_913 = arith.cmpf ogt, %add3A_905, %mul3A_912 : vector<416x128xf32>
    %convert_element_type3A_914 = arith.extui %gt3A_913 : vector<416x128xi1> to vector<416x128xi32>
    %add3A_915 = arith.addi %add3A_900, %convert_element_type3A_914 : vector<416x128xi32>
    %neg3A_916 = arith.constant 0.000000e+00 : f32
    %neg3A_917 = vector.broadcast %neg3A_916 : f32 to vector<416x128xf32>
    %neg3A_918 = arith.subf %neg3A_917, %mul3A_912 : vector<416x128xf32>
    %lt3A_919 = arith.cmpf olt, %add3A_905, %neg3A_918 : vector<416x128xf32>
    %convert_element_type3A_920 = arith.extui %lt3A_919 : vector<416x128xi1> to vector<416x128xi32>
    %add3A_921 = arith.addi %add3A_915, %convert_element_type3A_920 : vector<416x128xi32>
    %mul3A_922 = arith.mulf %sub3A_657, %sub3A_657 : vector<416x128xf32>
    %mul3A_923 = arith.mulf %sub3A_658, %sub3A_658 : vector<416x128xf32>
    %add3A_924 = arith.addf %mul3A_922, %mul3A_923 : vector<416x128xf32>
    %mul3A_925 = arith.mulf %sub3A_659, %sub3A_659 : vector<416x128xf32>
    %add3A_926 = arith.addf %add3A_924, %mul3A_925 : vector<416x128xf32>
    %mul3A_927 = arith.mulf %sqrt3A_751, %sqrt3A_751 : vector<416x128xf32>
    %add3A_928 = arith.constant 9.99999993E-9 : f32
    %add3A_929 = vector.broadcast %add3A_928 : f32 to vector<416x128xf32>
    %add3A_930 = arith.addf %mul3A_927, %add3A_929 : vector<416x128xf32>
    %mul3A_931 = arith.constant 0.866999983 : f32
    %mul3A_932 = vector.broadcast %mul3A_931 : f32 to vector<416x128xf32>
    %mul3A_933 = arith.mulf %mul3A_932, %add3A_930 : vector<416x128xf32>
    %gt3A_934 = arith.cmpf ogt, %add3A_926, %mul3A_933 : vector<416x128xf32>
    %convert_element_type3A_935 = arith.extui %gt3A_934 : vector<416x128xi1> to vector<416x128xi32>
    %add3A_936 = arith.addi %add3A_921, %convert_element_type3A_935 : vector<416x128xi32>
    %neg3A_937 = arith.constant 0.000000e+00 : f32
    %neg3A_938 = vector.broadcast %neg3A_937 : f32 to vector<416x128xf32>
    %neg3A_939 = arith.subf %neg3A_938, %mul3A_933 : vector<416x128xf32>
    %lt3A_940 = arith.cmpf olt, %add3A_926, %neg3A_939 : vector<416x128xf32>
    %convert_element_type3A_941 = arith.extui %lt3A_940 : vector<416x128xi1> to vector<416x128xi32>
    %add3A_942 = arith.addi %add3A_936, %convert_element_type3A_941 : vector<416x128xi32>
    %gt3A_943 = arith.constant 3 : i32
    %gt3A_944 = vector.broadcast %gt3A_943 : i32 to vector<416x128xi32>
    %gt3A_945 = arith.cmpi sgt, %add3A_942, %gt3A_944 : vector<416x128xi32>
    %gt3A_946 = arith.constant 5.000000e-02 : f32
    %gt3A_947 = vector.broadcast %gt3A_946 : f32 to vector<416x128xf32>
    %gt3A_948 = arith.cmpf ogt, %get3A_544, %gt3A_947 : vector<416x128xf32>
    %gt3A_949 = arith.constant 5.000000e-02 : f32
    %gt3A_950 = vector.broadcast %gt3A_949 : f32 to vector<416x128xf32>
    %gt3A_951 = arith.cmpf ogt, %get3A_549, %gt3A_950 : vector<416x128xf32>
    %and3A_952 = arith.andi %gt3A_948, %gt3A_951 : vector<416x128xi1>
    %gt3A_953 = arith.constant 5.000000e-02 : f32
    %gt3A_954 = vector.broadcast %gt3A_953 : f32 to vector<416x128xf32>
    %gt3A_955 = arith.cmpf ogt, %get3A_554, %gt3A_954 : vector<416x128xf32>
    %and3A_956 = arith.andi %and3A_952, %gt3A_955 : vector<416x128xi1>
    %lt3A_957 = arith.constant 1.230000e+01 : f32
    %lt3A_958 = vector.broadcast %lt3A_957 : f32 to vector<416x128xf32>
    %lt3A_959 = arith.cmpf olt, %get3A_544, %lt3A_958 : vector<416x128xf32>
    %lt3A_960 = arith.constant 1.230000e+01 : f32
    %lt3A_961 = vector.broadcast %lt3A_960 : f32 to vector<416x128xf32>
    %lt3A_962 = arith.cmpf olt, %get3A_549, %lt3A_961 : vector<416x128xf32>
    %and3A_963 = arith.andi %lt3A_959, %lt3A_962 : vector<416x128xi1>
    %lt3A_964 = arith.constant 1.230000e+01 : f32
    %lt3A_965 = vector.broadcast %lt3A_964 : f32 to vector<416x128xf32>
    %lt3A_966 = arith.cmpf olt, %get3A_554, %lt3A_965 : vector<416x128xf32>
    %and3A_967 = arith.andi %and3A_963, %lt3A_966 : vector<416x128xi1>
    %abs3A_968 = math.absf %sub3A_651 : vector<416x128xf32>
    %lt3A_969 = arith.constant 3.500000e-01 : f32
    %lt3A_970 = vector.broadcast %lt3A_969 : f32 to vector<416x128xf32>
    %lt3A_971 = arith.cmpf olt, %abs3A_968, %lt3A_970 : vector<416x128xf32>
    %abs3A_972 = math.absf %sub3A_654 : vector<416x128xf32>
    %lt3A_973 = arith.constant 3.500000e-01 : f32
    %lt3A_974 = vector.broadcast %lt3A_973 : f32 to vector<416x128xf32>
    %lt3A_975 = arith.cmpf olt, %abs3A_972, %lt3A_974 : vector<416x128xf32>
    %or3A_976 = arith.ori %lt3A_971, %lt3A_975 : vector<416x128xi1>
    %abs3A_977 = math.absf %sub3A_657 : vector<416x128xf32>
    %lt3A_978 = arith.constant 3.500000e-01 : f32
    %lt3A_979 = vector.broadcast %lt3A_978 : f32 to vector<416x128xf32>
    %lt3A_980 = arith.cmpf olt, %abs3A_977, %lt3A_979 : vector<416x128xf32>
    %or3A_981 = arith.ori %or3A_976, %lt3A_980 : vector<416x128xi1>
    %abs3A_982 = math.absf %sub3A_652 : vector<416x128xf32>
    %lt3A_983 = arith.constant 3.500000e-01 : f32
    %lt3A_984 = vector.broadcast %lt3A_983 : f32 to vector<416x128xf32>
    %lt3A_985 = arith.cmpf olt, %abs3A_982, %lt3A_984 : vector<416x128xf32>
    %abs3A_986 = math.absf %sub3A_655 : vector<416x128xf32>
    %lt3A_987 = arith.constant 3.500000e-01 : f32
    %lt3A_988 = vector.broadcast %lt3A_987 : f32 to vector<416x128xf32>
    %lt3A_989 = arith.cmpf olt, %abs3A_986, %lt3A_988 : vector<416x128xf32>
    %or3A_990 = arith.ori %lt3A_985, %lt3A_989 : vector<416x128xi1>
    %abs3A_991 = math.absf %sub3A_658 : vector<416x128xf32>
    %lt3A_992 = arith.constant 3.500000e-01 : f32
    %lt3A_993 = vector.broadcast %lt3A_992 : f32 to vector<416x128xf32>
    %lt3A_994 = arith.cmpf olt, %abs3A_991, %lt3A_993 : vector<416x128xf32>
    %or3A_995 = arith.ori %or3A_990, %lt3A_994 : vector<416x128xi1>
    %abs3A_996 = math.absf %sub3A_653 : vector<416x128xf32>
    %lt3A_997 = arith.constant 3.500000e-01 : f32
    %lt3A_998 = vector.broadcast %lt3A_997 : f32 to vector<416x128xf32>
    %lt3A_999 = arith.cmpf olt, %abs3A_996, %lt3A_998 : vector<416x128xf32>
    %abs3A_1000 = math.absf %sub3A_656 : vector<416x128xf32>
    %lt3A_1001 = arith.constant 3.500000e-01 : f32
    %lt3A_1002 = vector.broadcast %lt3A_1001 : f32 to vector<416x128xf32>
    %lt3A_1003 = arith.cmpf olt, %abs3A_1000, %lt3A_1002 : vector<416x128xf32>
    %or3A_1004 = arith.ori %lt3A_999, %lt3A_1003 : vector<416x128xi1>
    %abs3A_1005 = math.absf %sub3A_659 : vector<416x128xf32>
    %lt3A_1006 = arith.constant 3.500000e-01 : f32
    %lt3A_1007 = vector.broadcast %lt3A_1006 : f32 to vector<416x128xf32>
    %lt3A_1008 = arith.cmpf olt, %abs3A_1005, %lt3A_1007 : vector<416x128xf32>
    %or3A_1009 = arith.ori %or3A_1004, %lt3A_1008 : vector<416x128xi1>
    %and3A_1010 = arith.andi %and3A_956, %and3A_967 : vector<416x128xi1>
    %and3A_1011 = arith.andi %or3A_981, %or3A_995 : vector<416x128xi1>
    %and3A_1012 = arith.andi %and3A_1011, %or3A_1009 : vector<416x128xi1>
    %or3A_1013 = arith.ori %and3A_1012, %gt3A_945 : vector<416x128xi1>
    %not3A_1014 = arith.constant dense<true> : vector<416x128xi1>
    %not3A_1015 = arith.xori %or3A_1013, %not3A_1014 : vector<416x128xi1>
    %and3A_1016 = arith.andi %and3A_1010, %not3A_1015 : vector<416x128xi1>
    %and3A_1017 = arith.andi %and3A_1016, %lt3A_33 : vector<416x128xi1>
    %jit3A_1018 = arith.constant 0x7F800000 : f32
    %broadcast_in_dim3A_1019 = vector.broadcast %jit3A_1018 : f32 to vector<416x128xf32>
    %select_n3A_1020 = arith.select %and3A_1017, %add3A_733, %broadcast_in_dim3A_1019 : vector<416x128xi1>, vector<416x128xf32>
    %convert_element_type3A_1021 = arith.extui %and3A_1017 : vector<416x128xi1> to vector<416x128xi32>
    %add3A_1022 = arith.addi %add3A_520, %convert_element_type3A_1021 : vector<416x128xi32>
    %jit3A_1023 = arith.constant 0.000000e+00 : f32
    %broadcast_in_dim3A_1024 = vector.broadcast %jit3A_1023 : f32 to vector<416x128xf32>
    %select_n3A_1025 = arith.select %and3A_1017, %add3A_733, %broadcast_in_dim3A_1024 : vector<416x128xi1>, vector<416x128xf32>
    %add3A_1026 = arith.addf %add3A_524, %select_n3A_1025 : vector<416x128xf32>
    %reduce_sum3A = vector.shape_cast %add3A_1022 : vector<416x128xi32> to vector<1x416x128xi32>
    %reduce_sum3A_1027 = arith.constant dense<0> : vector<1xi32>
    %reduce_sum3A_1028 = vector.multi_reduction <add>, %reduce_sum3A, %reduce_sum3A_1027 [1, 2] : vector<1x416x128xi32> to vector<1xi32>
    %reduce_sum3A_1029 = vector.shape_cast %reduce_sum3A_1028 : vector<1xi32> to vector<1x1x1xi32>
    %reduce_sum3A_1030 = vector.extract %reduce_sum3A_1029[0, 0, 0] : i32 from vector<1x1x1xi32>
    %reduce_sum3A_1031 = vector.shape_cast %add3A_1026 : vector<416x128xf32> to vector<1x416x128xf32>
    %reduce_sum3A_1032 = arith.constant dense<0.000000e+00> : vector<1xf32>
    %reduce_sum3A_1033 = vector.multi_reduction <add>, %reduce_sum3A_1031, %reduce_sum3A_1032 [1, 2] : vector<1x416x128xf32> to vector<1xf32>
    %reduce_sum3A_1034 = vector.shape_cast %reduce_sum3A_1033 : vector<1xf32> to vector<1x1x1xf32>
    %reduce_sum3A_1035 = vector.extract %reduce_sum3A_1034[0, 0, 0] : f32 from vector<1x1x1xf32>
    %swap3A = arith.constant 0 : index
    %swap3A_1036 = arith.constant 0 : index
    %swap3A_1037 = arith.constant 0 : index
    %swap3A_1038 = vector.load %arg2[%swap3A, %swap3A_1036, %swap3A_1037] : memref<2x416x128xf32, #tpu.memory_space<vmem>>, vector<1x416x128xf32>
    %swap3A_1039 = vector.shape_cast %swap3A_1038 : vector<1x416x128xf32> to vector<416x128xf32>
    %swap3A_1040 = vector.shape_cast %select_n3A_518 : vector<416x128xf32> to vector<1x416x128xf32>
    tpu.vector_store %arg2[%swap3A, %swap3A_1036, %swap3A_1037], %swap3A_1040 {strides = array<i32>} : memref<2x416x128xf32, #tpu.memory_space<vmem>>, vector<1x416x128xf32>,
    %swap3A_1041 = arith.constant 1 : index
    %swap3A_1042 = arith.constant 0 : index
    %swap3A_1043 = arith.constant 0 : index
    %swap3A_1044 = vector.load %arg2[%swap3A_1041, %swap3A_1042, %swap3A_1043] : memref<2x416x128xf32, #tpu.memory_space<vmem>>, vector<1x416x128xf32>
    %swap3A_1045 = vector.shape_cast %swap3A_1044 : vector<1x416x128xf32> to vector<416x128xf32>
    %swap3A_1046 = vector.shape_cast %select_n3A_1020 : vector<416x128xf32> to vector<1x416x128xf32>
    tpu.vector_store %arg2[%swap3A_1041, %swap3A_1042, %swap3A_1043], %swap3A_1046 {strides = array<i32>} : memref<2x416x128xf32, #tpu.memory_space<vmem>>, vector<1x416x128xf32>,
    %convert_element_type3A_1047 = arith.sitofp %reduce_sum3A_1030 : i32 to f32
    %swap3A_1048 = arith.constant 0 : index
    %swap3A_1049 = arith.constant 0 : index
    %swap3A_1050 = memref.load %arg3[%swap3A_1048, %swap3A_1049] : memref<1x2xf32, #tpu.memory_space<smem>>
    memref.store %convert_element_type3A_1047, %arg3[%swap3A_1048, %swap3A_1049] : memref<1x2xf32, #tpu.memory_space<smem>>
    %swap3A_1051 = arith.constant 0 : index
    %swap3A_1052 = arith.constant 1 : index
    %swap3A_1053 = memref.load %arg3[%swap3A_1051, %swap3A_1052] : memref<1x2xf32, #tpu.memory_space<smem>>
    memref.store %reduce_sum3A_1035, %arg3[%swap3A_1051, %swap3A_1052] : memref<1x2xf32, #tpu.memory_space<smem>>
    return
  }
}

module attributes {stable_mosaic.version = 14 : i64} {
  func.func @_lossb_select_body(%arg0: memref<12x416x128xf32, #tpu.memory_space<vmem>>, %arg1: memref<8x416x128xf32, #tpu.memory_space<vmem>>, %arg2: memref<2x416x128xf32, #tpu.memory_space<vmem>>, %arg3: memref<1x2xf32, #tpu.memory_space<smem>>, %arg4: memref<1x1xf32, #tpu.memory_space<smem>>, %arg5: memref<2x416x128xf32, #tpu.memory_space<vmem>>) attributes {dimension_semantics = [], scalar_prefetch = 0 : i64, scratch_operands = 1 : i64, tpu.core_type = #tpu.core_type<tc>} {
    %get3A = arith.constant 0 : index
    %get3A_0 = arith.constant 0 : index
    %get3A_1 = arith.constant 0 : index
    %get3A_2 = vector.load %arg1[%get3A, %get3A_0, %get3A_1] : memref<8x416x128xf32, #tpu.memory_space<vmem>>, vector<1x416x128xf32>
    %get3A_3 = vector.shape_cast %get3A_2 : vector<1x416x128xf32> to vector<416x128xf32>
    %get3A_4 = arith.constant 1 : index
    %get3A_5 = arith.constant 0 : index
    %get3A_6 = arith.constant 0 : index
    %get3A_7 = vector.load %arg1[%get3A_4, %get3A_5, %get3A_6] : memref<8x416x128xf32, #tpu.memory_space<vmem>>, vector<1x416x128xf32>
    %get3A_8 = vector.shape_cast %get3A_7 : vector<1x416x128xf32> to vector<416x128xf32>
    %get3A_9 = arith.constant 2 : index
    %get3A_10 = arith.constant 0 : index
    %get3A_11 = arith.constant 0 : index
    %get3A_12 = vector.load %arg1[%get3A_9, %get3A_10, %get3A_11] : memref<8x416x128xf32, #tpu.memory_space<vmem>>, vector<1x416x128xf32>
    %get3A_13 = vector.shape_cast %get3A_12 : vector<1x416x128xf32> to vector<416x128xf32>
    %get3A_14 = arith.constant 3 : index
    %get3A_15 = arith.constant 0 : index
    %get3A_16 = arith.constant 0 : index
    %get3A_17 = vector.load %arg1[%get3A_14, %get3A_15, %get3A_16] : memref<8x416x128xf32, #tpu.memory_space<vmem>>, vector<1x416x128xf32>
    %get3A_18 = vector.shape_cast %get3A_17 : vector<1x416x128xf32> to vector<416x128xf32>
    %get3A_19 = arith.constant 4 : index
    %get3A_20 = arith.constant 0 : index
    %get3A_21 = arith.constant 0 : index
    %get3A_22 = vector.load %arg1[%get3A_19, %get3A_20, %get3A_21] : memref<8x416x128xf32, #tpu.memory_space<vmem>>, vector<1x416x128xf32>
    %get3A_23 = vector.shape_cast %get3A_22 : vector<1x416x128xf32> to vector<416x128xf32>
    %get3A_24 = arith.constant 5 : index
    %get3A_25 = arith.constant 0 : index
    %get3A_26 = arith.constant 0 : index
    %get3A_27 = vector.load %arg1[%get3A_24, %get3A_25, %get3A_26] : memref<8x416x128xf32, #tpu.memory_space<vmem>>, vector<1x416x128xf32>
    %get3A_28 = vector.shape_cast %get3A_27 : vector<1x416x128xf32> to vector<416x128xf32>
    %iota3A = tpu.iota {dimensions = array<i32: 0>} : vector<416x128xi32>
    %mul3A = arith.constant 128 : i32
    %mul3A_29 = vector.broadcast %mul3A : i32 to vector<416x128xi32>
    %mul3A_30 = arith.muli %iota3A, %mul3A_29 : vector<416x128xi32>
    %iota3A_31 = tpu.iota {dimensions = array<i32: 1>} : vector<416x128xi32>
    %add3A = arith.addi %mul3A_30, %iota3A_31 : vector<416x128xi32>
    %lt3A = arith.constant 52428 : i32
    %lt3A_32 = vector.broadcast %lt3A : i32 to vector<416x128xi32>
    %lt3A_33 = arith.cmpi slt, %add3A, %lt3A_32 : vector<416x128xi32>
    %broadcast_in_dim3A = arith.constant 0 : i32
    %broadcast_in_dim3A_34 = vector.broadcast %broadcast_in_dim3A : i32 to vector<416x128xi32>
    %broadcast_in_dim3A_35 = arith.constant 0.000000e+00 : f32
    %broadcast_in_dim3A_36 = vector.broadcast %broadcast_in_dim3A_35 : f32 to vector<416x128xf32>
    %get3A_37 = arith.constant 0 : index
    %get3A_38 = arith.constant 0 : index
    %get3A_39 = arith.constant 0 : index
    %get3A_40 = vector.load %arg0[%get3A_37, %get3A_38, %get3A_39] : memref<12x416x128xf32, #tpu.memory_space<vmem>>, vector<1x416x128xf32>
    %get3A_41 = vector.shape_cast %get3A_40 : vector<1x416x128xf32> to vector<416x128xf32>
    %get3A_42 = arith.constant 1 : index
    %get3A_43 = arith.constant 0 : index
    %get3A_44 = arith.constant 0 : index
    %get3A_45 = vector.load %arg0[%get3A_42, %get3A_43, %get3A_44] : memref<12x416x128xf32, #tpu.memory_space<vmem>>, vector<1x416x128xf32>
    %get3A_46 = vector.shape_cast %get3A_45 : vector<1x416x128xf32> to vector<416x128xf32>
    %get3A_47 = arith.constant 2 : index
    %get3A_48 = arith.constant 0 : index
    %get3A_49 = arith.constant 0 : index
    %get3A_50 = vector.load %arg0[%get3A_47, %get3A_48, %get3A_49] : memref<12x416x128xf32, #tpu.memory_space<vmem>>, vector<1x416x128xf32>
    %get3A_51 = vector.shape_cast %get3A_50 : vector<1x416x128xf32> to vector<416x128xf32>
    %get3A_52 = arith.constant 6 : index
    %get3A_53 = arith.constant 0 : index
    %get3A_54 = arith.constant 0 : index
    %get3A_55 = vector.load %arg0[%get3A_52, %get3A_53, %get3A_54] : memref<12x416x128xf32, #tpu.memory_space<vmem>>, vector<1x416x128xf32>
    %get3A_56 = vector.shape_cast %get3A_55 : vector<1x416x128xf32> to vector<416x128xf32>
    %get3A_57 = arith.constant 7 : index
    %get3A_58 = arith.constant 0 : index
    %get3A_59 = arith.constant 0 : index
    %get3A_60 = vector.load %arg0[%get3A_57, %get3A_58, %get3A_59] : memref<12x416x128xf32, #tpu.memory_space<vmem>>, vector<1x416x128xf32>
    %get3A_61 = vector.shape_cast %get3A_60 : vector<1x416x128xf32> to vector<416x128xf32>
    %get3A_62 = arith.constant 8 : index
    %get3A_63 = arith.constant 0 : index
    %get3A_64 = arith.constant 0 : index
    %get3A_65 = vector.load %arg0[%get3A_62, %get3A_63, %get3A_64] : memref<12x416x128xf32, #tpu.memory_space<vmem>>, vector<1x416x128xf32>
    %get3A_66 = vector.shape_cast %get3A_65 : vector<1x416x128xf32> to vector<416x128xf32>
    %abs3A = math.absf %get3A_56 : vector<416x128xf32>
    %mul3A_67 = arith.mulf %get3A_3, %abs3A : vector<416x128xf32>
    %mul3A_68 = arith.constant 1.927310e-03 : f32
    %mul3A_69 = vector.broadcast %mul3A_68 : f32 to vector<416x128xf32>
    %mul3A_70 = arith.mulf %mul3A_67, %mul3A_69 : vector<416x128xf32>
    %abs3A_71 = math.absf %get3A_56 : vector<416x128xf32>
    %mul3A_72 = arith.mulf %get3A_18, %abs3A_71 : vector<416x128xf32>
    %mul3A_73 = arith.constant 1.927310e-03 : f32
    %mul3A_74 = vector.broadcast %mul3A_73 : f32 to vector<416x128xf32>
    %mul3A_75 = arith.mulf %mul3A_72, %mul3A_74 : vector<416x128xf32>
    %abs3A_76 = math.absf %get3A_61 : vector<416x128xf32>
    %mul3A_77 = arith.mulf %get3A_8, %abs3A_76 : vector<416x128xf32>
    %mul3A_78 = arith.constant 1.927310e-03 : f32
    %mul3A_79 = vector.broadcast %mul3A_78 : f32 to vector<416x128xf32>
    %mul3A_80 = arith.mulf %mul3A_77, %mul3A_79 : vector<416x128xf32>
    %abs3A_81 = math.absf %get3A_61 : vector<416x128xf32>
    %mul3A_82 = arith.mulf %get3A_23, %abs3A_81 : vector<416x128xf32>
    %mul3A_83 = arith.constant 1.927310e-03 : f32
    %mul3A_84 = vector.broadcast %mul3A_83 : f32 to vector<416x128xf32>
    %mul3A_85 = arith.mulf %mul3A_82, %mul3A_84 : vector<416x128xf32>
    %abs3A_86 = math.absf %get3A_66 : vector<416x128xf32>
    %mul3A_87 = arith.mulf %get3A_13, %abs3A_86 : vector<416x128xf32>
    %mul3A_88 = arith.constant 1.927310e-03 : f32
    %mul3A_89 = vector.broadcast %mul3A_88 : f32 to vector<416x128xf32>
    %mul3A_90 = arith.mulf %mul3A_87, %mul3A_89 : vector<416x128xf32>
    %abs3A_91 = math.absf %get3A_66 : vector<416x128xf32>
    %mul3A_92 = arith.mulf %get3A_28, %abs3A_91 : vector<416x128xf32>
    %mul3A_93 = arith.constant 1.927310e-03 : f32
    %mul3A_94 = vector.broadcast %mul3A_93 : f32 to vector<416x128xf32>
    %mul3A_95 = arith.mulf %mul3A_92, %mul3A_94 : vector<416x128xf32>
    %abs3A_96 = math.absf %get3A_41 : vector<416x128xf32>
    %mul3A_97 = arith.mulf %get3A_3, %abs3A_96 : vector<416x128xf32>
    %mul3A_98 = arith.constant 1.927310e-03 : f32
    %mul3A_99 = vector.broadcast %mul3A_98 : f32 to vector<416x128xf32>
    %mul3A_100 = arith.mulf %mul3A_97, %mul3A_99 : vector<416x128xf32>
    %abs3A_101 = math.absf %get3A_41 : vector<416x128xf32>
    %mul3A_102 = arith.mulf %get3A_18, %abs3A_101 : vector<416x128xf32>
    %mul3A_103 = arith.constant 1.927310e-03 : f32
    %mul3A_104 = vector.broadcast %mul3A_103 : f32 to vector<416x128xf32>
    %mul3A_105 = arith.mulf %mul3A_102, %mul3A_104 : vector<416x128xf32>
    %abs3A_106 = math.absf %get3A_46 : vector<416x128xf32>
    %mul3A_107 = arith.mulf %get3A_8, %abs3A_106 : vector<416x128xf32>
    %mul3A_108 = arith.constant 1.927310e-03 : f32
    %mul3A_109 = vector.broadcast %mul3A_108 : f32 to vector<416x128xf32>
    %mul3A_110 = arith.mulf %mul3A_107, %mul3A_109 : vector<416x128xf32>
    %abs3A_111 = math.absf %get3A_46 : vector<416x128xf32>
    %mul3A_112 = arith.mulf %get3A_23, %abs3A_111 : vector<416x128xf32>
    %mul3A_113 = arith.constant 1.927310e-03 : f32
    %mul3A_114 = vector.broadcast %mul3A_113 : f32 to vector<416x128xf32>
    %mul3A_115 = arith.mulf %mul3A_112, %mul3A_114 : vector<416x128xf32>
    %abs3A_116 = math.absf %get3A_51 : vector<416x128xf32>
    %mul3A_117 = arith.mulf %get3A_13, %abs3A_116 : vector<416x128xf32>
    %mul3A_118 = arith.constant 1.927310e-03 : f32
    %mul3A_119 = vector.broadcast %mul3A_118 : f32 to vector<416x128xf32>
    %mul3A_120 = arith.mulf %mul3A_117, %mul3A_119 : vector<416x128xf32>
    %abs3A_121 = math.absf %get3A_51 : vector<416x128xf32>
    %mul3A_122 = arith.mulf %get3A_28, %abs3A_121 : vector<416x128xf32>
    %mul3A_123 = arith.constant 1.927310e-03 : f32
    %mul3A_124 = vector.broadcast %mul3A_123 : f32 to vector<416x128xf32>
    %mul3A_125 = arith.mulf %mul3A_122, %mul3A_124 : vector<416x128xf32>
    %eq3A = arith.constant 0.000000e+00 : f32
    %eq3A_126 = vector.broadcast %eq3A : f32 to vector<416x128xf32>
    %eq3A_127 = arith.cmpf oeq, %get3A_41, %eq3A_126 : vector<416x128xf32>
    %eq3A_128 = arith.constant 0.000000e+00 : f32
    %eq3A_129 = vector.broadcast %eq3A_128 : f32 to vector<416x128xf32>
    %eq3A_130 = arith.cmpf oeq, %get3A_46, %eq3A_129 : vector<416x128xf32>
    %eq3A_131 = arith.constant 0.000000e+00 : f32
    %eq3A_132 = vector.broadcast %eq3A_131 : f32 to vector<416x128xf32>
    %eq3A_133 = arith.cmpf oeq, %get3A_51, %eq3A_132 : vector<416x128xf32>
    %jit3A = arith.constant 9.99999974E-5 : f32
    %broadcast_in_dim3A_134 = vector.broadcast %jit3A : f32 to vector<416x128xf32>
    %select_n3A = arith.select %eq3A_127, %broadcast_in_dim3A_134, %mul3A_100 : vector<416x128xi1>, vector<416x128xf32>
    %jit3A_135 = arith.constant 9.99999974E-5 : f32
    %broadcast_in_dim3A_136 = vector.broadcast %jit3A_135 : f32 to vector<416x128xf32>
    %select_n3A_137 = arith.select %eq3A_130, %broadcast_in_dim3A_136, %mul3A_105 : vector<416x128xi1>, vector<416x128xf32>
    %jit3A_138 = arith.constant 9.99999974E-5 : f32
    %broadcast_in_dim3A_139 = vector.broadcast %jit3A_138 : f32 to vector<416x128xf32>
    %select_n3A_140 = arith.select %eq3A_133, %broadcast_in_dim3A_139, %get3A_41 : vector<416x128xi1>, vector<416x128xf32>
    %jit3A_141 = arith.constant 9.99999974E-5 : f32
    %broadcast_in_dim3A_142 = vector.broadcast %jit3A_141 : f32 to vector<416x128xf32>
    %select_n3A_143 = arith.select %eq3A_127, %broadcast_in_dim3A_142, %mul3A_110 : vector<416x128xi1>, vector<416x128xf32>
    %jit3A_144 = arith.constant 9.99999974E-5 : f32
    %broadcast_in_dim3A_145 = vector.broadcast %jit3A_144 : f32 to vector<416x128xf32>
    %select_n3A_146 = arith.select %eq3A_130, %broadcast_in_dim3A_145, %mul3A_115 : vector<416x128xi1>, vector<416x128xf32>
    %jit3A_147 = arith.constant 9.99999974E-5 : f32
    %broadcast_in_dim3A_148 = vector.broadcast %jit3A_147 : f32 to vector<416x128xf32>
    %select_n3A_149 = arith.select %eq3A_133, %broadcast_in_dim3A_148, %get3A_46 : vector<416x128xi1>, vector<416x128xf32>
    %jit3A_150 = arith.constant 9.99999974E-5 : f32
    %broadcast_in_dim3A_151 = vector.broadcast %jit3A_150 : f32 to vector<416x128xf32>
    %select_n3A_152 = arith.select %eq3A_127, %broadcast_in_dim3A_151, %mul3A_120 : vector<416x128xi1>, vector<416x128xf32>
    %jit3A_153 = arith.constant 9.99999974E-5 : f32
    %broadcast_in_dim3A_154 = vector.broadcast %jit3A_153 : f32 to vector<416x128xf32>
    %select_n3A_155 = arith.select %eq3A_130, %broadcast_in_dim3A_154, %mul3A_125 : vector<416x128xi1>, vector<416x128xf32>
    %jit3A_156 = arith.constant 9.99999974E-5 : f32
    %broadcast_in_dim3A_157 = vector.broadcast %jit3A_156 : f32 to vector<416x128xf32>
    %select_n3A_158 = arith.select %eq3A_133, %broadcast_in_dim3A_157, %get3A_51 : vector<416x128xi1>, vector<416x128xf32>
    %sub3A = arith.subf %mul3A_80, %mul3A_70 : vector<416x128xf32>
    %sub3A_159 = arith.subf %mul3A_85, %mul3A_75 : vector<416x128xf32>
    %sub3A_160 = arith.subf %get3A_61, %get3A_56 : vector<416x128xf32>
    %sub3A_161 = arith.subf %mul3A_90, %mul3A_70 : vector<416x128xf32>
    %sub3A_162 = arith.subf %mul3A_95, %mul3A_75 : vector<416x128xf32>
    %sub3A_163 = arith.subf %get3A_66, %get3A_56 : vector<416x128xf32>
    %sub3A_164 = arith.subf %mul3A_90, %mul3A_80 : vector<416x128xf32>
    %sub3A_165 = arith.subf %mul3A_95, %mul3A_85 : vector<416x128xf32>
    %sub3A_166 = arith.subf %get3A_66, %get3A_61 : vector<416x128xf32>
    %sub3A_167 = arith.subf %select_n3A_143, %select_n3A : vector<416x128xf32>
    %sub3A_168 = arith.subf %select_n3A_146, %select_n3A_137 : vector<416x128xf32>
    %sub3A_169 = arith.subf %select_n3A_149, %select_n3A_140 : vector<416x128xf32>
    %sub3A_170 = arith.subf %select_n3A_152, %select_n3A : vector<416x128xf32>
    %sub3A_171 = arith.subf %select_n3A_155, %select_n3A_137 : vector<416x128xf32>
    %sub3A_172 = arith.subf %select_n3A_158, %select_n3A_140 : vector<416x128xf32>
    %mul3A_173 = arith.mulf %sub3A_159, %sub3A_163 : vector<416x128xf32>
    %mul3A_174 = arith.mulf %sub3A_160, %sub3A_162 : vector<416x128xf32>
    %sub3A_175 = arith.subf %mul3A_173, %mul3A_174 : vector<416x128xf32>
    %mul3A_176 = arith.mulf %sub3A_160, %sub3A_161 : vector<416x128xf32>
    %mul3A_177 = arith.mulf %sub3A, %sub3A_163 : vector<416x128xf32>
    %sub3A_178 = arith.subf %mul3A_176, %mul3A_177 : vector<416x128xf32>
    %mul3A_179 = arith.mulf %sub3A, %sub3A_162 : vector<416x128xf32>
    %mul3A_180 = arith.mulf %sub3A_159, %sub3A_161 : vector<416x128xf32>
    %sub3A_181 = arith.subf %mul3A_179, %mul3A_180 : vector<416x128xf32>
    %mul3A_182 = arith.mulf %sub3A_168, %sub3A_172 : vector<416x128xf32>
    %mul3A_183 = arith.mulf %sub3A_169, %sub3A_171 : vector<416x128xf32>
    %sub3A_184 = arith.subf %mul3A_182, %mul3A_183 : vector<416x128xf32>
    %mul3A_185 = arith.mulf %sub3A_169, %sub3A_170 : vector<416x128xf32>
    %mul3A_186 = arith.mulf %sub3A_167, %sub3A_172 : vector<416x128xf32>
    %sub3A_187 = arith.subf %mul3A_185, %mul3A_186 : vector<416x128xf32>
    %mul3A_188 = arith.mulf %sub3A_167, %sub3A_171 : vector<416x128xf32>
    %mul3A_189 = arith.mulf %sub3A_168, %sub3A_170 : vector<416x128xf32>
    %sub3A_190 = arith.subf %mul3A_188, %mul3A_189 : vector<416x128xf32>
    %mul3A_191 = arith.mulf %sub3A_175, %sub3A_175 : vector<416x128xf32>
    %mul3A_192 = arith.mulf %sub3A_178, %sub3A_178 : vector<416x128xf32>
    %add3A_193 = arith.addf %mul3A_191, %mul3A_192 : vector<416x128xf32>
    %mul3A_194 = arith.mulf %sub3A_181, %sub3A_181 : vector<416x128xf32>
    %add3A_195 = arith.addf %add3A_193, %mul3A_194 : vector<416x128xf32>
    %sqrt3A = math.sqrt %add3A_195 : vector<416x128xf32>
    %mul3A_196 = arith.mulf %sub3A_184, %sub3A_184 : vector<416x128xf32>
    %mul3A_197 = arith.mulf %sub3A_187, %sub3A_187 : vector<416x128xf32>
    %add3A_198 = arith.addf %mul3A_196, %mul3A_197 : vector<416x128xf32>
    %mul3A_199 = arith.mulf %sub3A_190, %sub3A_190 : vector<416x128xf32>
    %add3A_200 = arith.addf %add3A_198, %mul3A_199 : vector<416x128xf32>
    %sqrt3A_201 = math.sqrt %add3A_200 : vector<416x128xf32>
    %eq3A_202 = arith.constant 0.000000e+00 : f32
    %eq3A_203 = vector.broadcast %eq3A_202 : f32 to vector<416x128xf32>
    %eq3A_204 = arith.cmpf oeq, %sqrt3A, %eq3A_203 : vector<416x128xf32>
    %convert_element_type3A = arith.extui %eq3A_204 : vector<416x128xi1> to vector<416x128xi32>
    %convert_element_type3A_205 = arith.sitofp %convert_element_type3A : vector<416x128xi32> to vector<416x128xf32>
    %mul3A_206 = arith.constant 0.00999999977 : f32
    %mul3A_207 = vector.broadcast %mul3A_206 : f32 to vector<416x128xf32>
    %mul3A_208 = arith.mulf %convert_element_type3A_205, %mul3A_207 : vector<416x128xf32>
    %add3A_209 = arith.addf %sqrt3A, %mul3A_208 : vector<416x128xf32>
    %eq3A_210 = arith.constant 0.000000e+00 : f32
    %eq3A_211 = vector.broadcast %eq3A_210 : f32 to vector<416x128xf32>
    %eq3A_212 = arith.cmpf oeq, %sqrt3A_201, %eq3A_211 : vector<416x128xf32>
    %convert_element_type3A_213 = arith.extui %eq3A_212 : vector<416x128xi1> to vector<416x128xi32>
    %convert_element_type3A_214 = arith.sitofp %convert_element_type3A_213 : vector<416x128xi32> to vector<416x128xf32>
    %mul3A_215 = arith.constant 0.00999999977 : f32
    %mul3A_216 = vector.broadcast %mul3A_215 : f32 to vector<416x128xf32>
    %mul3A_217 = arith.mulf %convert_element_type3A_214, %mul3A_216 : vector<416x128xf32>
    %add3A_218 = arith.addf %sqrt3A_201, %mul3A_217 : vector<416x128xf32>
    %div3A = arith.constant 1.000000e+00 : f32
    %div3A_219 = vector.broadcast %div3A : f32 to vector<416x128xf32>
    %div3A_220 = arith.divf %div3A_219, %add3A_209 : vector<416x128xf32>
    %div3A_221 = arith.constant 1.000000e+00 : f32
    %div3A_222 = vector.broadcast %div3A_221 : f32 to vector<416x128xf32>
    %div3A_223 = arith.divf %div3A_222, %add3A_218 : vector<416x128xf32>
    %mul3A_224 = arith.mulf %sub3A_175, %div3A_220 : vector<416x128xf32>
    %mul3A_225 = arith.mulf %sub3A_184, %div3A_223 : vector<416x128xf32>
    %sub3A_226 = arith.subf %mul3A_224, %mul3A_225 : vector<416x128xf32>
    %abs3A_227 = math.absf %sub3A_226 : vector<416x128xf32>
    %mul3A_228 = arith.mulf %sub3A_178, %div3A_220 : vector<416x128xf32>
    %mul3A_229 = arith.mulf %sub3A_187, %div3A_223 : vector<416x128xf32>
    %sub3A_230 = arith.subf %mul3A_228, %mul3A_229 : vector<416x128xf32>
    %abs3A_231 = math.absf %sub3A_230 : vector<416x128xf32>
    %add3A_232 = arith.addf %abs3A_227, %abs3A_231 : vector<416x128xf32>
    %mul3A_233 = arith.mulf %sub3A_181, %div3A_220 : vector<416x128xf32>
    %mul3A_234 = arith.mulf %sub3A_190, %div3A_223 : vector<416x128xf32>
    %sub3A_235 = arith.subf %mul3A_233, %mul3A_234 : vector<416x128xf32>
    %abs3A_236 = math.absf %sub3A_235 : vector<416x128xf32>
    %add3A_237 = arith.addf %add3A_232, %abs3A_236 : vector<416x128xf32>
    %integer_pow3A = arith.mulf %sub3A, %sub3A : vector<416x128xf32>
    %integer_pow3A_238 = arith.mulf %sub3A_159, %sub3A_159 : vector<416x128xf32>
    %add3A_239 = arith.addf %integer_pow3A, %integer_pow3A_238 : vector<416x128xf32>
    %integer_pow3A_240 = arith.mulf %sub3A_160, %sub3A_160 : vector<416x128xf32>
    %add3A_241 = arith.addf %add3A_239, %integer_pow3A_240 : vector<416x128xf32>
    %sqrt3A_242 = math.sqrt %add3A_241 : vector<416x128xf32>
    %integer_pow3A_243 = arith.mulf %sub3A_161, %sub3A_161 : vector<416x128xf32>
    %integer_pow3A_244 = arith.mulf %sub3A_162, %sub3A_162 : vector<416x128xf32>
    %add3A_245 = arith.addf %integer_pow3A_243, %integer_pow3A_244 : vector<416x128xf32>
    %integer_pow3A_246 = arith.mulf %sub3A_163, %sub3A_163 : vector<416x128xf32>
    %add3A_247 = arith.addf %add3A_245, %integer_pow3A_246 : vector<416x128xf32>
    %sqrt3A_248 = math.sqrt %add3A_247 : vector<416x128xf32>
    %integer_pow3A_249 = arith.mulf %sub3A_164, %sub3A_164 : vector<416x128xf32>
    %integer_pow3A_250 = arith.mulf %sub3A_165, %sub3A_165 : vector<416x128xf32>
    %add3A_251 = arith.addf %integer_pow3A_249, %integer_pow3A_250 : vector<416x128xf32>
    %integer_pow3A_252 = arith.mulf %sub3A_166, %sub3A_166 : vector<416x128xf32>
    %add3A_253 = arith.addf %add3A_251, %integer_pow3A_252 : vector<416x128xf32>
    %sqrt3A_254 = math.sqrt %add3A_253 : vector<416x128xf32>
    %broadcast_in_dim3A_255 = arith.constant 0 : i32
    %broadcast_in_dim3A_256 = vector.broadcast %broadcast_in_dim3A_255 : i32 to vector<416x128xi32>
    %mul3A_257 = arith.mulf %sub3A, %sub3A : vector<416x128xf32>
    %mul3A_258 = arith.mulf %sub3A_159, %sub3A_159 : vector<416x128xf32>
    %add3A_259 = arith.addf %mul3A_257, %mul3A_258 : vector<416x128xf32>
    %mul3A_260 = arith.mulf %sub3A_160, %sub3A_160 : vector<416x128xf32>
    %add3A_261 = arith.addf %add3A_259, %mul3A_260 : vector<416x128xf32>
    %mul3A_262 = arith.mulf %sqrt3A_242, %sqrt3A_242 : vector<416x128xf32>
    %add3A_263 = arith.constant 9.99999993E-9 : f32
    %add3A_264 = vector.broadcast %add3A_263 : f32 to vector<416x128xf32>
    %add3A_265 = arith.addf %mul3A_262, %add3A_264 : vector<416x128xf32>
    %mul3A_266 = arith.constant 0.866999983 : f32
    %mul3A_267 = vector.broadcast %mul3A_266 : f32 to vector<416x128xf32>
    %mul3A_268 = arith.mulf %mul3A_267, %add3A_265 : vector<416x128xf32>
    %gt3A = arith.cmpf ogt, %add3A_261, %mul3A_268 : vector<416x128xf32>
    %convert_element_type3A_269 = arith.extui %gt3A : vector<416x128xi1> to vector<416x128xi32>
    %add3A_270 = arith.addi %broadcast_in_dim3A_256, %convert_element_type3A_269 : vector<416x128xi32>
    %neg3A = arith.constant 0.000000e+00 : f32
    %neg3A_271 = vector.broadcast %neg3A : f32 to vector<416x128xf32>
    %neg3A_272 = arith.subf %neg3A_271, %mul3A_268 : vector<416x128xf32>
    %lt3A_273 = arith.cmpf olt, %add3A_261, %neg3A_272 : vector<416x128xf32>
    %convert_element_type3A_274 = arith.extui %lt3A_273 : vector<416x128xi1> to vector<416x128xi32>
    %add3A_275 = arith.addi %add3A_270, %convert_element_type3A_274 : vector<416x128xi32>
    %mul3A_276 = arith.mulf %sub3A, %sub3A_161 : vector<416x128xf32>
    %mul3A_277 = arith.mulf %sub3A_159, %sub3A_162 : vector<416x128xf32>
    %add3A_278 = arith.addf %mul3A_276, %mul3A_277 : vector<416x128xf32>
    %mul3A_279 = arith.mulf %sub3A_160, %sub3A_163 : vector<416x128xf32>
    %add3A_280 = arith.addf %add3A_278, %mul3A_279 : vector<416x128xf32>
    %mul3A_281 = arith.mulf %sqrt3A_242, %sqrt3A_248 : vector<416x128xf32>
    %add3A_282 = arith.constant 9.99999993E-9 : f32
    %add3A_283 = vector.broadcast %add3A_282 : f32 to vector<416x128xf32>
    %add3A_284 = arith.addf %mul3A_281, %add3A_283 : vector<416x128xf32>
    %mul3A_285 = arith.constant 0.866999983 : f32
    %mul3A_286 = vector.broadcast %mul3A_285 : f32 to vector<416x128xf32>
    %mul3A_287 = arith.mulf %mul3A_286, %add3A_284 : vector<416x128xf32>
    %gt3A_288 = arith.cmpf ogt, %add3A_280, %mul3A_287 : vector<416x128xf32>
    %convert_element_type3A_289 = arith.extui %gt3A_288 : vector<416x128xi1> to vector<416x128xi32>
    %add3A_290 = arith.addi %add3A_275, %convert_element_type3A_289 : vector<416x128xi32>
    %neg3A_291 = arith.constant 0.000000e+00 : f32
    %neg3A_292 = vector.broadcast %neg3A_291 : f32 to vector<416x128xf32>
    %neg3A_293 = arith.subf %neg3A_292, %mul3A_287 : vector<416x128xf32>
    %lt3A_294 = arith.cmpf olt, %add3A_280, %neg3A_293 : vector<416x128xf32>
    %convert_element_type3A_295 = arith.extui %lt3A_294 : vector<416x128xi1> to vector<416x128xi32>
    %add3A_296 = arith.addi %add3A_290, %convert_element_type3A_295 : vector<416x128xi32>
    %mul3A_297 = arith.mulf %sub3A, %sub3A_164 : vector<416x128xf32>
    %mul3A_298 = arith.mulf %sub3A_159, %sub3A_165 : vector<416x128xf32>
    %add3A_299 = arith.addf %mul3A_297, %mul3A_298 : vector<416x128xf32>
    %mul3A_300 = arith.mulf %sub3A_160, %sub3A_166 : vector<416x128xf32>
    %add3A_301 = arith.addf %add3A_299, %mul3A_300 : vector<416x128xf32>
    %mul3A_302 = arith.mulf %sqrt3A_242, %sqrt3A_254 : vector<416x128xf32>
    %add3A_303 = arith.constant 9.99999993E-9 : f32
    %add3A_304 = vector.broadcast %add3A_303 : f32 to vector<416x128xf32>
    %add3A_305 = arith.addf %mul3A_302, %add3A_304 : vector<416x128xf32>
    %mul3A_306 = arith.constant 0.866999983 : f32
    %mul3A_307 = vector.broadcast %mul3A_306 : f32 to vector<416x128xf32>
    %mul3A_308 = arith.mulf %mul3A_307, %add3A_305 : vector<416x128xf32>
    %gt3A_309 = arith.cmpf ogt, %add3A_301, %mul3A_308 : vector<416x128xf32>
    %convert_element_type3A_310 = arith.extui %gt3A_309 : vector<416x128xi1> to vector<416x128xi32>
    %add3A_311 = arith.addi %add3A_296, %convert_element_type3A_310 : vector<416x128xi32>
    %neg3A_312 = arith.constant 0.000000e+00 : f32
    %neg3A_313 = vector.broadcast %neg3A_312 : f32 to vector<416x128xf32>
    %neg3A_314 = arith.subf %neg3A_313, %mul3A_308 : vector<416x128xf32>
    %lt3A_315 = arith.cmpf olt, %add3A_301, %neg3A_314 : vector<416x128xf32>
    %convert_element_type3A_316 = arith.extui %lt3A_315 : vector<416x128xi1> to vector<416x128xi32>
    %add3A_317 = arith.addi %add3A_311, %convert_element_type3A_316 : vector<416x128xi32>
    %mul3A_318 = arith.mulf %sub3A_161, %sub3A : vector<416x128xf32>
    %mul3A_319 = arith.mulf %sub3A_162, %sub3A_159 : vector<416x128xf32>
    %add3A_320 = arith.addf %mul3A_318, %mul3A_319 : vector<416x128xf32>
    %mul3A_321 = arith.mulf %sub3A_163, %sub3A_160 : vector<416x128xf32>
    %add3A_322 = arith.addf %add3A_320, %mul3A_321 : vector<416x128xf32>
    %mul3A_323 = arith.mulf %sqrt3A_248, %sqrt3A_242 : vector<416x128xf32>
    %add3A_324 = arith.constant 9.99999993E-9 : f32
    %add3A_325 = vector.broadcast %add3A_324 : f32 to vector<416x128xf32>
    %add3A_326 = arith.addf %mul3A_323, %add3A_325 : vector<416x128xf32>
    %mul3A_327 = arith.constant 0.866999983 : f32
    %mul3A_328 = vector.broadcast %mul3A_327 : f32 to vector<416x128xf32>
    %mul3A_329 = arith.mulf %mul3A_328, %add3A_326 : vector<416x128xf32>
    %gt3A_330 = arith.cmpf ogt, %add3A_322, %mul3A_329 : vector<416x128xf32>
    %convert_element_type3A_331 = arith.extui %gt3A_330 : vector<416x128xi1> to vector<416x128xi32>
    %add3A_332 = arith.addi %add3A_317, %convert_element_type3A_331 : vector<416x128xi32>
    %neg3A_333 = arith.constant 0.000000e+00 : f32
    %neg3A_334 = vector.broadcast %neg3A_333 : f32 to vector<416x128xf32>
    %neg3A_335 = arith.subf %neg3A_334, %mul3A_329 : vector<416x128xf32>
    %lt3A_336 = arith.cmpf olt, %add3A_322, %neg3A_335 : vector<416x128xf32>
    %convert_element_type3A_337 = arith.extui %lt3A_336 : vector<416x128xi1> to vector<416x128xi32>
    %add3A_338 = arith.addi %add3A_332, %convert_element_type3A_337 : vector<416x128xi32>
    %mul3A_339 = arith.mulf %sub3A_161, %sub3A_161 : vector<416x128xf32>
    %mul3A_340 = arith.mulf %sub3A_162, %sub3A_162 : vector<416x128xf32>
    %add3A_341 = arith.addf %mul3A_339, %mul3A_340 : vector<416x128xf32>
    %mul3A_342 = arith.mulf %sub3A_163, %sub3A_163 : vector<416x128xf32>
    %add3A_343 = arith.addf %add3A_341, %mul3A_342 : vector<416x128xf32>
    %mul3A_344 = arith.mulf %sqrt3A_248, %sqrt3A_248 : vector<416x128xf32>
    %add3A_345 = arith.constant 9.99999993E-9 : f32
    %add3A_346 = vector.broadcast %add3A_345 : f32 to vector<416x128xf32>
    %add3A_347 = arith.addf %mul3A_344, %add3A_346 : vector<416x128xf32>
    %mul3A_348 = arith.constant 0.866999983 : f32
    %mul3A_349 = vector.broadcast %mul3A_348 : f32 to vector<416x128xf32>
    %mul3A_350 = arith.mulf %mul3A_349, %add3A_347 : vector<416x128xf32>
    %gt3A_351 = arith.cmpf ogt, %add3A_343, %mul3A_350 : vector<416x128xf32>
    %convert_element_type3A_352 = arith.extui %gt3A_351 : vector<416x128xi1> to vector<416x128xi32>
    %add3A_353 = arith.addi %add3A_338, %convert_element_type3A_352 : vector<416x128xi32>
    %neg3A_354 = arith.constant 0.000000e+00 : f32
    %neg3A_355 = vector.broadcast %neg3A_354 : f32 to vector<416x128xf32>
    %neg3A_356 = arith.subf %neg3A_355, %mul3A_350 : vector<416x128xf32>
    %lt3A_357 = arith.cmpf olt, %add3A_343, %neg3A_356 : vector<416x128xf32>
    %convert_element_type3A_358 = arith.extui %lt3A_357 : vector<416x128xi1> to vector<416x128xi32>
    %add3A_359 = arith.addi %add3A_353, %convert_element_type3A_358 : vector<416x128xi32>
    %mul3A_360 = arith.mulf %sub3A_161, %sub3A_164 : vector<416x128xf32>
    %mul3A_361 = arith.mulf %sub3A_162, %sub3A_165 : vector<416x128xf32>
    %add3A_362 = arith.addf %mul3A_360, %mul3A_361 : vector<416x128xf32>
    %mul3A_363 = arith.mulf %sub3A_163, %sub3A_166 : vector<416x128xf32>
    %add3A_364 = arith.addf %add3A_362, %mul3A_363 : vector<416x128xf32>
    %mul3A_365 = arith.mulf %sqrt3A_248, %sqrt3A_254 : vector<416x128xf32>
    %add3A_366 = arith.constant 9.99999993E-9 : f32
    %add3A_367 = vector.broadcast %add3A_366 : f32 to vector<416x128xf32>
    %add3A_368 = arith.addf %mul3A_365, %add3A_367 : vector<416x128xf32>
    %mul3A_369 = arith.constant 0.866999983 : f32
    %mul3A_370 = vector.broadcast %mul3A_369 : f32 to vector<416x128xf32>
    %mul3A_371 = arith.mulf %mul3A_370, %add3A_368 : vector<416x128xf32>
    %gt3A_372 = arith.cmpf ogt, %add3A_364, %mul3A_371 : vector<416x128xf32>
    %convert_element_type3A_373 = arith.extui %gt3A_372 : vector<416x128xi1> to vector<416x128xi32>
    %add3A_374 = arith.addi %add3A_359, %convert_element_type3A_373 : vector<416x128xi32>
    %neg3A_375 = arith.constant 0.000000e+00 : f32
    %neg3A_376 = vector.broadcast %neg3A_375 : f32 to vector<416x128xf32>
    %neg3A_377 = arith.subf %neg3A_376, %mul3A_371 : vector<416x128xf32>
    %lt3A_378 = arith.cmpf olt, %add3A_364, %neg3A_377 : vector<416x128xf32>
    %convert_element_type3A_379 = arith.extui %lt3A_378 : vector<416x128xi1> to vector<416x128xi32>
    %add3A_380 = arith.addi %add3A_374, %convert_element_type3A_379 : vector<416x128xi32>
    %mul3A_381 = arith.mulf %sub3A_164, %sub3A : vector<416x128xf32>
    %mul3A_382 = arith.mulf %sub3A_165, %sub3A_159 : vector<416x128xf32>
    %add3A_383 = arith.addf %mul3A_381, %mul3A_382 : vector<416x128xf32>
    %mul3A_384 = arith.mulf %sub3A_166, %sub3A_160 : vector<416x128xf32>
    %add3A_385 = arith.addf %add3A_383, %mul3A_384 : vector<416x128xf32>
    %mul3A_386 = arith.mulf %sqrt3A_254, %sqrt3A_242 : vector<416x128xf32>
    %add3A_387 = arith.constant 9.99999993E-9 : f32
    %add3A_388 = vector.broadcast %add3A_387 : f32 to vector<416x128xf32>
    %add3A_389 = arith.addf %mul3A_386, %add3A_388 : vector<416x128xf32>
    %mul3A_390 = arith.constant 0.866999983 : f32
    %mul3A_391 = vector.broadcast %mul3A_390 : f32 to vector<416x128xf32>
    %mul3A_392 = arith.mulf %mul3A_391, %add3A_389 : vector<416x128xf32>
    %gt3A_393 = arith.cmpf ogt, %add3A_385, %mul3A_392 : vector<416x128xf32>
    %convert_element_type3A_394 = arith.extui %gt3A_393 : vector<416x128xi1> to vector<416x128xi32>
    %add3A_395 = arith.addi %add3A_380, %convert_element_type3A_394 : vector<416x128xi32>
    %neg3A_396 = arith.constant 0.000000e+00 : f32
    %neg3A_397 = vector.broadcast %neg3A_396 : f32 to vector<416x128xf32>
    %neg3A_398 = arith.subf %neg3A_397, %mul3A_392 : vector<416x128xf32>
    %lt3A_399 = arith.cmpf olt, %add3A_385, %neg3A_398 : vector<416x128xf32>
    %convert_element_type3A_400 = arith.extui %lt3A_399 : vector<416x128xi1> to vector<416x128xi32>
    %add3A_401 = arith.addi %add3A_395, %convert_element_type3A_400 : vector<416x128xi32>
    %mul3A_402 = arith.mulf %sub3A_164, %sub3A_161 : vector<416x128xf32>
    %mul3A_403 = arith.mulf %sub3A_165, %sub3A_162 : vector<416x128xf32>
    %add3A_404 = arith.addf %mul3A_402, %mul3A_403 : vector<416x128xf32>
    %mul3A_405 = arith.mulf %sub3A_166, %sub3A_163 : vector<416x128xf32>
    %add3A_406 = arith.addf %add3A_404, %mul3A_405 : vector<416x128xf32>
    %mul3A_407 = arith.mulf %sqrt3A_254, %sqrt3A_248 : vector<416x128xf32>
    %add3A_408 = arith.constant 9.99999993E-9 : f32
    %add3A_409 = vector.broadcast %add3A_408 : f32 to vector<416x128xf32>
    %add3A_410 = arith.addf %mul3A_407, %add3A_409 : vector<416x128xf32>
    %mul3A_411 = arith.constant 0.866999983 : f32
    %mul3A_412 = vector.broadcast %mul3A_411 : f32 to vector<416x128xf32>
    %mul3A_413 = arith.mulf %mul3A_412, %add3A_410 : vector<416x128xf32>
    %gt3A_414 = arith.cmpf ogt, %add3A_406, %mul3A_413 : vector<416x128xf32>
    %convert_element_type3A_415 = arith.extui %gt3A_414 : vector<416x128xi1> to vector<416x128xi32>
    %add3A_416 = arith.addi %add3A_401, %convert_element_type3A_415 : vector<416x128xi32>
    %neg3A_417 = arith.constant 0.000000e+00 : f32
    %neg3A_418 = vector.broadcast %neg3A_417 : f32 to vector<416x128xf32>
    %neg3A_419 = arith.subf %neg3A_418, %mul3A_413 : vector<416x128xf32>
    %lt3A_420 = arith.cmpf olt, %add3A_406, %neg3A_419 : vector<416x128xf32>
    %convert_element_type3A_421 = arith.extui %lt3A_420 : vector<416x128xi1> to vector<416x128xi32>
    %add3A_422 = arith.addi %add3A_416, %convert_element_type3A_421 : vector<416x128xi32>
    %mul3A_423 = arith.mulf %sub3A_164, %sub3A_164 : vector<416x128xf32>
    %mul3A_424 = arith.mulf %sub3A_165, %sub3A_165 : vector<416x128xf32>
    %add3A_425 = arith.addf %mul3A_423, %mul3A_424 : vector<416x128xf32>
    %mul3A_426 = arith.mulf %sub3A_166, %sub3A_166 : vector<416x128xf32>
    %add3A_427 = arith.addf %add3A_425, %mul3A_426 : vector<416x128xf32>
    %mul3A_428 = arith.mulf %sqrt3A_254, %sqrt3A_254 : vector<416x128xf32>
    %add3A_429 = arith.constant 9.99999993E-9 : f32
    %add3A_430 = vector.broadcast %add3A_429 : f32 to vector<416x128xf32>
    %add3A_431 = arith.addf %mul3A_428, %add3A_430 : vector<416x128xf32>
    %mul3A_432 = arith.constant 0.866999983 : f32
    %mul3A_433 = vector.broadcast %mul3A_432 : f32 to vector<416x128xf32>
    %mul3A_434 = arith.mulf %mul3A_433, %add3A_431 : vector<416x128xf32>
    %gt3A_435 = arith.cmpf ogt, %add3A_427, %mul3A_434 : vector<416x128xf32>
    %convert_element_type3A_436 = arith.extui %gt3A_435 : vector<416x128xi1> to vector<416x128xi32>
    %add3A_437 = arith.addi %add3A_422, %convert_element_type3A_436 : vector<416x128xi32>
    %neg3A_438 = arith.constant 0.000000e+00 : f32
    %neg3A_439 = vector.broadcast %neg3A_438 : f32 to vector<416x128xf32>
    %neg3A_440 = arith.subf %neg3A_439, %mul3A_434 : vector<416x128xf32>
    %lt3A_441 = arith.cmpf olt, %add3A_427, %neg3A_440 : vector<416x128xf32>
    %convert_element_type3A_442 = arith.extui %lt3A_441 : vector<416x128xi1> to vector<416x128xi32>
    %add3A_443 = arith.addi %add3A_437, %convert_element_type3A_442 : vector<416x128xi32>
    %gt3A_444 = arith.constant 3 : i32
    %gt3A_445 = vector.broadcast %gt3A_444 : i32 to vector<416x128xi32>
    %gt3A_446 = arith.cmpi sgt, %add3A_443, %gt3A_445 : vector<416x128xi32>
    %gt3A_447 = arith.constant 5.000000e-02 : f32
    %gt3A_448 = vector.broadcast %gt3A_447 : f32 to vector<416x128xf32>
    %gt3A_449 = arith.cmpf ogt, %get3A_56, %gt3A_448 : vector<416x128xf32>
    %gt3A_450 = arith.constant 5.000000e-02 : f32
    %gt3A_451 = vector.broadcast %gt3A_450 : f32 to vector<416x128xf32>
    %gt3A_452 = arith.cmpf ogt, %get3A_61, %gt3A_451 : vector<416x128xf32>
    %and3A = arith.andi %gt3A_449, %gt3A_452 : vector<416x128xi1>
    %gt3A_453 = arith.constant 5.000000e-02 : f32
    %gt3A_454 = vector.broadcast %gt3A_453 : f32 to vector<416x128xf32>
    %gt3A_455 = arith.cmpf ogt, %get3A_66, %gt3A_454 : vector<416x128xf32>
    %and3A_456 = arith.andi %and3A, %gt3A_455 : vector<416x128xi1>
    %lt3A_457 = arith.constant 1.230000e+01 : f32
    %lt3A_458 = vector.broadcast %lt3A_457 : f32 to vector<416x128xf32>
    %lt3A_459 = arith.cmpf olt, %get3A_56, %lt3A_458 : vector<416x128xf32>
    %lt3A_460 = arith.constant 1.230000e+01 : f32
    %lt3A_461 = vector.broadcast %lt3A_460 : f32 to vector<416x128xf32>
    %lt3A_462 = arith.cmpf olt, %get3A_61, %lt3A_461 : vector<416x128xf32>
    %and3A_463 = arith.andi %lt3A_459, %lt3A_462 : vector<416x128xi1>
    %lt3A_464 = arith.constant 1.230000e+01 : f32
    %lt3A_465 = vector.broadcast %lt3A_464 : f32 to vector<416x128xf32>
    %lt3A_466 = arith.cmpf olt, %get3A_66, %lt3A_465 : vector<416x128xf32>
    %and3A_467 = arith.andi %and3A_463, %lt3A_466 : vector<416x128xi1>
    %abs3A_468 = math.absf %sub3A : vector<416x128xf32>
    %lt3A_469 = arith.constant 3.500000e-01 : f32
    %lt3A_470 = vector.broadcast %lt3A_469 : f32 to vector<416x128xf32>
    %lt3A_471 = arith.cmpf olt, %abs3A_468, %lt3A_470 : vector<416x128xf32>
    %abs3A_472 = math.absf %sub3A_161 : vector<416x128xf32>
    %lt3A_473 = arith.constant 3.500000e-01 : f32
    %lt3A_474 = vector.broadcast %lt3A_473 : f32 to vector<416x128xf32>
    %lt3A_475 = arith.cmpf olt, %abs3A_472, %lt3A_474 : vector<416x128xf32>
    %or3A = arith.ori %lt3A_471, %lt3A_475 : vector<416x128xi1>
    %abs3A_476 = math.absf %sub3A_164 : vector<416x128xf32>
    %lt3A_477 = arith.constant 3.500000e-01 : f32
    %lt3A_478 = vector.broadcast %lt3A_477 : f32 to vector<416x128xf32>
    %lt3A_479 = arith.cmpf olt, %abs3A_476, %lt3A_478 : vector<416x128xf32>
    %or3A_480 = arith.ori %or3A, %lt3A_479 : vector<416x128xi1>
    %abs3A_481 = math.absf %sub3A_159 : vector<416x128xf32>
    %lt3A_482 = arith.constant 3.500000e-01 : f32
    %lt3A_483 = vector.broadcast %lt3A_482 : f32 to vector<416x128xf32>
    %lt3A_484 = arith.cmpf olt, %abs3A_481, %lt3A_483 : vector<416x128xf32>
    %abs3A_485 = math.absf %sub3A_162 : vector<416x128xf32>
    %lt3A_486 = arith.constant 3.500000e-01 : f32
    %lt3A_487 = vector.broadcast %lt3A_486 : f32 to vector<416x128xf32>
    %lt3A_488 = arith.cmpf olt, %abs3A_485, %lt3A_487 : vector<416x128xf32>
    %or3A_489 = arith.ori %lt3A_484, %lt3A_488 : vector<416x128xi1>
    %abs3A_490 = math.absf %sub3A_165 : vector<416x128xf32>
    %lt3A_491 = arith.constant 3.500000e-01 : f32
    %lt3A_492 = vector.broadcast %lt3A_491 : f32 to vector<416x128xf32>
    %lt3A_493 = arith.cmpf olt, %abs3A_490, %lt3A_492 : vector<416x128xf32>
    %or3A_494 = arith.ori %or3A_489, %lt3A_493 : vector<416x128xi1>
    %abs3A_495 = math.absf %sub3A_160 : vector<416x128xf32>
    %lt3A_496 = arith.constant 3.500000e-01 : f32
    %lt3A_497 = vector.broadcast %lt3A_496 : f32 to vector<416x128xf32>
    %lt3A_498 = arith.cmpf olt, %abs3A_495, %lt3A_497 : vector<416x128xf32>
    %abs3A_499 = math.absf %sub3A_163 : vector<416x128xf32>
    %lt3A_500 = arith.constant 3.500000e-01 : f32
    %lt3A_501 = vector.broadcast %lt3A_500 : f32 to vector<416x128xf32>
    %lt3A_502 = arith.cmpf olt, %abs3A_499, %lt3A_501 : vector<416x128xf32>
    %or3A_503 = arith.ori %lt3A_498, %lt3A_502 : vector<416x128xi1>
    %abs3A_504 = math.absf %sub3A_166 : vector<416x128xf32>
    %lt3A_505 = arith.constant 3.500000e-01 : f32
    %lt3A_506 = vector.broadcast %lt3A_505 : f32 to vector<416x128xf32>
    %lt3A_507 = arith.cmpf olt, %abs3A_504, %lt3A_506 : vector<416x128xf32>
    %or3A_508 = arith.ori %or3A_503, %lt3A_507 : vector<416x128xi1>
    %and3A_509 = arith.andi %and3A_456, %and3A_467 : vector<416x128xi1>
    %and3A_510 = arith.andi %or3A_480, %or3A_494 : vector<416x128xi1>
    %and3A_511 = arith.andi %and3A_510, %or3A_508 : vector<416x128xi1>
    %or3A_512 = arith.ori %and3A_511, %gt3A_446 : vector<416x128xi1>
    %not3A = arith.constant dense<true> : vector<416x128xi1>
    %not3A_513 = arith.xori %or3A_512, %not3A : vector<416x128xi1>
    %and3A_514 = arith.andi %and3A_509, %not3A_513 : vector<416x128xi1>
    %and3A_515 = arith.andi %and3A_514, %lt3A_33 : vector<416x128xi1>
    %jit3A_516 = arith.constant 0x7F800000 : f32
    %broadcast_in_dim3A_517 = vector.broadcast %jit3A_516 : f32 to vector<416x128xf32>
    %select_n3A_518 = arith.select %and3A_515, %add3A_237, %broadcast_in_dim3A_517 : vector<416x128xi1>, vector<416x128xf32>
    %convert_element_type3A_519 = arith.extui %and3A_515 : vector<416x128xi1> to vector<416x128xi32>
    %add3A_520 = arith.addi %broadcast_in_dim3A_34, %convert_element_type3A_519 : vector<416x128xi32>
    %jit3A_521 = arith.constant 0.000000e+00 : f32
    %broadcast_in_dim3A_522 = vector.broadcast %jit3A_521 : f32 to vector<416x128xf32>
    %select_n3A_523 = arith.select %and3A_515, %add3A_237, %broadcast_in_dim3A_522 : vector<416x128xi1>, vector<416x128xf32>
    %add3A_524 = arith.addf %broadcast_in_dim3A_36, %select_n3A_523 : vector<416x128xf32>
    %get3A_525 = arith.constant 3 : index
    %get3A_526 = arith.constant 0 : index
    %get3A_527 = arith.constant 0 : index
    %get3A_528 = vector.load %arg0[%get3A_525, %get3A_526, %get3A_527] : memref<12x416x128xf32, #tpu.memory_space<vmem>>, vector<1x416x128xf32>
    %get3A_529 = vector.shape_cast %get3A_528 : vector<1x416x128xf32> to vector<416x128xf32>
    %get3A_530 = arith.constant 4 : index
    %get3A_531 = arith.constant 0 : index
    %get3A_532 = arith.constant 0 : index
    %get3A_533 = vector.load %arg0[%get3A_530, %get3A_531, %get3A_532] : memref<12x416x128xf32, #tpu.memory_space<vmem>>, vector<1x416x128xf32>
    %get3A_534 = vector.shape_cast %get3A_533 : vector<1x416x128xf32> to vector<416x128xf32>
    %get3A_535 = arith.constant 5 : index
    %get3A_536 = arith.constant 0 : index
    %get3A_537 = arith.constant 0 : index
    %get3A_538 = vector.load %arg0[%get3A_535, %get3A_536, %get3A_537] : memref<12x416x128xf32, #tpu.memory_space<vmem>>, vector<1x416x128xf32>
    %get3A_539 = vector.shape_cast %get3A_538 : vector<1x416x128xf32> to vector<416x128xf32>
    %get3A_540 = arith.constant 9 : index
    %get3A_541 = arith.constant 0 : index
    %get3A_542 = arith.constant 0 : index
    %get3A_543 = vector.load %arg0[%get3A_540, %get3A_541, %get3A_542] : memref<12x416x128xf32, #tpu.memory_space<vmem>>, vector<1x416x128xf32>
    %get3A_544 = vector.shape_cast %get3A_543 : vector<1x416x128xf32> to vector<416x128xf32>
    %get3A_545 = arith.constant 10 : index
    %get3A_546 = arith.constant 0 : index
    %get3A_547 = arith.constant 0 : index
    %get3A_548 = vector.load %arg0[%get3A_545, %get3A_546, %get3A_547] : memref<12x416x128xf32, #tpu.memory_space<vmem>>, vector<1x416x128xf32>
    %get3A_549 = vector.shape_cast %get3A_548 : vector<1x416x128xf32> to vector<416x128xf32>
    %get3A_550 = arith.constant 11 : index
    %get3A_551 = arith.constant 0 : index
    %get3A_552 = arith.constant 0 : index
    %get3A_553 = vector.load %arg0[%get3A_550, %get3A_551, %get3A_552] : memref<12x416x128xf32, #tpu.memory_space<vmem>>, vector<1x416x128xf32>
    %get3A_554 = vector.shape_cast %get3A_553 : vector<1x416x128xf32> to vector<416x128xf32>
    %abs3A_555 = math.absf %get3A_544 : vector<416x128xf32>
    %mul3A_556 = arith.mulf %get3A_3, %abs3A_555 : vector<416x128xf32>
    %mul3A_557 = arith.constant 1.927310e-03 : f32
    %mul3A_558 = vector.broadcast %mul3A_557 : f32 to vector<416x128xf32>
    %mul3A_559 = arith.mulf %mul3A_556, %mul3A_558 : vector<416x128xf32>
    %abs3A_560 = math.absf %get3A_544 : vector<416x128xf32>
    %mul3A_561 = arith.mulf %get3A_18, %abs3A_560 : vector<416x128xf32>
    %mul3A_562 = arith.constant 1.927310e-03 : f32
    %mul3A_563 = vector.broadcast %mul3A_562 : f32 to vector<416x128xf32>
    %mul3A_564 = arith.mulf %mul3A_561, %mul3A_563 : vector<416x128xf32>
    %abs3A_565 = math.absf %get3A_549 : vector<416x128xf32>
    %mul3A_566 = arith.mulf %get3A_8, %abs3A_565 : vector<416x128xf32>
    %mul3A_567 = arith.constant 1.927310e-03 : f32
    %mul3A_568 = vector.broadcast %mul3A_567 : f32 to vector<416x128xf32>
    %mul3A_569 = arith.mulf %mul3A_566, %mul3A_568 : vector<416x128xf32>
    %abs3A_570 = math.absf %get3A_549 : vector<416x128xf32>
    %mul3A_571 = arith.mulf %get3A_23, %abs3A_570 : vector<416x128xf32>
    %mul3A_572 = arith.constant 1.927310e-03 : f32
    %mul3A_573 = vector.broadcast %mul3A_572 : f32 to vector<416x128xf32>
    %mul3A_574 = arith.mulf %mul3A_571, %mul3A_573 : vector<416x128xf32>
    %abs3A_575 = math.absf %get3A_554 : vector<416x128xf32>
    %mul3A_576 = arith.mulf %get3A_13, %abs3A_575 : vector<416x128xf32>
    %mul3A_577 = arith.constant 1.927310e-03 : f32
    %mul3A_578 = vector.broadcast %mul3A_577 : f32 to vector<416x128xf32>
    %mul3A_579 = arith.mulf %mul3A_576, %mul3A_578 : vector<416x128xf32>
    %abs3A_580 = math.absf %get3A_554 : vector<416x128xf32>
    %mul3A_581 = arith.mulf %get3A_28, %abs3A_580 : vector<416x128xf32>
    %mul3A_582 = arith.constant 1.927310e-03 : f32
    %mul3A_583 = vector.broadcast %mul3A_582 : f32 to vector<416x128xf32>
    %mul3A_584 = arith.mulf %mul3A_581, %mul3A_583 : vector<416x128xf32>
    %abs3A_585 = math.absf %get3A_529 : vector<416x128xf32>
    %mul3A_586 = arith.mulf %get3A_3, %abs3A_585 : vector<416x128xf32>
    %mul3A_587 = arith.constant 1.927310e-03 : f32
    %mul3A_588 = vector.broadcast %mul3A_587 : f32 to vector<416x128xf32>
    %mul3A_589 = arith.mulf %mul3A_586, %mul3A_588 : vector<416x128xf32>
    %abs3A_590 = math.absf %get3A_529 : vector<416x128xf32>
    %mul3A_591 = arith.mulf %get3A_18, %abs3A_590 : vector<416x128xf32>
    %mul3A_592 = arith.constant 1.927310e-03 : f32
    %mul3A_593 = vector.broadcast %mul3A_592 : f32 to vector<416x128xf32>
    %mul3A_594 = arith.mulf %mul3A_591, %mul3A_593 : vector<416x128xf32>
    %abs3A_595 = math.absf %get3A_534 : vector<416x128xf32>
    %mul3A_596 = arith.mulf %get3A_8, %abs3A_595 : vector<416x128xf32>
    %mul3A_597 = arith.constant 1.927310e-03 : f32
    %mul3A_598 = vector.broadcast %mul3A_597 : f32 to vector<416x128xf32>
    %mul3A_599 = arith.mulf %mul3A_596, %mul3A_598 : vector<416x128xf32>
    %abs3A_600 = math.absf %get3A_534 : vector<416x128xf32>
    %mul3A_601 = arith.mulf %get3A_23, %abs3A_600 : vector<416x128xf32>
    %mul3A_602 = arith.constant 1.927310e-03 : f32
    %mul3A_603 = vector.broadcast %mul3A_602 : f32 to vector<416x128xf32>
    %mul3A_604 = arith.mulf %mul3A_601, %mul3A_603 : vector<416x128xf32>
    %abs3A_605 = math.absf %get3A_539 : vector<416x128xf32>
    %mul3A_606 = arith.mulf %get3A_13, %abs3A_605 : vector<416x128xf32>
    %mul3A_607 = arith.constant 1.927310e-03 : f32
    %mul3A_608 = vector.broadcast %mul3A_607 : f32 to vector<416x128xf32>
    %mul3A_609 = arith.mulf %mul3A_606, %mul3A_608 : vector<416x128xf32>
    %abs3A_610 = math.absf %get3A_539 : vector<416x128xf32>
    %mul3A_611 = arith.mulf %get3A_28, %abs3A_610 : vector<416x128xf32>
    %mul3A_612 = arith.constant 1.927310e-03 : f32
    %mul3A_613 = vector.broadcast %mul3A_612 : f32 to vector<416x128xf32>
    %mul3A_614 = arith.mulf %mul3A_611, %mul3A_613 : vector<416x128xf32>
    %eq3A_615 = arith.constant 0.000000e+00 : f32
    %eq3A_616 = vector.broadcast %eq3A_615 : f32 to vector<416x128xf32>
    %eq3A_617 = arith.cmpf oeq, %get3A_529, %eq3A_616 : vector<416x128xf32>
    %eq3A_618 = arith.constant 0.000000e+00 : f32
    %eq3A_619 = vector.broadcast %eq3A_618 : f32 to vector<416x128xf32>
    %eq3A_620 = arith.cmpf oeq, %get3A_534, %eq3A_619 : vector<416x128xf32>
    %eq3A_621 = arith.constant 0.000000e+00 : f32
    %eq3A_622 = vector.broadcast %eq3A_621 : f32 to vector<416x128xf32>
    %eq3A_623 = arith.cmpf oeq, %get3A_539, %eq3A_622 : vector<416x128xf32>
    %jit3A_624 = arith.constant 9.99999974E-5 : f32
    %broadcast_in_dim3A_625 = vector.broadcast %jit3A_624 : f32 to vector<416x128xf32>
    %select_n3A_626 = arith.select %eq3A_617, %broadcast_in_dim3A_625, %mul3A_589 : vector<416x128xi1>, vector<416x128xf32>
    %jit3A_627 = arith.constant 9.99999974E-5 : f32
    %broadcast_in_dim3A_628 = vector.broadcast %jit3A_627 : f32 to vector<416x128xf32>
    %select_n3A_629 = arith.select %eq3A_620, %broadcast_in_dim3A_628, %mul3A_594 : vector<416x128xi1>, vector<416x128xf32>
    %jit3A_630 = arith.constant 9.99999974E-5 : f32
    %broadcast_in_dim3A_631 = vector.broadcast %jit3A_630 : f32 to vector<416x128xf32>
    %select_n3A_632 = arith.select %eq3A_623, %broadcast_in_dim3A_631, %get3A_529 : vector<416x128xi1>, vector<416x128xf32>
    %jit3A_633 = arith.constant 9.99999974E-5 : f32
    %broadcast_in_dim3A_634 = vector.broadcast %jit3A_633 : f32 to vector<416x128xf32>
    %select_n3A_635 = arith.select %eq3A_617, %broadcast_in_dim3A_634, %mul3A_599 : vector<416x128xi1>, vector<416x128xf32>
    %jit3A_636 = arith.constant 9.99999974E-5 : f32
    %broadcast_in_dim3A_637 = vector.broadcast %jit3A_636 : f32 to vector<416x128xf32>
    %select_n3A_638 = arith.select %eq3A_620, %broadcast_in_dim3A_637, %mul3A_604 : vector<416x128xi1>, vector<416x128xf32>
    %jit3A_639 = arith.constant 9.99999974E-5 : f32
    %broadcast_in_dim3A_640 = vector.broadcast %jit3A_639 : f32 to vector<416x128xf32>
    %select_n3A_641 = arith.select %eq3A_623, %broadcast_in_dim3A_640, %get3A_534 : vector<416x128xi1>, vector<416x128xf32>
    %jit3A_642 = arith.constant 9.99999974E-5 : f32
    %broadcast_in_dim3A_643 = vector.broadcast %jit3A_642 : f32 to vector<416x128xf32>
    %select_n3A_644 = arith.select %eq3A_617, %broadcast_in_dim3A_643, %mul3A_609 : vector<416x128xi1>, vector<416x128xf32>
    %jit3A_645 = arith.constant 9.99999974E-5 : f32
    %broadcast_in_dim3A_646 = vector.broadcast %jit3A_645 : f32 to vector<416x128xf32>
    %select_n3A_647 = arith.select %eq3A_620, %broadcast_in_dim3A_646, %mul3A_614 : vector<416x128xi1>, vector<416x128xf32>
    %jit3A_648 = arith.constant 9.99999974E-5 : f32
    %broadcast_in_dim3A_649 = vector.broadcast %jit3A_648 : f32 to vector<416x128xf32>
    %select_n3A_650 = arith.select %eq3A_623, %broadcast_in_dim3A_649, %get3A_539 : vector<416x128xi1>, vector<416x128xf32>
    %sub3A_651 = arith.subf %mul3A_569, %mul3A_559 : vector<416x128xf32>
    %sub3A_652 = arith.subf %mul3A_574, %mul3A_564 : vector<416x128xf32>
    %sub3A_653 = arith.subf %get3A_549, %get3A_544 : vector<416x128xf32>
    %sub3A_654 = arith.subf %mul3A_579, %mul3A_559 : vector<416x128xf32>
    %sub3A_655 = arith.subf %mul3A_584, %mul3A_564 : vector<416x128xf32>
    %sub3A_656 = arith.subf %get3A_554, %get3A_544 : vector<416x128xf32>
    %sub3A_657 = arith.subf %mul3A_579, %mul3A_569 : vector<416x128xf32>
    %sub3A_658 = arith.subf %mul3A_584, %mul3A_574 : vector<416x128xf32>
    %sub3A_659 = arith.subf %get3A_554, %get3A_549 : vector<416x128xf32>
    %sub3A_660 = arith.subf %select_n3A_635, %select_n3A_626 : vector<416x128xf32>
    %sub3A_661 = arith.subf %select_n3A_638, %select_n3A_629 : vector<416x128xf32>
    %sub3A_662 = arith.subf %select_n3A_641, %select_n3A_632 : vector<416x128xf32>
    %sub3A_663 = arith.subf %select_n3A_644, %select_n3A_626 : vector<416x128xf32>
    %sub3A_664 = arith.subf %select_n3A_647, %select_n3A_629 : vector<416x128xf32>
    %sub3A_665 = arith.subf %select_n3A_650, %select_n3A_632 : vector<416x128xf32>
    %mul3A_666 = arith.mulf %sub3A_652, %sub3A_656 : vector<416x128xf32>
    %mul3A_667 = arith.mulf %sub3A_653, %sub3A_655 : vector<416x128xf32>
    %sub3A_668 = arith.subf %mul3A_666, %mul3A_667 : vector<416x128xf32>
    %mul3A_669 = arith.mulf %sub3A_653, %sub3A_654 : vector<416x128xf32>
    %mul3A_670 = arith.mulf %sub3A_651, %sub3A_656 : vector<416x128xf32>
    %sub3A_671 = arith.subf %mul3A_669, %mul3A_670 : vector<416x128xf32>
    %mul3A_672 = arith.mulf %sub3A_651, %sub3A_655 : vector<416x128xf32>
    %mul3A_673 = arith.mulf %sub3A_652, %sub3A_654 : vector<416x128xf32>
    %sub3A_674 = arith.subf %mul3A_672, %mul3A_673 : vector<416x128xf32>
    %mul3A_675 = arith.mulf %sub3A_661, %sub3A_665 : vector<416x128xf32>
    %mul3A_676 = arith.mulf %sub3A_662, %sub3A_664 : vector<416x128xf32>
    %sub3A_677 = arith.subf %mul3A_675, %mul3A_676 : vector<416x128xf32>
    %mul3A_678 = arith.mulf %sub3A_662, %sub3A_663 : vector<416x128xf32>
    %mul3A_679 = arith.mulf %sub3A_660, %sub3A_665 : vector<416x128xf32>
    %sub3A_680 = arith.subf %mul3A_678, %mul3A_679 : vector<416x128xf32>
    %mul3A_681 = arith.mulf %sub3A_660, %sub3A_664 : vector<416x128xf32>
    %mul3A_682 = arith.mulf %sub3A_661, %sub3A_663 : vector<416x128xf32>
    %sub3A_683 = arith.subf %mul3A_681, %mul3A_682 : vector<416x128xf32>
    %mul3A_684 = arith.mulf %sub3A_668, %sub3A_668 : vector<416x128xf32>
    %mul3A_685 = arith.mulf %sub3A_671, %sub3A_671 : vector<416x128xf32>
    %add3A_686 = arith.addf %mul3A_684, %mul3A_685 : vector<416x128xf32>
    %mul3A_687 = arith.mulf %sub3A_674, %sub3A_674 : vector<416x128xf32>
    %add3A_688 = arith.addf %add3A_686, %mul3A_687 : vector<416x128xf32>
    %sqrt3A_689 = math.sqrt %add3A_688 : vector<416x128xf32>
    %mul3A_690 = arith.mulf %sub3A_677, %sub3A_677 : vector<416x128xf32>
    %mul3A_691 = arith.mulf %sub3A_680, %sub3A_680 : vector<416x128xf32>
    %add3A_692 = arith.addf %mul3A_690, %mul3A_691 : vector<416x128xf32>
    %mul3A_693 = arith.mulf %sub3A_683, %sub3A_683 : vector<416x128xf32>
    %add3A_694 = arith.addf %add3A_692, %mul3A_693 : vector<416x128xf32>
    %sqrt3A_695 = math.sqrt %add3A_694 : vector<416x128xf32>
    %eq3A_696 = arith.constant 0.000000e+00 : f32
    %eq3A_697 = vector.broadcast %eq3A_696 : f32 to vector<416x128xf32>
    %eq3A_698 = arith.cmpf oeq, %sqrt3A_689, %eq3A_697 : vector<416x128xf32>
    %convert_element_type3A_699 = arith.extui %eq3A_698 : vector<416x128xi1> to vector<416x128xi32>
    %convert_element_type3A_700 = arith.sitofp %convert_element_type3A_699 : vector<416x128xi32> to vector<416x128xf32>
    %mul3A_701 = arith.constant 0.00999999977 : f32
    %mul3A_702 = vector.broadcast %mul3A_701 : f32 to vector<416x128xf32>
    %mul3A_703 = arith.mulf %convert_element_type3A_700, %mul3A_702 : vector<416x128xf32>
    %add3A_704 = arith.addf %sqrt3A_689, %mul3A_703 : vector<416x128xf32>
    %eq3A_705 = arith.constant 0.000000e+00 : f32
    %eq3A_706 = vector.broadcast %eq3A_705 : f32 to vector<416x128xf32>
    %eq3A_707 = arith.cmpf oeq, %sqrt3A_695, %eq3A_706 : vector<416x128xf32>
    %convert_element_type3A_708 = arith.extui %eq3A_707 : vector<416x128xi1> to vector<416x128xi32>
    %convert_element_type3A_709 = arith.sitofp %convert_element_type3A_708 : vector<416x128xi32> to vector<416x128xf32>
    %mul3A_710 = arith.constant 0.00999999977 : f32
    %mul3A_711 = vector.broadcast %mul3A_710 : f32 to vector<416x128xf32>
    %mul3A_712 = arith.mulf %convert_element_type3A_709, %mul3A_711 : vector<416x128xf32>
    %add3A_713 = arith.addf %sqrt3A_695, %mul3A_712 : vector<416x128xf32>
    %div3A_714 = arith.constant 1.000000e+00 : f32
    %div3A_715 = vector.broadcast %div3A_714 : f32 to vector<416x128xf32>
    %div3A_716 = arith.divf %div3A_715, %add3A_704 : vector<416x128xf32>
    %div3A_717 = arith.constant 1.000000e+00 : f32
    %div3A_718 = vector.broadcast %div3A_717 : f32 to vector<416x128xf32>
    %div3A_719 = arith.divf %div3A_718, %add3A_713 : vector<416x128xf32>
    %mul3A_720 = arith.mulf %sub3A_668, %div3A_716 : vector<416x128xf32>
    %mul3A_721 = arith.mulf %sub3A_677, %div3A_719 : vector<416x128xf32>
    %sub3A_722 = arith.subf %mul3A_720, %mul3A_721 : vector<416x128xf32>
    %abs3A_723 = math.absf %sub3A_722 : vector<416x128xf32>
    %mul3A_724 = arith.mulf %sub3A_671, %div3A_716 : vector<416x128xf32>
    %mul3A_725 = arith.mulf %sub3A_680, %div3A_719 : vector<416x128xf32>
    %sub3A_726 = arith.subf %mul3A_724, %mul3A_725 : vector<416x128xf32>
    %abs3A_727 = math.absf %sub3A_726 : vector<416x128xf32>
    %add3A_728 = arith.addf %abs3A_723, %abs3A_727 : vector<416x128xf32>
    %mul3A_729 = arith.mulf %sub3A_674, %div3A_716 : vector<416x128xf32>
    %mul3A_730 = arith.mulf %sub3A_683, %div3A_719 : vector<416x128xf32>
    %sub3A_731 = arith.subf %mul3A_729, %mul3A_730 : vector<416x128xf32>
    %abs3A_732 = math.absf %sub3A_731 : vector<416x128xf32>
    %add3A_733 = arith.addf %add3A_728, %abs3A_732 : vector<416x128xf32>
    %integer_pow3A_734 = arith.mulf %sub3A_651, %sub3A_651 : vector<416x128xf32>
    %integer_pow3A_735 = arith.mulf %sub3A_652, %sub3A_652 : vector<416x128xf32>
    %add3A_736 = arith.addf %integer_pow3A_734, %integer_pow3A_735 : vector<416x128xf32>
    %integer_pow3A_737 = arith.mulf %sub3A_653, %sub3A_653 : vector<416x128xf32>
    %add3A_738 = arith.addf %add3A_736, %integer_pow3A_737 : vector<416x128xf32>
    %sqrt3A_739 = math.sqrt %add3A_738 : vector<416x128xf32>
    %integer_pow3A_740 = arith.mulf %sub3A_654, %sub3A_654 : vector<416x128xf32>
    %integer_pow3A_741 = arith.mulf %sub3A_655, %sub3A_655 : vector<416x128xf32>
    %add3A_742 = arith.addf %integer_pow3A_740, %integer_pow3A_741 : vector<416x128xf32>
    %integer_pow3A_743 = arith.mulf %sub3A_656, %sub3A_656 : vector<416x128xf32>
    %add3A_744 = arith.addf %add3A_742, %integer_pow3A_743 : vector<416x128xf32>
    %sqrt3A_745 = math.sqrt %add3A_744 : vector<416x128xf32>
    %integer_pow3A_746 = arith.mulf %sub3A_657, %sub3A_657 : vector<416x128xf32>
    %integer_pow3A_747 = arith.mulf %sub3A_658, %sub3A_658 : vector<416x128xf32>
    %add3A_748 = arith.addf %integer_pow3A_746, %integer_pow3A_747 : vector<416x128xf32>
    %integer_pow3A_749 = arith.mulf %sub3A_659, %sub3A_659 : vector<416x128xf32>
    %add3A_750 = arith.addf %add3A_748, %integer_pow3A_749 : vector<416x128xf32>
    %sqrt3A_751 = math.sqrt %add3A_750 : vector<416x128xf32>
    %broadcast_in_dim3A_752 = arith.constant 0 : i32
    %broadcast_in_dim3A_753 = vector.broadcast %broadcast_in_dim3A_752 : i32 to vector<416x128xi32>
    %mul3A_754 = arith.mulf %sub3A_651, %sub3A_651 : vector<416x128xf32>
    %mul3A_755 = arith.mulf %sub3A_652, %sub3A_652 : vector<416x128xf32>
    %add3A_756 = arith.addf %mul3A_754, %mul3A_755 : vector<416x128xf32>
    %mul3A_757 = arith.mulf %sub3A_653, %sub3A_653 : vector<416x128xf32>
    %add3A_758 = arith.addf %add3A_756, %mul3A_757 : vector<416x128xf32>
    %mul3A_759 = arith.mulf %sqrt3A_739, %sqrt3A_739 : vector<416x128xf32>
    %add3A_760 = arith.constant 9.99999993E-9 : f32
    %add3A_761 = vector.broadcast %add3A_760 : f32 to vector<416x128xf32>
    %add3A_762 = arith.addf %mul3A_759, %add3A_761 : vector<416x128xf32>
    %mul3A_763 = arith.constant 0.866999983 : f32
    %mul3A_764 = vector.broadcast %mul3A_763 : f32 to vector<416x128xf32>
    %mul3A_765 = arith.mulf %mul3A_764, %add3A_762 : vector<416x128xf32>
    %gt3A_766 = arith.cmpf ogt, %add3A_758, %mul3A_765 : vector<416x128xf32>
    %convert_element_type3A_767 = arith.extui %gt3A_766 : vector<416x128xi1> to vector<416x128xi32>
    %add3A_768 = arith.addi %broadcast_in_dim3A_753, %convert_element_type3A_767 : vector<416x128xi32>
    %neg3A_769 = arith.constant 0.000000e+00 : f32
    %neg3A_770 = vector.broadcast %neg3A_769 : f32 to vector<416x128xf32>
    %neg3A_771 = arith.subf %neg3A_770, %mul3A_765 : vector<416x128xf32>
    %lt3A_772 = arith.cmpf olt, %add3A_758, %neg3A_771 : vector<416x128xf32>
    %convert_element_type3A_773 = arith.extui %lt3A_772 : vector<416x128xi1> to vector<416x128xi32>
    %add3A_774 = arith.addi %add3A_768, %convert_element_type3A_773 : vector<416x128xi32>
    %mul3A_775 = arith.mulf %sub3A_651, %sub3A_654 : vector<416x128xf32>
    %mul3A_776 = arith.mulf %sub3A_652, %sub3A_655 : vector<416x128xf32>
    %add3A_777 = arith.addf %mul3A_775, %mul3A_776 : vector<416x128xf32>
    %mul3A_778 = arith.mulf %sub3A_653, %sub3A_656 : vector<416x128xf32>
    %add3A_779 = arith.addf %add3A_777, %mul3A_778 : vector<416x128xf32>
    %mul3A_780 = arith.mulf %sqrt3A_739, %sqrt3A_745 : vector<416x128xf32>
    %add3A_781 = arith.constant 9.99999993E-9 : f32
    %add3A_782 = vector.broadcast %add3A_781 : f32 to vector<416x128xf32>
    %add3A_783 = arith.addf %mul3A_780, %add3A_782 : vector<416x128xf32>
    %mul3A_784 = arith.constant 0.866999983 : f32
    %mul3A_785 = vector.broadcast %mul3A_784 : f32 to vector<416x128xf32>
    %mul3A_786 = arith.mulf %mul3A_785, %add3A_783 : vector<416x128xf32>
    %gt3A_787 = arith.cmpf ogt, %add3A_779, %mul3A_786 : vector<416x128xf32>
    %convert_element_type3A_788 = arith.extui %gt3A_787 : vector<416x128xi1> to vector<416x128xi32>
    %add3A_789 = arith.addi %add3A_774, %convert_element_type3A_788 : vector<416x128xi32>
    %neg3A_790 = arith.constant 0.000000e+00 : f32
    %neg3A_791 = vector.broadcast %neg3A_790 : f32 to vector<416x128xf32>
    %neg3A_792 = arith.subf %neg3A_791, %mul3A_786 : vector<416x128xf32>
    %lt3A_793 = arith.cmpf olt, %add3A_779, %neg3A_792 : vector<416x128xf32>
    %convert_element_type3A_794 = arith.extui %lt3A_793 : vector<416x128xi1> to vector<416x128xi32>
    %add3A_795 = arith.addi %add3A_789, %convert_element_type3A_794 : vector<416x128xi32>
    %mul3A_796 = arith.mulf %sub3A_651, %sub3A_657 : vector<416x128xf32>
    %mul3A_797 = arith.mulf %sub3A_652, %sub3A_658 : vector<416x128xf32>
    %add3A_798 = arith.addf %mul3A_796, %mul3A_797 : vector<416x128xf32>
    %mul3A_799 = arith.mulf %sub3A_653, %sub3A_659 : vector<416x128xf32>
    %add3A_800 = arith.addf %add3A_798, %mul3A_799 : vector<416x128xf32>
    %mul3A_801 = arith.mulf %sqrt3A_739, %sqrt3A_751 : vector<416x128xf32>
    %add3A_802 = arith.constant 9.99999993E-9 : f32
    %add3A_803 = vector.broadcast %add3A_802 : f32 to vector<416x128xf32>
    %add3A_804 = arith.addf %mul3A_801, %add3A_803 : vector<416x128xf32>
    %mul3A_805 = arith.constant 0.866999983 : f32
    %mul3A_806 = vector.broadcast %mul3A_805 : f32 to vector<416x128xf32>
    %mul3A_807 = arith.mulf %mul3A_806, %add3A_804 : vector<416x128xf32>
    %gt3A_808 = arith.cmpf ogt, %add3A_800, %mul3A_807 : vector<416x128xf32>
    %convert_element_type3A_809 = arith.extui %gt3A_808 : vector<416x128xi1> to vector<416x128xi32>
    %add3A_810 = arith.addi %add3A_795, %convert_element_type3A_809 : vector<416x128xi32>
    %neg3A_811 = arith.constant 0.000000e+00 : f32
    %neg3A_812 = vector.broadcast %neg3A_811 : f32 to vector<416x128xf32>
    %neg3A_813 = arith.subf %neg3A_812, %mul3A_807 : vector<416x128xf32>
    %lt3A_814 = arith.cmpf olt, %add3A_800, %neg3A_813 : vector<416x128xf32>
    %convert_element_type3A_815 = arith.extui %lt3A_814 : vector<416x128xi1> to vector<416x128xi32>
    %add3A_816 = arith.addi %add3A_810, %convert_element_type3A_815 : vector<416x128xi32>
    %mul3A_817 = arith.mulf %sub3A_654, %sub3A_651 : vector<416x128xf32>
    %mul3A_818 = arith.mulf %sub3A_655, %sub3A_652 : vector<416x128xf32>
    %add3A_819 = arith.addf %mul3A_817, %mul3A_818 : vector<416x128xf32>
    %mul3A_820 = arith.mulf %sub3A_656, %sub3A_653 : vector<416x128xf32>
    %add3A_821 = arith.addf %add3A_819, %mul3A_820 : vector<416x128xf32>
    %mul3A_822 = arith.mulf %sqrt3A_745, %sqrt3A_739 : vector<416x128xf32>
    %add3A_823 = arith.constant 9.99999993E-9 : f32
    %add3A_824 = vector.broadcast %add3A_823 : f32 to vector<416x128xf32>
    %add3A_825 = arith.addf %mul3A_822, %add3A_824 : vector<416x128xf32>
    %mul3A_826 = arith.constant 0.866999983 : f32
    %mul3A_827 = vector.broadcast %mul3A_826 : f32 to vector<416x128xf32>
    %mul3A_828 = arith.mulf %mul3A_827, %add3A_825 : vector<416x128xf32>
    %gt3A_829 = arith.cmpf ogt, %add3A_821, %mul3A_828 : vector<416x128xf32>
    %convert_element_type3A_830 = arith.extui %gt3A_829 : vector<416x128xi1> to vector<416x128xi32>
    %add3A_831 = arith.addi %add3A_816, %convert_element_type3A_830 : vector<416x128xi32>
    %neg3A_832 = arith.constant 0.000000e+00 : f32
    %neg3A_833 = vector.broadcast %neg3A_832 : f32 to vector<416x128xf32>
    %neg3A_834 = arith.subf %neg3A_833, %mul3A_828 : vector<416x128xf32>
    %lt3A_835 = arith.cmpf olt, %add3A_821, %neg3A_834 : vector<416x128xf32>
    %convert_element_type3A_836 = arith.extui %lt3A_835 : vector<416x128xi1> to vector<416x128xi32>
    %add3A_837 = arith.addi %add3A_831, %convert_element_type3A_836 : vector<416x128xi32>
    %mul3A_838 = arith.mulf %sub3A_654, %sub3A_654 : vector<416x128xf32>
    %mul3A_839 = arith.mulf %sub3A_655, %sub3A_655 : vector<416x128xf32>
    %add3A_840 = arith.addf %mul3A_838, %mul3A_839 : vector<416x128xf32>
    %mul3A_841 = arith.mulf %sub3A_656, %sub3A_656 : vector<416x128xf32>
    %add3A_842 = arith.addf %add3A_840, %mul3A_841 : vector<416x128xf32>
    %mul3A_843 = arith.mulf %sqrt3A_745, %sqrt3A_745 : vector<416x128xf32>
    %add3A_844 = arith.constant 9.99999993E-9 : f32
    %add3A_845 = vector.broadcast %add3A_844 : f32 to vector<416x128xf32>
    %add3A_846 = arith.addf %mul3A_843, %add3A_845 : vector<416x128xf32>
    %mul3A_847 = arith.constant 0.866999983 : f32
    %mul3A_848 = vector.broadcast %mul3A_847 : f32 to vector<416x128xf32>
    %mul3A_849 = arith.mulf %mul3A_848, %add3A_846 : vector<416x128xf32>
    %gt3A_850 = arith.cmpf ogt, %add3A_842, %mul3A_849 : vector<416x128xf32>
    %convert_element_type3A_851 = arith.extui %gt3A_850 : vector<416x128xi1> to vector<416x128xi32>
    %add3A_852 = arith.addi %add3A_837, %convert_element_type3A_851 : vector<416x128xi32>
    %neg3A_853 = arith.constant 0.000000e+00 : f32
    %neg3A_854 = vector.broadcast %neg3A_853 : f32 to vector<416x128xf32>
    %neg3A_855 = arith.subf %neg3A_854, %mul3A_849 : vector<416x128xf32>
    %lt3A_856 = arith.cmpf olt, %add3A_842, %neg3A_855 : vector<416x128xf32>
    %convert_element_type3A_857 = arith.extui %lt3A_856 : vector<416x128xi1> to vector<416x128xi32>
    %add3A_858 = arith.addi %add3A_852, %convert_element_type3A_857 : vector<416x128xi32>
    %mul3A_859 = arith.mulf %sub3A_654, %sub3A_657 : vector<416x128xf32>
    %mul3A_860 = arith.mulf %sub3A_655, %sub3A_658 : vector<416x128xf32>
    %add3A_861 = arith.addf %mul3A_859, %mul3A_860 : vector<416x128xf32>
    %mul3A_862 = arith.mulf %sub3A_656, %sub3A_659 : vector<416x128xf32>
    %add3A_863 = arith.addf %add3A_861, %mul3A_862 : vector<416x128xf32>
    %mul3A_864 = arith.mulf %sqrt3A_745, %sqrt3A_751 : vector<416x128xf32>
    %add3A_865 = arith.constant 9.99999993E-9 : f32
    %add3A_866 = vector.broadcast %add3A_865 : f32 to vector<416x128xf32>
    %add3A_867 = arith.addf %mul3A_864, %add3A_866 : vector<416x128xf32>
    %mul3A_868 = arith.constant 0.866999983 : f32
    %mul3A_869 = vector.broadcast %mul3A_868 : f32 to vector<416x128xf32>
    %mul3A_870 = arith.mulf %mul3A_869, %add3A_867 : vector<416x128xf32>
    %gt3A_871 = arith.cmpf ogt, %add3A_863, %mul3A_870 : vector<416x128xf32>
    %convert_element_type3A_872 = arith.extui %gt3A_871 : vector<416x128xi1> to vector<416x128xi32>
    %add3A_873 = arith.addi %add3A_858, %convert_element_type3A_872 : vector<416x128xi32>
    %neg3A_874 = arith.constant 0.000000e+00 : f32
    %neg3A_875 = vector.broadcast %neg3A_874 : f32 to vector<416x128xf32>
    %neg3A_876 = arith.subf %neg3A_875, %mul3A_870 : vector<416x128xf32>
    %lt3A_877 = arith.cmpf olt, %add3A_863, %neg3A_876 : vector<416x128xf32>
    %convert_element_type3A_878 = arith.extui %lt3A_877 : vector<416x128xi1> to vector<416x128xi32>
    %add3A_879 = arith.addi %add3A_873, %convert_element_type3A_878 : vector<416x128xi32>
    %mul3A_880 = arith.mulf %sub3A_657, %sub3A_651 : vector<416x128xf32>
    %mul3A_881 = arith.mulf %sub3A_658, %sub3A_652 : vector<416x128xf32>
    %add3A_882 = arith.addf %mul3A_880, %mul3A_881 : vector<416x128xf32>
    %mul3A_883 = arith.mulf %sub3A_659, %sub3A_653 : vector<416x128xf32>
    %add3A_884 = arith.addf %add3A_882, %mul3A_883 : vector<416x128xf32>
    %mul3A_885 = arith.mulf %sqrt3A_751, %sqrt3A_739 : vector<416x128xf32>
    %add3A_886 = arith.constant 9.99999993E-9 : f32
    %add3A_887 = vector.broadcast %add3A_886 : f32 to vector<416x128xf32>
    %add3A_888 = arith.addf %mul3A_885, %add3A_887 : vector<416x128xf32>
    %mul3A_889 = arith.constant 0.866999983 : f32
    %mul3A_890 = vector.broadcast %mul3A_889 : f32 to vector<416x128xf32>
    %mul3A_891 = arith.mulf %mul3A_890, %add3A_888 : vector<416x128xf32>
    %gt3A_892 = arith.cmpf ogt, %add3A_884, %mul3A_891 : vector<416x128xf32>
    %convert_element_type3A_893 = arith.extui %gt3A_892 : vector<416x128xi1> to vector<416x128xi32>
    %add3A_894 = arith.addi %add3A_879, %convert_element_type3A_893 : vector<416x128xi32>
    %neg3A_895 = arith.constant 0.000000e+00 : f32
    %neg3A_896 = vector.broadcast %neg3A_895 : f32 to vector<416x128xf32>
    %neg3A_897 = arith.subf %neg3A_896, %mul3A_891 : vector<416x128xf32>
    %lt3A_898 = arith.cmpf olt, %add3A_884, %neg3A_897 : vector<416x128xf32>
    %convert_element_type3A_899 = arith.extui %lt3A_898 : vector<416x128xi1> to vector<416x128xi32>
    %add3A_900 = arith.addi %add3A_894, %convert_element_type3A_899 : vector<416x128xi32>
    %mul3A_901 = arith.mulf %sub3A_657, %sub3A_654 : vector<416x128xf32>
    %mul3A_902 = arith.mulf %sub3A_658, %sub3A_655 : vector<416x128xf32>
    %add3A_903 = arith.addf %mul3A_901, %mul3A_902 : vector<416x128xf32>
    %mul3A_904 = arith.mulf %sub3A_659, %sub3A_656 : vector<416x128xf32>
    %add3A_905 = arith.addf %add3A_903, %mul3A_904 : vector<416x128xf32>
    %mul3A_906 = arith.mulf %sqrt3A_751, %sqrt3A_745 : vector<416x128xf32>
    %add3A_907 = arith.constant 9.99999993E-9 : f32
    %add3A_908 = vector.broadcast %add3A_907 : f32 to vector<416x128xf32>
    %add3A_909 = arith.addf %mul3A_906, %add3A_908 : vector<416x128xf32>
    %mul3A_910 = arith.constant 0.866999983 : f32
    %mul3A_911 = vector.broadcast %mul3A_910 : f32 to vector<416x128xf32>
    %mul3A_912 = arith.mulf %mul3A_911, %add3A_909 : vector<416x128xf32>
    %gt3A_913 = arith.cmpf ogt, %add3A_905, %mul3A_912 : vector<416x128xf32>
    %convert_element_type3A_914 = arith.extui %gt3A_913 : vector<416x128xi1> to vector<416x128xi32>
    %add3A_915 = arith.addi %add3A_900, %convert_element_type3A_914 : vector<416x128xi32>
    %neg3A_916 = arith.constant 0.000000e+00 : f32
    %neg3A_917 = vector.broadcast %neg3A_916 : f32 to vector<416x128xf32>
    %neg3A_918 = arith.subf %neg3A_917, %mul3A_912 : vector<416x128xf32>
    %lt3A_919 = arith.cmpf olt, %add3A_905, %neg3A_918 : vector<416x128xf32>
    %convert_element_type3A_920 = arith.extui %lt3A_919 : vector<416x128xi1> to vector<416x128xi32>
    %add3A_921 = arith.addi %add3A_915, %convert_element_type3A_920 : vector<416x128xi32>
    %mul3A_922 = arith.mulf %sub3A_657, %sub3A_657 : vector<416x128xf32>
    %mul3A_923 = arith.mulf %sub3A_658, %sub3A_658 : vector<416x128xf32>
    %add3A_924 = arith.addf %mul3A_922, %mul3A_923 : vector<416x128xf32>
    %mul3A_925 = arith.mulf %sub3A_659, %sub3A_659 : vector<416x128xf32>
    %add3A_926 = arith.addf %add3A_924, %mul3A_925 : vector<416x128xf32>
    %mul3A_927 = arith.mulf %sqrt3A_751, %sqrt3A_751 : vector<416x128xf32>
    %add3A_928 = arith.constant 9.99999993E-9 : f32
    %add3A_929 = vector.broadcast %add3A_928 : f32 to vector<416x128xf32>
    %add3A_930 = arith.addf %mul3A_927, %add3A_929 : vector<416x128xf32>
    %mul3A_931 = arith.constant 0.866999983 : f32
    %mul3A_932 = vector.broadcast %mul3A_931 : f32 to vector<416x128xf32>
    %mul3A_933 = arith.mulf %mul3A_932, %add3A_930 : vector<416x128xf32>
    %gt3A_934 = arith.cmpf ogt, %add3A_926, %mul3A_933 : vector<416x128xf32>
    %convert_element_type3A_935 = arith.extui %gt3A_934 : vector<416x128xi1> to vector<416x128xi32>
    %add3A_936 = arith.addi %add3A_921, %convert_element_type3A_935 : vector<416x128xi32>
    %neg3A_937 = arith.constant 0.000000e+00 : f32
    %neg3A_938 = vector.broadcast %neg3A_937 : f32 to vector<416x128xf32>
    %neg3A_939 = arith.subf %neg3A_938, %mul3A_933 : vector<416x128xf32>
    %lt3A_940 = arith.cmpf olt, %add3A_926, %neg3A_939 : vector<416x128xf32>
    %convert_element_type3A_941 = arith.extui %lt3A_940 : vector<416x128xi1> to vector<416x128xi32>
    %add3A_942 = arith.addi %add3A_936, %convert_element_type3A_941 : vector<416x128xi32>
    %gt3A_943 = arith.constant 3 : i32
    %gt3A_944 = vector.broadcast %gt3A_943 : i32 to vector<416x128xi32>
    %gt3A_945 = arith.cmpi sgt, %add3A_942, %gt3A_944 : vector<416x128xi32>
    %gt3A_946 = arith.constant 5.000000e-02 : f32
    %gt3A_947 = vector.broadcast %gt3A_946 : f32 to vector<416x128xf32>
    %gt3A_948 = arith.cmpf ogt, %get3A_544, %gt3A_947 : vector<416x128xf32>
    %gt3A_949 = arith.constant 5.000000e-02 : f32
    %gt3A_950 = vector.broadcast %gt3A_949 : f32 to vector<416x128xf32>
    %gt3A_951 = arith.cmpf ogt, %get3A_549, %gt3A_950 : vector<416x128xf32>
    %and3A_952 = arith.andi %gt3A_948, %gt3A_951 : vector<416x128xi1>
    %gt3A_953 = arith.constant 5.000000e-02 : f32
    %gt3A_954 = vector.broadcast %gt3A_953 : f32 to vector<416x128xf32>
    %gt3A_955 = arith.cmpf ogt, %get3A_554, %gt3A_954 : vector<416x128xf32>
    %and3A_956 = arith.andi %and3A_952, %gt3A_955 : vector<416x128xi1>
    %lt3A_957 = arith.constant 1.230000e+01 : f32
    %lt3A_958 = vector.broadcast %lt3A_957 : f32 to vector<416x128xf32>
    %lt3A_959 = arith.cmpf olt, %get3A_544, %lt3A_958 : vector<416x128xf32>
    %lt3A_960 = arith.constant 1.230000e+01 : f32
    %lt3A_961 = vector.broadcast %lt3A_960 : f32 to vector<416x128xf32>
    %lt3A_962 = arith.cmpf olt, %get3A_549, %lt3A_961 : vector<416x128xf32>
    %and3A_963 = arith.andi %lt3A_959, %lt3A_962 : vector<416x128xi1>
    %lt3A_964 = arith.constant 1.230000e+01 : f32
    %lt3A_965 = vector.broadcast %lt3A_964 : f32 to vector<416x128xf32>
    %lt3A_966 = arith.cmpf olt, %get3A_554, %lt3A_965 : vector<416x128xf32>
    %and3A_967 = arith.andi %and3A_963, %lt3A_966 : vector<416x128xi1>
    %abs3A_968 = math.absf %sub3A_651 : vector<416x128xf32>
    %lt3A_969 = arith.constant 3.500000e-01 : f32
    %lt3A_970 = vector.broadcast %lt3A_969 : f32 to vector<416x128xf32>
    %lt3A_971 = arith.cmpf olt, %abs3A_968, %lt3A_970 : vector<416x128xf32>
    %abs3A_972 = math.absf %sub3A_654 : vector<416x128xf32>
    %lt3A_973 = arith.constant 3.500000e-01 : f32
    %lt3A_974 = vector.broadcast %lt3A_973 : f32 to vector<416x128xf32>
    %lt3A_975 = arith.cmpf olt, %abs3A_972, %lt3A_974 : vector<416x128xf32>
    %or3A_976 = arith.ori %lt3A_971, %lt3A_975 : vector<416x128xi1>
    %abs3A_977 = math.absf %sub3A_657 : vector<416x128xf32>
    %lt3A_978 = arith.constant 3.500000e-01 : f32
    %lt3A_979 = vector.broadcast %lt3A_978 : f32 to vector<416x128xf32>
    %lt3A_980 = arith.cmpf olt, %abs3A_977, %lt3A_979 : vector<416x128xf32>
    %or3A_981 = arith.ori %or3A_976, %lt3A_980 : vector<416x128xi1>
    %abs3A_982 = math.absf %sub3A_652 : vector<416x128xf32>
    %lt3A_983 = arith.constant 3.500000e-01 : f32
    %lt3A_984 = vector.broadcast %lt3A_983 : f32 to vector<416x128xf32>
    %lt3A_985 = arith.cmpf olt, %abs3A_982, %lt3A_984 : vector<416x128xf32>
    %abs3A_986 = math.absf %sub3A_655 : vector<416x128xf32>
    %lt3A_987 = arith.constant 3.500000e-01 : f32
    %lt3A_988 = vector.broadcast %lt3A_987 : f32 to vector<416x128xf32>
    %lt3A_989 = arith.cmpf olt, %abs3A_986, %lt3A_988 : vector<416x128xf32>
    %or3A_990 = arith.ori %lt3A_985, %lt3A_989 : vector<416x128xi1>
    %abs3A_991 = math.absf %sub3A_658 : vector<416x128xf32>
    %lt3A_992 = arith.constant 3.500000e-01 : f32
    %lt3A_993 = vector.broadcast %lt3A_992 : f32 to vector<416x128xf32>
    %lt3A_994 = arith.cmpf olt, %abs3A_991, %lt3A_993 : vector<416x128xf32>
    %or3A_995 = arith.ori %or3A_990, %lt3A_994 : vector<416x128xi1>
    %abs3A_996 = math.absf %sub3A_653 : vector<416x128xf32>
    %lt3A_997 = arith.constant 3.500000e-01 : f32
    %lt3A_998 = vector.broadcast %lt3A_997 : f32 to vector<416x128xf32>
    %lt3A_999 = arith.cmpf olt, %abs3A_996, %lt3A_998 : vector<416x128xf32>
    %abs3A_1000 = math.absf %sub3A_656 : vector<416x128xf32>
    %lt3A_1001 = arith.constant 3.500000e-01 : f32
    %lt3A_1002 = vector.broadcast %lt3A_1001 : f32 to vector<416x128xf32>
    %lt3A_1003 = arith.cmpf olt, %abs3A_1000, %lt3A_1002 : vector<416x128xf32>
    %or3A_1004 = arith.ori %lt3A_999, %lt3A_1003 : vector<416x128xi1>
    %abs3A_1005 = math.absf %sub3A_659 : vector<416x128xf32>
    %lt3A_1006 = arith.constant 3.500000e-01 : f32
    %lt3A_1007 = vector.broadcast %lt3A_1006 : f32 to vector<416x128xf32>
    %lt3A_1008 = arith.cmpf olt, %abs3A_1005, %lt3A_1007 : vector<416x128xf32>
    %or3A_1009 = arith.ori %or3A_1004, %lt3A_1008 : vector<416x128xi1>
    %and3A_1010 = arith.andi %and3A_956, %and3A_967 : vector<416x128xi1>
    %and3A_1011 = arith.andi %or3A_981, %or3A_995 : vector<416x128xi1>
    %and3A_1012 = arith.andi %and3A_1011, %or3A_1009 : vector<416x128xi1>
    %or3A_1013 = arith.ori %and3A_1012, %gt3A_945 : vector<416x128xi1>
    %not3A_1014 = arith.constant dense<true> : vector<416x128xi1>
    %not3A_1015 = arith.xori %or3A_1013, %not3A_1014 : vector<416x128xi1>
    %and3A_1016 = arith.andi %and3A_1010, %not3A_1015 : vector<416x128xi1>
    %and3A_1017 = arith.andi %and3A_1016, %lt3A_33 : vector<416x128xi1>
    %jit3A_1018 = arith.constant 0x7F800000 : f32
    %broadcast_in_dim3A_1019 = vector.broadcast %jit3A_1018 : f32 to vector<416x128xf32>
    %select_n3A_1020 = arith.select %and3A_1017, %add3A_733, %broadcast_in_dim3A_1019 : vector<416x128xi1>, vector<416x128xf32>
    %convert_element_type3A_1021 = arith.extui %and3A_1017 : vector<416x128xi1> to vector<416x128xi32>
    %add3A_1022 = arith.addi %add3A_520, %convert_element_type3A_1021 : vector<416x128xi32>
    %jit3A_1023 = arith.constant 0.000000e+00 : f32
    %broadcast_in_dim3A_1024 = vector.broadcast %jit3A_1023 : f32 to vector<416x128xf32>
    %select_n3A_1025 = arith.select %and3A_1017, %add3A_733, %broadcast_in_dim3A_1024 : vector<416x128xi1>, vector<416x128xf32>
    %add3A_1026 = arith.addf %add3A_524, %select_n3A_1025 : vector<416x128xf32>
    %reduce_sum3A = vector.shape_cast %add3A_1022 : vector<416x128xi32> to vector<1x416x128xi32>
    %reduce_sum3A_1027 = arith.constant dense<0> : vector<1xi32>
    %reduce_sum3A_1028 = vector.multi_reduction <add>, %reduce_sum3A, %reduce_sum3A_1027 [1, 2] : vector<1x416x128xi32> to vector<1xi32>
    %reduce_sum3A_1029 = vector.shape_cast %reduce_sum3A_1028 : vector<1xi32> to vector<1x1x1xi32>
    %reduce_sum3A_1030 = vector.extract %reduce_sum3A_1029[0, 0, 0] : i32 from vector<1x1x1xi32>
    %reduce_sum3A_1031 = vector.shape_cast %add3A_1026 : vector<416x128xf32> to vector<1x416x128xf32>
    %reduce_sum3A_1032 = arith.constant dense<0.000000e+00> : vector<1xf32>
    %reduce_sum3A_1033 = vector.multi_reduction <add>, %reduce_sum3A_1031, %reduce_sum3A_1032 [1, 2] : vector<1x416x128xf32> to vector<1xf32>
    %reduce_sum3A_1034 = vector.shape_cast %reduce_sum3A_1033 : vector<1xf32> to vector<1x1x1xf32>
    %reduce_sum3A_1035 = vector.extract %reduce_sum3A_1034[0, 0, 0] : f32 from vector<1x1x1xf32>
    %swap3A = arith.constant 0 : index
    %swap3A_1036 = arith.constant 0 : index
    %swap3A_1037 = arith.constant 0 : index
    %swap3A_1038 = vector.load %arg5[%swap3A, %swap3A_1036, %swap3A_1037] : memref<2x416x128xf32, #tpu.memory_space<vmem>>, vector<1x416x128xf32>
    %swap3A_1039 = vector.shape_cast %swap3A_1038 : vector<1x416x128xf32> to vector<416x128xf32>
    %swap3A_1040 = vector.shape_cast %select_n3A_518 : vector<416x128xf32> to vector<1x416x128xf32>
    tpu.vector_store %arg5[%swap3A, %swap3A_1036, %swap3A_1037], %swap3A_1040 {strides = array<i32>} : memref<2x416x128xf32, #tpu.memory_space<vmem>>, vector<1x416x128xf32>,
    %swap3A_1041 = arith.constant 1 : index
    %swap3A_1042 = arith.constant 0 : index
    %swap3A_1043 = arith.constant 0 : index
    %swap3A_1044 = vector.load %arg5[%swap3A_1041, %swap3A_1042, %swap3A_1043] : memref<2x416x128xf32, #tpu.memory_space<vmem>>, vector<1x416x128xf32>
    %swap3A_1045 = vector.shape_cast %swap3A_1044 : vector<1x416x128xf32> to vector<416x128xf32>
    %swap3A_1046 = vector.shape_cast %select_n3A_1020 : vector<416x128xf32> to vector<1x416x128xf32>
    tpu.vector_store %arg5[%swap3A_1041, %swap3A_1042, %swap3A_1043], %swap3A_1046 {strides = array<i32>} : memref<2x416x128xf32, #tpu.memory_space<vmem>>, vector<1x416x128xf32>,
    %get3A_1047 = arith.constant 0 : index
    %get3A_1048 = arith.constant 0 : index
    %get3A_1049 = memref.load %arg3[%get3A_1047, %get3A_1048] : memref<1x2xf32, #tpu.memory_space<smem>>
    %convert_element_type3A_1050 = arith.fptosi %get3A_1049 : f32 to i32
    %add3A_1051 = arith.addi %convert_element_type3A_1050, %reduce_sum3A_1030 : i32
    %get3A_1052 = arith.constant 0 : index
    %get3A_1053 = arith.constant 1 : index
    %get3A_1054 = memref.load %arg3[%get3A_1052, %get3A_1053] : memref<1x2xf32, #tpu.memory_space<smem>>
    %add3A_1055 = arith.addf %get3A_1054, %reduce_sum3A_1035 : f32
    %jit3A_1056 = arith.constant 4 : i32
    %div3A_1057 = arith.divsi %add3A_1051, %jit3A_1056 : i32
    %sign3A = arith.constant 0 : i32
    %sign3A_1058 = arith.cmpi sgt, %add3A_1051, %sign3A : i32
    %sign3A_1059 = arith.extui %sign3A_1058 : i1 to i32
    %sign3A_1060 = arith.constant 0 : i32
    %sign3A_1061 = arith.cmpi slt, %add3A_1051, %sign3A_1060 : i32
    %sign3A_1062 = arith.extui %sign3A_1061 : i1 to i32
    %sign3A_1063 = arith.subi %sign3A_1059, %sign3A_1062 : i32
    %sign3A_1064 = arith.constant 0 : i32
    %sign3A_1065 = arith.cmpi sgt, %jit3A_1056, %sign3A_1064 : i32
    %sign3A_1066 = arith.extui %sign3A_1065 : i1 to i32
    %sign3A_1067 = arith.constant 0 : i32
    %sign3A_1068 = arith.cmpi slt, %jit3A_1056, %sign3A_1067 : i32
    %sign3A_1069 = arith.extui %sign3A_1068 : i1 to i32
    %sign3A_1070 = arith.subi %sign3A_1066, %sign3A_1069 : i32
    %ne3A = arith.cmpi ne, %sign3A_1063, %sign3A_1070 : i32
    %rem3A = arith.remsi %add3A_1051, %jit3A_1056 : i32
    %ne3A_1071 = arith.constant 0 : i32
    %ne3A_1072 = arith.cmpi ne, %rem3A, %ne3A_1071 : i32
    %and3A_1073 = arith.andi %ne3A, %ne3A_1072 : i1
    %sub3A_1074 = arith.constant 1 : i32
    %sub3A_1075 = arith.subi %div3A_1057, %sub3A_1074 : i32
    %select_n3A_1076 = arith.select %and3A_1073, %sub3A_1075, %div3A_1057 : i32
    %get3A_1077 = arith.constant 0 : index
    %get3A_1078 = arith.constant 0 : index
    %get3A_1079 = arith.constant 0 : index
    %get3A_1080 = vector.load %arg2[%get3A_1077, %get3A_1078, %get3A_1079] : memref<2x416x128xf32, #tpu.memory_space<vmem>>, vector<2x416x128xf32>
    %bitcast_convert_type3A = tpu.bitcast %get3A_1080 : vector<2x416x128xf32> -> vector<2x416x128xi32>
    %get3A_1081 = arith.constant 0 : index
    %get3A_1082 = arith.constant 0 : index
    %get3A_1083 = arith.constant 0 : index
    %get3A_1084 = vector.load %arg5[%get3A_1081, %get3A_1082, %get3A_1083] : memref<2x416x128xf32, #tpu.memory_space<vmem>>, vector<2x416x128xf32>
    %bitcast_convert_type3A_1085 = tpu.bitcast %get3A_1084 : vector<2x416x128xf32> -> vector<2x416x128xi32>
    %scan3A = arith.constant 0 : i32
    %scan3A_1086 = arith.constant 2139095040 : i32
    %scan3A_1087 = arith.constant 0 : i32
    %scan3A_1088 = arith.constant 16 : i32
    %scan3A_1089 = arith.addi %scan3A_1087, %scan3A_1088 : i32
    %scan3A_1090 = arith.constant 1 : i32
    %scan3A_1091:2 = scf.for %scan3A_1154 = %scan3A_1087 to %scan3A_1089 step %scan3A_1090 iter_args(%scan3A_1155 = %scan3A, %scan3A_1156 = %scan3A_1086) -> (i32, i32)  : i32 {
      %sub3A_1157 = arith.subi %scan3A_1156, %scan3A_1155 : i32
      %jit3A_1158 = arith.constant 2 : i32
      %div3A_1159 = arith.divsi %sub3A_1157, %jit3A_1158 : i32
      %sign3A_1160 = arith.constant 0 : i32
      %sign3A_1161 = arith.cmpi sgt, %sub3A_1157, %sign3A_1160 : i32
      %sign3A_1162 = arith.extui %sign3A_1161 : i1 to i32
      %sign3A_1163 = arith.constant 0 : i32
      %sign3A_1164 = arith.cmpi slt, %sub3A_1157, %sign3A_1163 : i32
      %sign3A_1165 = arith.extui %sign3A_1164 : i1 to i32
      %sign3A_1166 = arith.subi %sign3A_1162, %sign3A_1165 : i32
      %sign3A_1167 = arith.constant 0 : i32
      %sign3A_1168 = arith.cmpi sgt, %jit3A_1158, %sign3A_1167 : i32
      %sign3A_1169 = arith.extui %sign3A_1168 : i1 to i32
      %sign3A_1170 = arith.constant 0 : i32
      %sign3A_1171 = arith.cmpi slt, %jit3A_1158, %sign3A_1170 : i32
      %sign3A_1172 = arith.extui %sign3A_1171 : i1 to i32
      %sign3A_1173 = arith.subi %sign3A_1169, %sign3A_1172 : i32
      %ne3A_1174 = arith.cmpi ne, %sign3A_1166, %sign3A_1173 : i32
      %rem3A_1175 = arith.remsi %sub3A_1157, %jit3A_1158 : i32
      %ne3A_1176 = arith.constant 0 : i32
      %ne3A_1177 = arith.cmpi ne, %rem3A_1175, %ne3A_1176 : i32
      %and3A_1178 = arith.andi %ne3A_1174, %ne3A_1177 : i1
      %sub3A_1179 = arith.constant 1 : i32
      %sub3A_1180 = arith.subi %div3A_1159, %sub3A_1179 : i32
      %select_n3A_1181 = arith.select %and3A_1178, %sub3A_1180, %div3A_1159 : i32
      %add3A_1182 = arith.addi %scan3A_1155, %select_n3A_1181 : i32
      %le3A = vector.broadcast %add3A_1182 : i32 to vector<2x416x128xi32>
      %le3A_1183 = arith.cmpi sle, %bitcast_convert_type3A, %le3A : vector<2x416x128xi32>
      %convert_element_type3A_1184 = arith.extui %le3A_1183 : vector<2x416x128xi1> to vector<2x416x128xi32>
      %reduce_sum3A_1185 = vector.shape_cast %convert_element_type3A_1184 : vector<2x416x128xi32> to vector<1x2x416x128xi32>
      %reduce_sum3A_1186 = arith.constant dense<0> : vector<1xi32>
      %reduce_sum3A_1187 = vector.multi_reduction <add>, %reduce_sum3A_1185, %reduce_sum3A_1186 [1, 2, 3] : vector<1x2x416x128xi32> to vector<1xi32>
      %reduce_sum3A_1188 = vector.shape_cast %reduce_sum3A_1187 : vector<1xi32> to vector<1x1x1x1xi32>
      %reduce_sum3A_1189 = vector.extract %reduce_sum3A_1188[0, 0, 0, 0] : i32 from vector<1x1x1x1xi32>
      %le3A_1190 = vector.broadcast %add3A_1182 : i32 to vector<2x416x128xi32>
      %le3A_1191 = arith.cmpi sle, %bitcast_convert_type3A_1085, %le3A_1190 : vector<2x416x128xi32>
      %convert_element_type3A_1192 = arith.extui %le3A_1191 : vector<2x416x128xi1> to vector<2x416x128xi32>
      %reduce_sum3A_1193 = vector.shape_cast %convert_element_type3A_1192 : vector<2x416x128xi32> to vector<1x2x416x128xi32>
      %reduce_sum3A_1194 = arith.constant dense<0> : vector<1xi32>
      %reduce_sum3A_1195 = vector.multi_reduction <add>, %reduce_sum3A_1193, %reduce_sum3A_1194 [1, 2, 3] : vector<1x2x416x128xi32> to vector<1xi32>
      %reduce_sum3A_1196 = vector.shape_cast %reduce_sum3A_1195 : vector<1xi32> to vector<1x1x1x1xi32>
      %reduce_sum3A_1197 = vector.extract %reduce_sum3A_1196[0, 0, 0, 0] : i32 from vector<1x1x1x1xi32>
      %add3A_1198 = arith.addi %reduce_sum3A_1189, %reduce_sum3A_1197 : i32
      %ge3A = arith.cmpi sge, %add3A_1198, %select_n3A_1076 : i32
      %add3A_1199 = arith.constant 1 : i32
      %add3A_1200 = arith.addi %add3A_1182, %add3A_1199 : i32
      %select_n3A_1201 = arith.select %ge3A, %scan3A_1155, %add3A_1200 : i32
      %ge3A_1202 = arith.cmpi sge, %add3A_1198, %select_n3A_1076 : i32
      %select_n3A_1203 = arith.select %ge3A_1202, %add3A_1182, %scan3A_1156 : i32
      %lt3A_1204 = arith.cmpi slt, %scan3A_1155, %scan3A_1156 : i32
      %select_n3A_1205 = arith.select %lt3A_1204, %select_n3A_1201, %scan3A_1155 : i32
      %select_n3A_1206 = arith.select %lt3A_1204, %select_n3A_1203, %scan3A_1156 : i32
      scf.yield %select_n3A_1205, %select_n3A_1206 : i32, i32
    }
    %lt3A_1092 = vector.broadcast %scan3A_1091#0 : i32 to vector<2x416x128xi32>
    %lt3A_1093 = arith.cmpi slt, %bitcast_convert_type3A, %lt3A_1092 : vector<2x416x128xi32>
    %get3A_1094 = arith.constant 0 : index
    %get3A_1095 = arith.constant 0 : index
    %get3A_1096 = arith.constant 0 : index
    %get3A_1097 = vector.load %arg2[%get3A_1094, %get3A_1095, %get3A_1096] : memref<2x416x128xf32, #tpu.memory_space<vmem>>, vector<2x416x128xf32>
    %jit3A_1098 = arith.constant 0.000000e+00 : f32
    %broadcast_in_dim3A_1099 = vector.broadcast %jit3A_1098 : f32 to vector<2x416x128xf32>
    %select_n3A_1100 = arith.select %lt3A_1093, %get3A_1097, %broadcast_in_dim3A_1099 : vector<2x416x128xi1>, vector<2x416x128xf32>
    %reduce_sum3A_1101 = vector.shape_cast %select_n3A_1100 : vector<2x416x128xf32> to vector<1x2x416x128xf32>
    %reduce_sum3A_1102 = arith.constant dense<0.000000e+00> : vector<1xf32>
    %reduce_sum3A_1103 = vector.multi_reduction <add>, %reduce_sum3A_1101, %reduce_sum3A_1102 [1, 2, 3] : vector<1x2x416x128xf32> to vector<1xf32>
    %reduce_sum3A_1104 = vector.shape_cast %reduce_sum3A_1103 : vector<1xf32> to vector<1x1x1x1xf32>
    %reduce_sum3A_1105 = vector.extract %reduce_sum3A_1104[0, 0, 0, 0] : f32 from vector<1x1x1x1xf32>
    %lt3A_1106 = vector.broadcast %scan3A_1091#0 : i32 to vector<2x416x128xi32>
    %lt3A_1107 = arith.cmpi slt, %bitcast_convert_type3A_1085, %lt3A_1106 : vector<2x416x128xi32>
    %get3A_1108 = arith.constant 0 : index
    %get3A_1109 = arith.constant 0 : index
    %get3A_1110 = arith.constant 0 : index
    %get3A_1111 = vector.load %arg5[%get3A_1108, %get3A_1109, %get3A_1110] : memref<2x416x128xf32, #tpu.memory_space<vmem>>, vector<2x416x128xf32>
    %jit3A_1112 = arith.constant 0.000000e+00 : f32
    %broadcast_in_dim3A_1113 = vector.broadcast %jit3A_1112 : f32 to vector<2x416x128xf32>
    %select_n3A_1114 = arith.select %lt3A_1107, %get3A_1111, %broadcast_in_dim3A_1113 : vector<2x416x128xi1>, vector<2x416x128xf32>
    %reduce_sum3A_1115 = vector.shape_cast %select_n3A_1114 : vector<2x416x128xf32> to vector<1x2x416x128xf32>
    %reduce_sum3A_1116 = arith.constant dense<0.000000e+00> : vector<1xf32>
    %reduce_sum3A_1117 = vector.multi_reduction <add>, %reduce_sum3A_1115, %reduce_sum3A_1116 [1, 2, 3] : vector<1x2x416x128xf32> to vector<1xf32>
    %reduce_sum3A_1118 = vector.shape_cast %reduce_sum3A_1117 : vector<1xf32> to vector<1x1x1x1xf32>
    %reduce_sum3A_1119 = vector.extract %reduce_sum3A_1118[0, 0, 0, 0] : f32 from vector<1x1x1x1xf32>
    %add3A_1120 = arith.addf %reduce_sum3A_1105, %reduce_sum3A_1119 : f32
    %lt3A_1121 = vector.broadcast %scan3A_1091#0 : i32 to vector<2x416x128xi32>
    %lt3A_1122 = arith.cmpi slt, %bitcast_convert_type3A, %lt3A_1121 : vector<2x416x128xi32>
    %convert_element_type3A_1123 = arith.extui %lt3A_1122 : vector<2x416x128xi1> to vector<2x416x128xi32>
    %reduce_sum3A_1124 = vector.shape_cast %convert_element_type3A_1123 : vector<2x416x128xi32> to vector<1x2x416x128xi32>
    %reduce_sum3A_1125 = arith.constant dense<0> : vector<1xi32>
    %reduce_sum3A_1126 = vector.multi_reduction <add>, %reduce_sum3A_1124, %reduce_sum3A_1125 [1, 2, 3] : vector<1x2x416x128xi32> to vector<1xi32>
    %reduce_sum3A_1127 = vector.shape_cast %reduce_sum3A_1126 : vector<1xi32> to vector<1x1x1x1xi32>
    %reduce_sum3A_1128 = vector.extract %reduce_sum3A_1127[0, 0, 0, 0] : i32 from vector<1x1x1x1xi32>
    %lt3A_1129 = vector.broadcast %scan3A_1091#0 : i32 to vector<2x416x128xi32>
    %lt3A_1130 = arith.cmpi slt, %bitcast_convert_type3A_1085, %lt3A_1129 : vector<2x416x128xi32>
    %convert_element_type3A_1131 = arith.extui %lt3A_1130 : vector<2x416x128xi1> to vector<2x416x128xi32>
    %reduce_sum3A_1132 = vector.shape_cast %convert_element_type3A_1131 : vector<2x416x128xi32> to vector<1x2x416x128xi32>
    %reduce_sum3A_1133 = arith.constant dense<0> : vector<1xi32>
    %reduce_sum3A_1134 = vector.multi_reduction <add>, %reduce_sum3A_1132, %reduce_sum3A_1133 [1, 2, 3] : vector<1x2x416x128xi32> to vector<1xi32>
    %reduce_sum3A_1135 = vector.shape_cast %reduce_sum3A_1134 : vector<1xi32> to vector<1x1x1x1xi32>
    %reduce_sum3A_1136 = vector.extract %reduce_sum3A_1135[0, 0, 0, 0] : i32 from vector<1x1x1x1xi32>
    %add3A_1137 = arith.addi %reduce_sum3A_1128, %reduce_sum3A_1136 : i32
    %bitcast_convert_type3A_1138 = arith.bitcast %scan3A_1091#0 : i32 to f32
    %gt3A_1139 = arith.constant 0 : i32
    %gt3A_1140 = arith.cmpi sgt, %select_n3A_1076, %gt3A_1139 : i32
    %sub3A_1141 = arith.subi %select_n3A_1076, %add3A_1137 : i32
    %convert_element_type3A_1142 = arith.sitofp %sub3A_1141 : i32 to f32
    %mul3A_1143 = arith.mulf %convert_element_type3A_1142, %bitcast_convert_type3A_1138 : f32
    %add3A_1144 = arith.addf %add3A_1120, %mul3A_1143 : f32
    %jit3A_1145 = arith.constant 0.000000e+00 : f32
    %select_n3A_1146 = arith.select %gt3A_1140, %add3A_1144, %jit3A_1145 : f32
    %sub3A_1147 = arith.subf %add3A_1055, %select_n3A_1146 : f32
    %sub3A_1148 = arith.subi %add3A_1051, %select_n3A_1076 : i32
    %convert_element_type3A_1149 = arith.sitofp %sub3A_1148 : i32 to f32
    %div3A_1150 = arith.divf %sub3A_1147, %convert_element_type3A_1149 : f32
    %swap3A_1151 = arith.constant 0 : index
    %swap3A_1152 = arith.constant 0 : index
    %swap3A_1153 = memref.load %arg4[%swap3A_1151, %swap3A_1152] : memref<1x1xf32, #tpu.memory_space<smem>>
    memref.store %div3A_1150, %arg4[%swap3A_1151, %swap3A_1152] : memref<1x1xf32, #tpu.memory_space<smem>>
    return
  }
}

</mosaic_0001>

<sc_bundles>
// kernel: kernel.6.cloned.1.call-start
scs
__scs_entry_jumppad:
0x0: {  	(pc) =	sbr.rel $0x88, $3  }
0x1: {  	(tag) =	ssettag $0x0;
	lr =	simm.s32 $0x1  }
0x2: {  	[smem:$0x3F9F] =	sst lr;
	_ =	strace $0xD0000000  }
0x3: {  	_ = 	snop  }
0x4: {  	_ = 	snop  }
0x5: {  	_ = 	snop  }
0x6: {  	_ = 	snop  }
0x7: {  	_ = 	snop  }
__scs_overlays_trampoline_lowered:
0x8: {  	[smem:$0x3FAE] =	sst s0  }
0x9: {  	[smem:$0x3FAF] =	sst s1  }
0xa: {  	[smem:$0x3FB0] =	sst s2  }
0xb: {  	[smem:$0x3FB1] =	sst s3  }
0xc: {  	[smem:$0x3FB2] =	sst s4  }
0xd: {  	[smem:$0x3FB3] =	sst s5  }
0xe: {  	[smem:$0x3FB4] =	sst s6  }
0xf: {  	[smem:$0x3FB5] =	sst s7  }
0x10: {  	[smem:$0x3FB6] =	sst s8  }
0x11: {  	[smem:$0x3FB7] =	sst s9;
	s0 =	simm.s32 @!p0 $0x0  }
0x12: {  	s1 =	sld [smem:$0x3F9D];
	s0 =	simm.s32 @p0 $0x1  }
0x13: {  	[smem:$0x3FB8] =	sst s0;
	s0 =	simm.s32 @!p1 $0x0  }
0x14: {  	s2 =	sld [smem:$0x3F9C];
	s0 =	simm.s32 @p1 $0x1  }
0x15: {  	[smem:$0x3FB9] =	sst s0;
	s0 =	simm.s32 @!p2 $0x0  }
0x16: {  	s3 =	sld [smem:$0x3FDB];
	s0 =	simm.s32 @p2 $0x1  }
0x17: {  	s4 =	simm.s32 $0x1BF5;
	[smem:$0x3FBB] =	sst s0  }
0x18: {  	s0 =	sld [smem:$0x3F9E];
	_ =	swait.ge [sflag:s4], $0x0  }
0x19: {  	s7 =	sld [smem:$0x3F9F]  }
0x1a: {  	s8 =	sadd.s32 $0xFFFFE003, lr  }
0x1b: {  	s9 =	sadd.s32 $0xFFFFFEF7, lr;
	s5 =	simm.s32 $0xFFFFFFFF;
	p2 =	slt.u32 s8, $0xFFFFF086  }
0x1c: {  	p1 =	slt.u32 s9, $0xF7A;
	s5 =	simm.s32 @!p2 $0x0  }
0x1d: {  	s5 =	simm.s32 @p1 $0x1;
	p0 =	seq.s32 s7, s2  }
0x1e: {  	s7 =	smul.u32 @!p0 $0xF7A, s2;
	p2 =	seq.s32 @!p0 s5, $0x0  }
0x1f: {  	s9 =	smul.u32 $0xF7A, s1;
	s8 =	simm.s32 @!p0 $0x1BF5;
	p2 =	por !p2, p0  }
0x20: {  	[sflag:s8] =	ssyncset.s32 @!p0 $0xFFFFF086;
	s6 =	sadd.s32 @!p0 s3, s7;
	s7 =	simm.s32 @!p0 $0x108  }
0x21: {  	s3 =	sadd.s32 s3, s9;
	s6 =	sadd.s32 @!p0 $0x88, s6;
	s7 =	simm.s32 @p2 $0x1082  }
0x22: {  	[simem:s7], [sflag:s8] =	dma.local @!p0 [hbm:s6], $0xF7A  }
0x23: {  	s9 =	sor.u32 $0xD0000000, s2;
	s6 =	simm.s32 $0x108;
	_ =	swait.ge @!p0 [sflag:s8], $0x0  }
0x24: {  	s3 =	sadd.s32 $0x88, s3;
	s6 =	simm.s32 @!p1 $0x1082;
	[sflag:s4] =	ssyncset.s32 $0xFFFFF086  }
0x25: {  	[simem:s6], [sflag:s4] =	dma.local [hbm:s3], $0xF7A  }
0x26: {  	[smem:$0x3F9F] =	sst s1;
	(tag) =	ssettag s2;
	_ =	strace s9  }
0x27: {  	s1 =	sld [smem:$0x3FAF]  }
0x28: {  	s2 =	sld [smem:$0x3FB0]  }
0x29: {  	s4 =	sld [smem:$0x3FB2]  }
0x2a: {  	p0 =	seq.s32 s5, $0x0;
	s5 =	sld [smem:$0x3FB3]  }
0x2b: {  	s6 =	sld [smem:$0x3FB4]  }
0x2c: {  	s7 =	sld [smem:$0x3FB5]  }
0x2d: {  	s3 =	simm.s32 $0x108;
	s8 =	sld [smem:$0x3FB6]  }
0x2e: {  	s3 =	simm.s32 @!p0 $0x1082;
	s9 =	sld [smem:$0x3FB7]  }
0x2f: {  	lr =	sadd.s32 s0, s3;
	s0 =	sld [smem:$0x3FAE]  }
0x30: {  	s3 =	sld [smem:$0x3FB1]  }
0x31: {  	[smem:$0x3FBA] =	sst s10  }
0x32: {  	s10 =	sld [smem:$0x3FB8];
	_ =	sdelay $0x3  }
0x33: {  	p0 =	seq.s32 s10, $0x1;
	s10 =	sld [smem:$0x3FBA];
	_ =	sdelay $0x3  }
0x34: {  	[smem:$0x3FBA] =	sst s10  }
0x35: {  	s10 =	sld [smem:$0x3FB9];
	_ =	sdelay $0x3  }
0x36: {  	p1 =	seq.s32 s10, $0x1;
	s10 =	sld [smem:$0x3FBA];
	_ =	sdelay $0x3  }
0x37: {  	[smem:$0x3FBA] =	sst s10  }
0x38: {  	s10 =	sld [smem:$0x3FBB]  }
0x39: {  	_ = 	snop;
	(pc) =	sbr.ind lr, $3  }
0x3a: {  	_ = 	snop  }
0x3b: {  	_ = 	snop  }
0x3c: {  	p2 =	seq.s32 s10, $0x1;
	s10 =	sld [smem:$0x3FBA]  }
0x3d: {  	_ =	shalt  }
0x3e: {  	_ =	shalt  }
0x3f: {  	_ =	shalt  }
0x40: {  	_ =	shalt  }
0x41: {  	_ =	shalt  }
0x42: {  	_ =	shalt  }
0x43: {  	_ =	shalt  }
0x44: {  	_ =	shalt  }
0x45: {  	_ =	shalt  }
0x46: {  	_ =	shalt  }
0x47: {  	_ =	shalt  }
0x48: {  	_ =	shalt  }
0x49: {  	_ =	shalt  }
0x4a: {  	_ =	shalt  }
0x4b: {  	_ =	shalt  }
0x4c: {  	_ =	shalt  }
0x4d: {  	_ =	shalt  }
0x4e: {  	_ =	shalt  }
0x4f: {  	_ =	shalt  }
0x50: {  	_ =	shalt  }
0x51: {  	_ =	shalt  }
0x52: {  	_ =	shalt  }
0x53: {  	_ =	shalt  }
0x54: {  	_ =	shalt  }
0x55: {  	_ =	shalt  }
0x56: {  	_ =	shalt  }
0x57: {  	_ =	shalt  }
0x58: {  	_ =	shalt  }
0x59: {  	_ =	shalt  }
0x5a: {  	_ =	shalt  }
0x5b: {  	_ =	shalt  }
0x5c: {  	_ =	shalt  }
0x5d: {  	_ =	shalt  }
0x5e: {  	_ =	shalt  }
0x5f: {  	_ =	shalt  }
0x60: {  	_ =	shalt  }
0x61: {  	_ =	shalt  }
0x62: {  	_ =	shalt  }
0x63: {  	_ =	shalt  }
0x64: {  	_ =	shalt  }
0x65: {  	_ =	shalt  }
0x66: {  	_ =	shalt  }
0x67: {  	_ =	shalt  }
0x68: {  	_ =	shalt  }
0x69: {  	_ =	shalt  }
0x6a: {  	_ =	shalt  }
0x6b: {  	_ =	shalt  }
0x6c: {  	_ =	shalt  }
0x6d: {  	_ =	shalt  }
0x6e: {  	_ =	shalt  }
0x6f: {  	_ =	shalt  }
0x70: {  	_ =	shalt  }
0x71: {  	_ =	shalt  }
0x72: {  	_ =	shalt  }
0x73: {  	_ =	shalt  }
0x74: {  	_ =	shalt  }
0x75: {  	_ =	shalt  }
0x76: {  	_ =	shalt  }
0x77: {  	_ =	shalt  }
0x78: {  	_ =	shalt  }
0x79: {  	_ =	shalt  }
0x7a: {  	_ =	shalt  }
0x7b: {  	_ =	shalt  }
0x7c: {  	_ =	shalt  }
0x7d: {  	_ =	shalt  }
0x7e: {  	_ =	shalt  }
0x7f: {  	_ =	shalt  }
0x80: {  	_ =	shalt  }
0x81: {  	_ =	shalt  }
0x82: {  	_ =	shalt  }
0x83: {  	_ =	shalt  }
0x84: {  	_ =	shalt  }
0x85: {  	_ =	shalt  }
0x86: {  	_ =	shalt  }
0x87: {  	_ =	shalt  }
.Lfunc_end0:
.L_simem_size_0:
called_computation_lowered:
.L_overlay_start_0:
0x88: {  	s2 =	sld [smem:$0x3FD9]  }
0x89: {  	s3 =	sld [smem:$0x3FFE];
	_ =	sdelay $0x1  }
0x8a: {  	s1 =	srdreg.scid  }
0x8b: {  	s0 =	sand.u32 $0x1, s1  }
0x8c: {  	s16 =	sshll.u32 s0, $0xA;
	s2 =	sadd.s32 s3, s2  }
0x8d: {  	s2 =	sadd.s32 s2, s16  }
0x8e: {  	[smem:$0x3FC6] =	sst s2  }
0x8f: {  	_ = 	snop  }
0x90: {  	(tm) =	ssettm $0x1  }
0x91: {  	s17 =	sld [smem:$0x3FFB];
	_ =	sdelay $0x3  }
0x92: {  	_ =	strace s17  }
0x93: {  	s2 =	sld [smem:$0x3FFC];
	_ =	sdelay $0x3  }
0x94: {  	_ =	strace s2  }
0x95: {  	s2 =	sld [smem:$0x3FFD];
	_ =	sdelay $0x3  }
0x96: {  	_ =	strace s2  }
0x97: {  	_ =	strace $0x8FFFFFFF  }
0x98: {  	s18 =	sld [smem:$0x3FDB];
	_ =	sdelay $0x1  }
0x99: {  	s19 =	simm.s32 $_scs_section_size  }
0x9a: {  	s4 =	simm.s32 $_size__tile_overlayer_lowered;
	s5 =	simm.s32 $_tile_overlayer_lowered  }
0x9b: {  	s22 =	simm.s32 $0x1BFF;
	s21 =	sshll.u32 s5, $0x1;
	s2 =	sadd.s32 s19, s18  }
0x9c: {  	s6 =	simm.s32 $0x0;
	s20 =	sshll.u32 s4, $0x1;
	s4 =	sadd.s32 s21, s2  }
0x9d: {  	[timem:s6], [sflag:s22] =	dma.local [hbm:s4], s20  }
0x9e: {  	_ =	swait.ge [sflag:s22], s20  }
0x9f: {  	s3 =	ssub.s32 $0x0, s20;
	[sflag:s22] =	ssyncset.done $0x0  }
0xa0: {  	[sflag:s22] =	ssyncadd.s32 s3;
	_ =	sdelay $0x1  }
0xa1: {  	s23 =	simm.s32 $0x1B8B  }
0xa2: {  	_ =	swait.ge [sflag:s23], $0x1  }
0xa3: {  	[sflag:s23] =	ssyncset.done $0x0  }
0xa4: {  	s25 =	simm.s32 $0x1B8E;
	s24 =	sld [smem:$0x3FFE];
	[sflag:s23] =	ssyncadd.s32 $0xFFFFFFFF  }
0xa5: {  	s26 =	simm.s32 $execute0_lowered;
	[smem:$0x3FD2] =	sst s25  }
0xa6: {  	s4 =	sshll.u32 s26, $0x1;
	_ =	strace $0x80000046;
	[dreg:$0x1] =	wrdreg $0xFFFFFFFF  }
0xa7: {  	s28 =	simm.s32 $_size_execute0_lowered;
	s2 =	sadd.s32 s2, s4;
	[dreg:$0x0] =	wrdreg $0x0  }
0xa8: {  	s4 =	sshll.u32 s28, $0x1;
	[dreg:$0x2] =	wrdreg s2  }
0xa9: {  	[dreg:$0x3] =	wrdreg s4  }
0xaa: {  	[dreg:$0x4] =	wrdreg $0xC0  }
0xab: {  	_ =	task [dreg:s6], $0x5FFFF  }
0xac: {  	[dreg:$0x1] =	wrdreg $0xFFFFFFFF  }
0xad: {  	[dreg:$0x0] =	wrdreg $0x60  }
0xae: {  	[dreg:$0x2] =	wrdreg s24  }
0xaf: {  	[dreg:$0x3] =	wrdreg $0x9  }
0xb0: {  	_ =	task.clear_ibuf [dreg:s6], $0x4FFFF;
	_ =	strace $0x90000046  }
0xb1: {  	s29 =	simm.s32 $0x9;
	_ =	strace $0x80000048  }
0xb2: {  	_ =	swait.ge [sflag:s29], $0x1  }
0xb3: {  	[sflag:s29] =	ssyncadd.s32 $0xFFFFFFFF  }
0xb4: {  	_ =	strace $0x90000048  }
0xb5: {  	_ =	sfence  }
0xb6: {  	s30 =	sld [smem:$0x0];
	_ =	sdelay $0x2  }
0xb7: {  	s31 =	sshll.u32 s1, $0xD;
	s1 =	sshrl.u32 s1, $0x2  }
0xb8: {  	s3 =	sand.u32 $0x4000, s31;
	s1 =	sadd.s32 s1, s30  }
0xb9: {  	s0 =	sor.u32 s3, s0;
	s1 =	sshll.u32 s1, $0x11  }
0xba: {  	s0 =	sor.u32 s1, s0  }
0xbb: {  	s0 =	sadd.s32 $0x8F2B, s0  }
0xbc: {  	[sflag:s0] =	ssyncadd.remote.s32 $0x1  }
0xbd: {  	_ =	sfence.sel $0xFFFF  }
0xbe: {  	[dreg:$0x0] =	wrdreg $0xFFFFFFFF;
	(pc) =	sbr.abs _section_cstart, $3  }
0xbf: {  	[dreg:$0x1] =	wrdreg $0xFFFFFFFF  }
0xc0: {  	_ =	task.clear_ibuf [dreg:s6], $0x2FFFF;
	_ =	strace $0x9FFFFFFF  }
0xc1: {  	(tm) =	ssettm $0x7FFFFFFF  }
tec
execute0_lowered:
.L_overlay_start_1:
0x0: {  	(tag) =	ssettag $0x1  }
0x1: {  	s10 =	rddreg [dreg:$0x0]  }
0x2: {  	s0 =	rddreg [dreg:$0x1];
	s1 =	stileid.u32  }
0x3: {  	s2 =	simm.s32 $0x0;
	s4 =	srdreg.scid;
	s11 =	simm.s32 $0x1200  }
0x4: {  	s3 =	sshll.u32 s1, $0x1D;
	s7 =	sand.u32 $0x1, s4;
	s28 =	sshll.u32 s1, $0x1  }
0x5: {  	[smem:$0x7FF] =	sst s2;
	s6 =	sshrl.u32 s1, $0x2;
	p0 =	slt.u32 s1, $0x8  }
0x6: {  	s3 =	sshra.s32 s3, $0x1F;
	s4 =	sor.u32 s7, s28;
	_ =	strace $0x80000047  }
0x7: {  	s8 =	smul.u32 $0x27000, s6;
	s6 =	simm.s32 $0x400;
	s11 =	simm.s32 @!p0 $0x21200  }
0x8: {  	s13 =	ssub.s32 $0x2, s7;
	s3 =	sand.u32 $0x4E00, s3;
	s5 =	sshll.u32 s4, $0x4  }
0x9: {  	s4 =	sshll.u32 s4, $0x7;
	s3 =	sadd.s32 s3, s10;
	s5 =	sand.u32 $0x70, s5  }
0xa: {  	s30 =	sshrl.u32 s13, $0x1;
	s9 =	sand.u32 $0x380, s4;
	s3 =	sadd.s32 s5, s3  }
0xb: {  	s4 =	simm.s32 $0x80;
	s5 =	simm.s32 $0x2;
	s3 =	sadd.s32 $0x41200, s3  }
0xc: {  	[tilespmem:s2], [sflag:$0x2] =	stream.strided.gather [hbm4b:s3+s4], $0x4E00, s6, s4, $0x38;
	[tilespmem:$0x9C00] =	vst v63  }
0xd: {  	s7 =	sadd.s32 s11, s10;
	s31 =	ssub.s32 s13, s30;
	_ =	swait.ge [sflag:s5], $0x4E00  }
0xe: {  	s12 =	sor.u32 s8, s9;
	s8 =	simm.s32 $0x4E00;
	[sflag:s5] =	ssyncset.done $0x0  }
0xf: {  	s9 =	simm.s32 $0x1;
	s11 =	smax.u32 s31, $0x1;
	[sflag:s5] =	ssyncadd.s32 $0xFFFFB200  }
0x10: {  	[tilespmem:s8], [sflag:$0x1] =	stream.indirect.gather [hbm4b:s7+s8], $0x1, s2, s8, $0xb8;
	[tilespmem:$0x9C00] =	vst v63  }
0x11: {  	s29 =	sshrl.u32 s12, $0x3;
	p0 =	sne.s32 s11, $0x1;
	_ =	swait.ge [sflag:s9], $0x4E00  }
.Ltmp0:
0x12: {  	s10 =	sadd.s32 s29, s10;
	[sflag:s9] =	ssyncset.done $0x0;
	(pc) =	sbr.rel @!p0 .LBB2_2-.Ltmp0, $4  }
0x13: {  	s10 =	sadd.s32 $0x4AE00, s10;
	[sflag:s9] =	ssyncadd.s32 $0xFFFFB200  }
0x14: {  	[hbm4b:s10+s4] =	stream.strided.scatter [tilespmem:s8], [sflag:$0x2], $0x4E00, s6, s4, $0x38;
	[tilespmem:$0x9C00] =	vst v63  }
0x15: {  	_ =	swait.ge [sflag:s5], $0x4E00  }
0x16: {  	s11 =	sadd.s32 $0xFFFFFFFF, s11;
	[sflag:s5] =	ssyncset.done $0x0  }
.LBB2_1:
0x17: {  	p0 =	sne.s32 s11, $0x1;
	s11 =	sadd.s32 $0xFFFFFFFF, s11;
	[sflag:s5] =	ssyncadd.s32 $0xFFFFB200  }
0x18: {  	[tilespmem:s2], [sflag:$0x2] =	stream.strided.gather [hbm4b:s3+s4], $0x4E00, s6, s4, $0x38;
	[tilespmem:$0x9C00] =	vst v63  }
0x19: {  	_ =	swait.ge [sflag:s5], $0x4E00  }
0x1a: {  	[sflag:s5] =	ssyncset.done $0x0  }
0x1b: {  	[sflag:s5] =	ssyncadd.s32 $0xFFFFB200  }
0x1c: {  	[tilespmem:s8], [sflag:$0x1] =	stream.indirect.gather [hbm4b:s7+s8], $0x1, s2, s8, $0xb8;
	[tilespmem:$0x9C00] =	vst v63  }
0x1d: {  	_ =	swait.ge [sflag:s9], $0x4E00  }
.Ltmp1:
0x1e: {  	[sflag:s9] =	ssyncset.done $0x0;
	(pc) =	sbr.rel @p0 .LBB2_1-.Ltmp1, $4  }
0x1f: {  	[sflag:s9] =	ssyncadd.s32 $0xFFFFB200  }
0x20: {  	[hbm4b:s10+s4] =	stream.strided.scatter [tilespmem:s8], [sflag:$0x2], $0x4E00, s6, s4, $0x38;
	[tilespmem:$0x9C00] =	vst v63  }
0x21: {  	_ =	swait.ge [sflag:s5], $0x4E00  }
0x22: {  	[sflag:s5] =	ssyncset.done $0x0  }
.LBB2_2:
0x23: {  	[sflag:s5] =	ssyncadd.s32 $0xFFFFB200  }
0x24: {  	_ =	sfence.sel $0x180000  }
0x25: {  	[bflag:$0x0] =	sbarrier.arrive $0xFFFF  }
0x26: {  	p0 =	sne.s32 s1, $0x0;
	_ =	strace $0x90000047  }
0x27: {  	s0 =	sadd.s32 @!p0 $0x100000, s0;
	[bflag:$0x2] =	sbarrier.arrive $0xFFFF  }
0x28: {  	[sflag:s0] =	ssyncadd.tile.s32 @!p0 $0x1;
	_ =	shalt  }
.Lfunc_end2:
_tile_overlayer_lowered:
.L_overlay_start_2:
0x29: {  	(tag) =	ssettag $0x2  }
0x2a: {  	s0 =	rddreg [dreg:$0x0];
	s2 =	stileid.u32  }
0x2b: {  	s1 =	rddreg [dreg:$0x1];
	p0 =	sne.s32 s2, $0x0  }
0x2c: {  	s3 =	rddreg [dreg:$0x2];
	[bflag:$0x3] =	sbarrier.arrive $0xFFFF;
	s2 =	simm.s32 @!p0 $0x1C02  }
0x2d: {  	[timem:s3], [sflag:s2] =	dma.local @!p0 [hbm:s0], s1  }
0x2e: {  	s0 =	simm.s32 @!p0 $0x2  }
0x2f: {  	_ =	swait.ge @!p0 [sflag:s0], s1  }
0x30: {  	s1 =	ssub.s32 @!p0 $0x0, s1;
	[sflag:s0] =	ssyncset.done @!p0 $0x0  }
0x31: {  	[sflag:s0] =	ssyncadd.s32 @!p0 s1  }
0x32: {  	[bflag:$0x3] =	sbarrier.arrive $0xFFFF  }
0x33: {  	_ =	shalt  }

// kernel: kernel.9.cloned.1.call-start
scs
__scs_entry_jumppad:
0x0: {  	(pc) =	sbr.rel $0x88, $3  }
0x1: {  	(tag) =	ssettag $0x0;
	lr =	simm.s32 $0x1  }
0x2: {  	[smem:$0x3F9F] =	sst lr;
	_ =	strace $0xD0000000  }
0x3: {  	_ = 	snop  }
0x4: {  	_ = 	snop  }
0x5: {  	_ = 	snop  }
0x6: {  	_ = 	snop  }
0x7: {  	_ = 	snop  }
__scs_overlays_trampoline_lowered:
0x8: {  	[smem:$0x3FAE] =	sst s0  }
0x9: {  	[smem:$0x3FAF] =	sst s1  }
0xa: {  	[smem:$0x3FB0] =	sst s2  }
0xb: {  	[smem:$0x3FB1] =	sst s3  }
0xc: {  	[smem:$0x3FB2] =	sst s4  }
0xd: {  	[smem:$0x3FB3] =	sst s5  }
0xe: {  	[smem:$0x3FB4] =	sst s6  }
0xf: {  	[smem:$0x3FB5] =	sst s7  }
0x10: {  	[smem:$0x3FB6] =	sst s8  }
0x11: {  	[smem:$0x3FB7] =	sst s9;
	s0 =	simm.s32 @!p0 $0x0  }
0x12: {  	s1 =	sld [smem:$0x3F9D];
	s0 =	simm.s32 @p0 $0x1  }
0x13: {  	[smem:$0x3FB8] =	sst s0;
	s0 =	simm.s32 @!p1 $0x0  }
0x14: {  	s2 =	sld [smem:$0x3F9C];
	s0 =	simm.s32 @p1 $0x1  }
0x15: {  	[smem:$0x3FB9] =	sst s0;
	s0 =	simm.s32 @!p2 $0x0  }
0x16: {  	s3 =	sld [smem:$0x3FDB];
	s0 =	simm.s32 @p2 $0x1  }
0x17: {  	s4 =	simm.s32 $0x1BF5;
	[smem:$0x3FBB] =	sst s0  }
0x18: {  	s0 =	sld [smem:$0x3F9E];
	_ =	swait.ge [sflag:s4], $0x0  }
0x19: {  	s7 =	sld [smem:$0x3F9F]  }
0x1a: {  	s8 =	sadd.s32 $0xFFFFE003, lr  }
0x1b: {  	s9 =	sadd.s32 $0xFFFFFEF7, lr;
	s5 =	simm.s32 $0xFFFFFFFF;
	p2 =	slt.u32 s8, $0xFFFFF086  }
0x1c: {  	p1 =	slt.u32 s9, $0xF7A;
	s5 =	simm.s32 @!p2 $0x0  }
0x1d: {  	s5 =	simm.s32 @p1 $0x1;
	p0 =	seq.s32 s7, s2  }
0x1e: {  	s7 =	smul.u32 @!p0 $0xF7A, s2;
	p2 =	seq.s32 @!p0 s5, $0x0  }
0x1f: {  	s9 =	smul.u32 $0xF7A, s1;
	s8 =	simm.s32 @!p0 $0x1BF5;
	p2 =	por !p2, p0  }
0x20: {  	[sflag:s8] =	ssyncset.s32 @!p0 $0xFFFFF086;
	s6 =	sadd.s32 @!p0 s3, s7;
	s7 =	simm.s32 @!p0 $0x108  }
0x21: {  	s3 =	sadd.s32 s3, s9;
	s6 =	sadd.s32 @!p0 $0x88, s6;
	s7 =	simm.s32 @p2 $0x1082  }
0x22: {  	[simem:s7], [sflag:s8] =	dma.local @!p0 [hbm:s6], $0xF7A  }
0x23: {  	s9 =	sor.u32 $0xD0000000, s2;
	s6 =	simm.s32 $0x108;
	_ =	swait.ge @!p0 [sflag:s8], $0x0  }
0x24: {  	s3 =	sadd.s32 $0x88, s3;
	s6 =	simm.s32 @!p1 $0x1082;
	[sflag:s4] =	ssyncset.s32 $0xFFFFF086  }
0x25: {  	[simem:s6], [sflag:s4] =	dma.local [hbm:s3], $0xF7A  }
0x26: {  	[smem:$0x3F9F] =	sst s1;
	(tag) =	ssettag s2;
	_ =	strace s9  }
0x27: {  	s1 =	sld [smem:$0x3FAF]  }
0x28: {  	s2 =	sld [smem:$0x3FB0]  }
0x29: {  	s4 =	sld [smem:$0x3FB2]  }
0x2a: {  	p0 =	seq.s32 s5, $0x0;
	s5 =	sld [smem:$0x3FB3]  }
0x2b: {  	s6 =	sld [smem:$0x3FB4]  }
0x2c: {  	s7 =	sld [smem:$0x3FB5]  }
0x2d: {  	s3 =	simm.s32 $0x108;
	s8 =	sld [smem:$0x3FB6]  }
0x2e: {  	s3 =	simm.s32 @!p0 $0x1082;
	s9 =	sld [smem:$0x3FB7]  }
0x2f: {  	lr =	sadd.s32 s0, s3;
	s0 =	sld [smem:$0x3FAE]  }
0x30: {  	s3 =	sld [smem:$0x3FB1]  }
0x31: {  	[smem:$0x3FBA] =	sst s10  }
0x32: {  	s10 =	sld [smem:$0x3FB8];
	_ =	sdelay $0x3  }
0x33: {  	p0 =	seq.s32 s10, $0x1;
	s10 =	sld [smem:$0x3FBA];
	_ =	sdelay $0x3  }
0x34: {  	[smem:$0x3FBA] =	sst s10  }
0x35: {  	s10 =	sld [smem:$0x3FB9];
	_ =	sdelay $0x3  }
0x36: {  	p1 =	seq.s32 s10, $0x1;
	s10 =	sld [smem:$0x3FBA];
	_ =	sdelay $0x3  }
0x37: {  	[smem:$0x3FBA] =	sst s10  }
0x38: {  	s10 =	sld [smem:$0x3FBB]  }
0x39: {  	_ = 	snop;
	(pc) =	sbr.ind lr, $3  }
0x3a: {  	_ = 	snop  }
0x3b: {  	_ = 	snop  }
0x3c: {  	p2 =	seq.s32 s10, $0x1;
	s10 =	sld [smem:$0x3FBA]  }
0x3d: {  	_ =	shalt  }
0x3e: {  	_ =	shalt  }
0x3f: {  	_ =	shalt  }
0x40: {  	_ =	shalt  }
0x41: {  	_ =	shalt  }
0x42: {  	_ =	shalt  }
0x43: {  	_ =	shalt  }
0x44: {  	_ =	shalt  }
0x45: {  	_ =	shalt  }
0x46: {  	_ =	shalt  }
0x47: {  	_ =	shalt  }
0x48: {  	_ =	shalt  }
0x49: {  	_ =	shalt  }
0x4a: {  	_ =	shalt  }
0x4b: {  	_ =	shalt  }
0x4c: {  	_ =	shalt  }
0x4d: {  	_ =	shalt  }
0x4e: {  	_ =	shalt  }
0x4f: {  	_ =	shalt  }
0x50: {  	_ =	shalt  }
0x51: {  	_ =	shalt  }
0x52: {  	_ =	shalt  }
0x53: {  	_ =	shalt  }
0x54: {  	_ =	shalt  }
0x55: {  	_ =	shalt  }
0x56: {  	_ =	shalt  }
0x57: {  	_ =	shalt  }
0x58: {  	_ =	shalt  }
0x59: {  	_ =	shalt  }
0x5a: {  	_ =	shalt  }
0x5b: {  	_ =	shalt  }
0x5c: {  	_ =	shalt  }
0x5d: {  	_ =	shalt  }
0x5e: {  	_ =	shalt  }
0x5f: {  	_ =	shalt  }
0x60: {  	_ =	shalt  }
0x61: {  	_ =	shalt  }
0x62: {  	_ =	shalt  }
0x63: {  	_ =	shalt  }
0x64: {  	_ =	shalt  }
0x65: {  	_ =	shalt  }
0x66: {  	_ =	shalt  }
0x67: {  	_ =	shalt  }
0x68: {  	_ =	shalt  }
0x69: {  	_ =	shalt  }
0x6a: {  	_ =	shalt  }
0x6b: {  	_ =	shalt  }
0x6c: {  	_ =	shalt  }
0x6d: {  	_ =	shalt  }
0x6e: {  	_ =	shalt  }
0x6f: {  	_ =	shalt  }
0x70: {  	_ =	shalt  }
0x71: {  	_ =	shalt  }
0x72: {  	_ =	shalt  }
0x73: {  	_ =	shalt  }
0x74: {  	_ =	shalt  }
0x75: {  	_ =	shalt  }
0x76: {  	_ =	shalt  }
0x77: {  	_ =	shalt  }
0x78: {  	_ =	shalt  }
0x79: {  	_ =	shalt  }
0x7a: {  	_ =	shalt  }
0x7b: {  	_ =	shalt  }
0x7c: {  	_ =	shalt  }
0x7d: {  	_ =	shalt  }
0x7e: {  	_ =	shalt  }
0x7f: {  	_ =	shalt  }
0x80: {  	_ =	shalt  }
0x81: {  	_ =	shalt  }
0x82: {  	_ =	shalt  }
0x83: {  	_ =	shalt  }
0x84: {  	_ =	shalt  }
0x85: {  	_ =	shalt  }
0x86: {  	_ =	shalt  }
0x87: {  	_ =	shalt  }
.Lfunc_end0:
.L_simem_size_0:
called_computation.1_lowered:
.L_overlay_start_0:
0x88: {  	s2 =	sld [smem:$0x3FD9]  }
0x89: {  	s3 =	sld [smem:$0x3FFE];
	_ =	sdelay $0x1  }
0x8a: {  	s1 =	srdreg.scid  }
0x8b: {  	s0 =	sand.u32 $0x1, s1  }
0x8c: {  	s17 =	sshll.u32 s0, $0xA;
	s2 =	sadd.s32 s3, s2  }
0x8d: {  	s2 =	sadd.s32 s2, s17  }
0x8e: {  	[smem:$0x3FC6] =	sst s2  }
0x8f: {  	_ = 	snop  }
0x90: {  	(tm) =	ssettm $0x1  }
0x91: {  	s18 =	sld [smem:$0x3FFB];
	_ =	sdelay $0x3  }
0x92: {  	_ =	strace s18  }
0x93: {  	s2 =	sld [smem:$0x3FFC];
	_ =	sdelay $0x3  }
0x94: {  	_ =	strace s2  }
0x95: {  	s2 =	sld [smem:$0x3FFD];
	_ =	sdelay $0x3  }
0x96: {  	_ =	strace s2  }
0x97: {  	_ =	strace $0x8FFFFFFF  }
0x98: {  	s19 =	sld [smem:$0x3FDB];
	_ =	sdelay $0x1  }
0x99: {  	s20 =	simm.s32 $_scs_section_size  }
0x9a: {  	s4 =	simm.s32 $_size__tile_overlayer_lowered;
	s5 =	simm.s32 $_tile_overlayer_lowered  }
0x9b: {  	s6 =	simm.s32 $0x1BFF;
	s21 =	sshll.u32 s5, $0x1;
	s3 =	sadd.s32 s20, s19  }
0x9c: {  	s22 =	simm.s32 $0x0;
	s4 =	sshll.u32 s4, $0x1;
	s5 =	sadd.s32 s21, s3  }
0x9d: {  	[timem:s22], [sflag:s6] =	dma.local [hbm:s5], s4  }
0x9e: {  	_ =	swait.ge [sflag:s6], s4  }
0x9f: {  	s4 =	ssub.s32 $0x0, s4;
	[sflag:s6] =	ssyncset.done $0x0  }
0xa0: {  	[sflag:s6] =	ssyncadd.s32 s4;
	_ =	sdelay $0x1  }
0xa1: {  	s23 =	simm.s32 $0x1B8B  }
0xa2: {  	_ =	swait.ge [sflag:s23], $0x1  }
0xa3: {  	[sflag:s23] =	ssyncset.done $0x0  }
0xa4: {  	[sflag:s23] =	ssyncadd.s32 $0xFFFFFFFF  }
0xa5: {  	s4 =	sld [smem:$0x0]  }
0xa6: {  	s5 =	sand.u32 $0xFFFFFFFE, s1  }
0xa7: {  	p0 =	sne.s32 s1, s5  }
0xa8: {  	s5 =	sshll.u32 @p0 s5, $0xE  }
0xa9: {  	s5 =	sadd.s32 @p0 $0x11B8D, s5;
	s6 =	sshll.u32 @p0 s4, $0x11  }
0xaa: {  	s5 =	sor.u32 @p0 s6, s5  }
0xab: {  	[sflag:s5] =	ssyncadd.remote.s32 @p0 $0x1;
	_ =	sdelay $0x1  }
0xac: {  	s5 =	simm.s32 @p0 $0x1B8D  }
0xad: {  	_ =	swait.eq @p0 [sflag:s5], $0x1  }
0xae: {  	[sflag:s5] =	ssyncadd.s32 @p0 $0xFFFFFFFF  }
0xaf: {  	s6 =	sshll.u32 @!p0 s1, $0xE  }
0xb0: {  	s6 =	sor.u32 @!p0 $0x4000, s6;
	s5 =	simm.s32 @!p0 $0x1B8D  }
0xb1: {  	s4 =	sshll.u32 @!p0 s4, $0x11;
	s6 =	sadd.s32 @!p0 $0x11B8D, s6;
	_ =	swait.eq @!p0 [sflag:s5], $0x1  }
0xb2: {  	s4 =	sor.u32 @!p0 s4, s6;
	[sflag:s5] =	ssyncadd.s32 @!p0 $0xFFFFFFFF  }
0xb3: {  	s25 =	simm.s32 $0x1B8E;
	s24 =	sld [smem:$0x3FFE];
	[sflag:s4] =	ssyncadd.remote.s32 @!p0 $0x1  }
0xb4: {  	s26 =	simm.s32 $execute0_lowered;
	[smem:$0x3FD2] =	sst s25  }
0xb5: {  	s5 =	sshll.u32 s26, $0x1;
	_ =	strace $0x80000049;
	[dreg:$0x1] =	wrdreg $0xFFFFFFFF  }
0xb6: {  	s28 =	simm.s32 $_size_execute0_lowered;
	s3 =	sadd.s32 s3, s5;
	[dreg:$0x0] =	wrdreg $0x0  }
0xb7: {  	s5 =	sshll.u32 s28, $0x1;
	[dreg:$0x2] =	wrdreg s3  }
0xb8: {  	[dreg:$0x3] =	wrdreg s5  }
0xb9: {  	[dreg:$0x4] =	wrdreg $0xC0  }
0xba: {  	_ =	task [dreg:s22], $0x5FFFF  }
0xbb: {  	[dreg:$0x1] =	wrdreg $0xFFFFFFFF  }
0xbc: {  	[dreg:$0x0] =	wrdreg $0x60  }
0xbd: {  	[dreg:$0x2] =	wrdreg s24  }
0xbe: {  	[dreg:$0x3] =	wrdreg $0xA  }
0xbf: {  	_ =	task.clear_ibuf [dreg:s22], $0x4FFFF;
	_ =	strace $0x90000049  }
0xc0: {  	s29 =	simm.s32 $0xA;
	_ =	strace $0x8000004B  }
0xc1: {  	_ =	swait.ge [sflag:s29], $0x1  }
0xc2: {  	[sflag:s29] =	ssyncadd.s32 $0xFFFFFFFF  }
0xc3: {  	_ =	strace $0x9000004B  }
0xc4: {  	_ =	sfence  }
0xc5: {  	s30 =	sld [smem:$0x0];
	_ =	sdelay $0x2  }
0xc6: {  	s31 =	sshll.u32 s1, $0xD;
	s1 =	sshrl.u32 s1, $0x2  }
0xc7: {  	s4 =	sand.u32 $0x4000, s31;
	s1 =	sadd.s32 s1, s30  }
0xc8: {  	s0 =	sor.u32 s4, s0;
	s1 =	sshll.u32 s1, $0x11  }
0xc9: {  	s0 =	sor.u32 s1, s0  }
0xca: {  	s0 =	sadd.s32 $0x8F2B, s0  }
0xcb: {  	[sflag:s0] =	ssyncadd.remote.s32 $0x1  }
0xcc: {  	_ =	sfence.sel $0xFFFF  }
0xcd: {  	[dreg:$0x0] =	wrdreg $0xFFFFFFFF;
	(pc) =	sbr.abs _section_cstart, $3  }
0xce: {  	[dreg:$0x1] =	wrdreg $0xFFFFFFFF  }
0xcf: {  	_ =	task.clear_ibuf [dreg:s22], $0x2FFFF;
	_ =	strace $0x9FFFFFFF  }
0xd0: {  	(tm) =	ssettm $0x7FFFFFFF  }
0xd1: {  	_ =	shalt  }
tec
execute0_lowered:
.L_overlay_start_1:
0x0: {  	(tag) =	ssettag $0x1  }
0x1: {  	s10 =	rddreg [dreg:$0x0]  }
0x2: {  	s0 =	rddreg [dreg:$0x1];
	s1 =	stileid.u32  }
0x3: {  	s2 =	simm.s32 $0x0;
	s4 =	srdreg.scid;
	s11 =	simm.s32 $0x1200  }
0x4: {  	s3 =	sshll.u32 s1, $0x1D;
	s7 =	sand.u32 $0x1, s4;
	s28 =	sshll.u32 s1, $0x1  }
0x5: {  	[smem:$0x7FF] =	sst s2;
	s6 =	sshrl.u32 s1, $0x2;
	p0 =	slt.u32 s1, $0x8  }
0x6: {  	s3 =	sshra.s32 s3, $0x1F;
	s4 =	sor.u32 s7, s28;
	_ =	strace $0x8000004A  }
0x7: {  	s8 =	smul.u32 $0x27000, s6;
	s6 =	simm.s32 $0x400;
	s11 =	simm.s32 @!p0 $0x21200  }
0x8: {  	s13 =	ssub.s32 $0x2, s7;
	s3 =	sand.u32 $0x4E00, s3;
	s5 =	sshll.u32 s4, $0x4  }
0x9: {  	s4 =	sshll.u32 s4, $0x7;
	s3 =	sadd.s32 s3, s10;
	s5 =	sand.u32 $0x70, s5  }
0xa: {  	s30 =	sshrl.u32 s13, $0x1;
	s9 =	sand.u32 $0x380, s4;
	s3 =	sadd.s32 s5, s3  }
0xb: {  	s4 =	simm.s32 $0x80;
	s5 =	simm.s32 $0x2;
	s3 =	sadd.s32 $0x5E600, s3  }
0xc: {  	[tilespmem:s2], [sflag:$0x2] =	stream.strided.gather [hbm4b:s3+s4], $0x4E00, s6, s4, $0x38;
	[tilespmem:$0x9C00] =	vst v63  }
0xd: {  	s7 =	sadd.s32 s11, s10;
	s31 =	ssub.s32 s13, s30;
	_ =	swait.ge [sflag:s5], $0x4E00  }
0xe: {  	s12 =	sor.u32 s8, s9;
	s8 =	simm.s32 $0x4E00;
	[sflag:s5] =	ssyncset.done $0x0  }
0xf: {  	s9 =	simm.s32 $0x1;
	s11 =	smax.u32 s31, $0x1;
	[sflag:s5] =	ssyncadd.s32 $0xFFFFB200  }
0x10: {  	[tilespmem:s8], [sflag:$0x1] =	stream.indirect.gather [hbm4b:s7+s8], $0x1, s2, s8, $0xb8;
	[tilespmem:$0x9C00] =	vst v63  }
0x11: {  	s29 =	sshrl.u32 s12, $0x3;
	p0 =	sne.s32 s11, $0x1;
	_ =	swait.ge [sflag:s9], $0x4E00  }
.Ltmp0:
0x12: {  	s10 =	sadd.s32 s29, s10;
	[sflag:s9] =	ssyncset.done $0x0;
	(pc) =	sbr.rel @!p0 .LBB2_2-.Ltmp0, $4  }
0x13: {  	s10 =	sadd.s32 $0x68200, s10;
	[sflag:s9] =	ssyncadd.s32 $0xFFFFB200  }
0x14: {  	[hbm4b:s10+s4] =	stream.strided.scatter [tilespmem:s8], [sflag:$0x2], $0x4E00, s6, s4, $0x38;
	[tilespmem:$0x9C00] =	vst v63  }
0x15: {  	_ =	swait.ge [sflag:s5], $0x4E00  }
0x16: {  	s11 =	sadd.s32 $0xFFFFFFFF, s11;
	[sflag:s5] =	ssyncset.done $0x0  }
.LBB2_1:
0x17: {  	p0 =	sne.s32 s11, $0x1;
	s11 =	sadd.s32 $0xFFFFFFFF, s11;
	[sflag:s5] =	ssyncadd.s32 $0xFFFFB200  }
0x18: {  	[tilespmem:s2], [sflag:$0x2] =	stream.strided.gather [hbm4b:s3+s4], $0x4E00, s6, s4, $0x38;
	[tilespmem:$0x9C00] =	vst v63  }
0x19: {  	_ =	swait.ge [sflag:s5], $0x4E00  }
0x1a: {  	[sflag:s5] =	ssyncset.done $0x0  }
0x1b: {  	[sflag:s5] =	ssyncadd.s32 $0xFFFFB200  }
0x1c: {  	[tilespmem:s8], [sflag:$0x1] =	stream.indirect.gather [hbm4b:s7+s8], $0x1, s2, s8, $0xb8;
	[tilespmem:$0x9C00] =	vst v63  }
0x1d: {  	_ =	swait.ge [sflag:s9], $0x4E00  }
.Ltmp1:
0x1e: {  	[sflag:s9] =	ssyncset.done $0x0;
	(pc) =	sbr.rel @p0 .LBB2_1-.Ltmp1, $4  }
0x1f: {  	[sflag:s9] =	ssyncadd.s32 $0xFFFFB200  }
0x20: {  	[hbm4b:s10+s4] =	stream.strided.scatter [tilespmem:s8], [sflag:$0x2], $0x4E00, s6, s4, $0x38;
	[tilespmem:$0x9C00] =	vst v63  }
0x21: {  	_ =	swait.ge [sflag:s5], $0x4E00  }
0x22: {  	[sflag:s5] =	ssyncset.done $0x0  }
.LBB2_2:
0x23: {  	[sflag:s5] =	ssyncadd.s32 $0xFFFFB200  }
0x24: {  	_ =	sfence.sel $0x180000  }
0x25: {  	[bflag:$0x0] =	sbarrier.arrive $0xFFFF  }
0x26: {  	p0 =	sne.s32 s1, $0x0;
	_ =	strace $0x9000004A  }
0x27: {  	s0 =	sadd.s32 @!p0 $0x100000, s0;
	[bflag:$0x2] =	sbarrier.arrive $0xFFFF  }
0x28: {  	[sflag:s0] =	ssyncadd.tile.s32 @!p0 $0x1;
	_ =	shalt  }
.Lfunc_end2:
_tile_overlayer_lowered:
.L_overlay_start_2:
0x29: {  	(tag) =	ssettag $0x2  }
0x2a: {  	s0 =	rddreg [dreg:$0x0];
	s2 =	stileid.u32  }
0x2b: {  	s1 =	rddreg [dreg:$0x1];
	p0 =	sne.s32 s2, $0x0  }
0x2c: {  	s3 =	rddreg [dreg:$0x2];
	[bflag:$0x3] =	sbarrier.arrive $0xFFFF;
	s2 =	simm.s32 @!p0 $0x1C02  }
0x2d: {  	[timem:s3], [sflag:s2] =	dma.local @!p0 [hbm:s0], s1  }
0x2e: {  	s0 =	simm.s32 @!p0 $0x2  }
0x2f: {  	_ =	swait.ge @!p0 [sflag:s0], s1  }
0x30: {  	s1 =	ssub.s32 @!p0 $0x0, s1;
	[sflag:s0] =	ssyncset.done @!p0 $0x0  }
0x31: {  	[sflag:s0] =	ssyncadd.s32 @!p0 s1  }
0x32: {  	[bflag:$0x3] =	sbarrier.arrive $0xFFFF  }
0x33: {  	_ =	shalt  }

</sc_bundles>
